<compile_context>
chip_gen: v7x
topology: tpu7x:2x2x1
jax: 0.10.2.dev20260603
libtpu: 0.0.44.dev20260713+nightly
codegen_flags: <defaults>
</compile_context>

<pallas_src>
import functools

import jax
import jax.numpy as jnp
from jax import lax
from jax.experimental import pallas as pl
from jax.experimental.pallas import tpu as pltpu
from jax.experimental.pallas import tpu_sc as plsc

N = 10000
E = 320000
H = 128
G = 64
L = 3

NC = 2
NS = 16
NW = NC * NS
EDGES_PER_TILE = E // NW
CHUNK = 80
NCHUNKS = EDGES_PER_TILE // CHUNK
NBUF = 2
ROWS_PER_SUB = 632
N_PAD = NS * ROWS_PER_SUB
ZITER = ROWS_PER_SUB // CHUNK
ZREM = ROWS_PER_SUB - ZITER * CHUNK

BLK = 1000
NBLK = N // BLK


def _sc_agg(h, src, dst):
    mesh = plsc.VectorSubcoreMesh(core_axis_name="c", subcore_axis_name="s")

    @functools.partial(
        pl.kernel,
        mesh=mesh,
        out_type=jax.ShapeDtypeStruct((NC, N_PAD, H), jnp.float32),
        scratch_types=[
            pltpu.VMEM((EDGES_PER_TILE,), jnp.int32),
            pltpu.VMEM((EDGES_PER_TILE,), jnp.int32),
            pltpu.VMEM((CHUNK, H), jnp.float32),
            pltpu.VMEM((CHUNK, H), jnp.float32),
            pltpu.VMEM_SHARED((N_PAD, H), jnp.float32),
            pltpu.SemaphoreType.DMA,
            pltpu.SemaphoreType.DMA,
            pltpu.SemaphoreType.DMA,
        ],
    )
    def k(h_hbm, src_hbm, dst_hbm, out_hbm, src_all, dst_all, r0, r1,
          acc, s0, s1, sem_idx):
        cid = lax.axis_index("c")
        sid = lax.axis_index("s")
        wid = sid * NC + cid
        row0 = sid * ROWS_PER_SUB
        pltpu.async_copy(src_hbm.at[wid], src_all, sem_idx)
        pltpu.async_copy(dst_hbm.at[wid], dst_all, sem_idx)

        @pl.loop(0, CHUNK)
        def _(r):
            @pl.loop(0, H // 16)
            def _(j):
                r0[r, pl.ds(j * 16, 16)] = jnp.zeros((16,), jnp.float32)

        @pl.loop(0, ZITER)
        def _(j):
            pltpu.sync_copy(r0, acc.at[pl.ds(row0 + j * CHUNK, CHUNK)])

        pltpu.sync_copy(r0.at[pl.ds(0, ZREM)],
                        acc.at[pl.ds(row0 + ZITER * CHUNK, ZREM)])

        pltpu.make_async_copy(src_hbm.at[wid], src_all, sem_idx).wait()
        pltpu.make_async_copy(dst_hbm.at[wid], dst_all, sem_idx).wait()

        bufs = ((r0, s0), (r1, s1))

        def gstart(c, b):
            pltpu.async_copy(h_hbm.at[src_all.at[pl.ds(c * CHUNK, CHUNK)]],
                             bufs[b][0], bufs[b][1])

        def gwait(c, b):
            pltpu.make_async_copy(
                h_hbm.at[src_all.at[pl.ds(c * CHUNK, CHUNK)]],
                bufs[b][0], bufs[b][1]).wait()

        def scat(c, b):
            pltpu.sync_copy(bufs[b][0],
                            acc.at[dst_all.at[pl.ds(c * CHUNK, CHUNK)]],
                            add=True)

        for b in range(NBUF):
            gstart(b, b)
        plsc.subcore_barrier()

        NLOOP = NCHUNKS // NBUF

        @pl.loop(0, NLOOP)
        def _(i):
            c0 = i * NBUF
            for b in range(NBUF):
                cc = c0 + b
                gwait(cc, b)
                scat(cc, b)
                nxt = cc + NBUF

                @pl.when(nxt < NCHUNKS)
                def _(nxt=nxt, b=b):
                    gstart(nxt, b)

        for b in range(NCHUNKS - NLOOP * NBUF):
            cc = NLOOP * NBUF + b
            gwait(cc, b)
            scat(cc, b)

        plsc.subcore_barrier()
        pltpu.sync_copy(acc.at[pl.ds(row0, ROWS_PER_SUB)],
                        out_hbm.at[cid, pl.ds(row0, ROWS_PER_SUB)])

    return k(h, src, dst)


def _stats_to_scale_shift(s_ref, g_ref, b_ref):
    mu = s_ref[0, :] * (1.0 / N)
    var = s_ref[1, :] * (1.0 / N) - mu * mu
    inv = lax.rsqrt(var + 1e-5)
    scale = inv * g_ref[0, :]
    shift = b_ref[0, :] - mu * scale
    return scale, shift


def _mlp(x, w1_ref, b1_ref, w2_ref, b2_ref):
    t = jnp.dot(x.astype(jnp.bfloat16),
                w1_ref[...].astype(jnp.bfloat16),
                preferred_element_type=jnp.float32)
    t = jnp.maximum(t + b1_ref[...], 0.0)
    t = jnp.dot(t.astype(jnp.bfloat16),
                w2_ref[...].astype(jnp.bfloat16),
                preferred_element_type=jnp.float32)
    t = t + b2_ref[...]
    return jnp.where(t > 0.0, t, jnp.exp(jnp.minimum(t, 0.0)) - 1.0)


def _emit_stats(i, m, s_ref):
    srow = jnp.sum(m, axis=0, keepdims=True)
    sqrow = jnp.sum(m * m, axis=0, keepdims=True)
    stats = jnp.concatenate([srow, sqrow, jnp.zeros((6, H), jnp.float32)],
                            axis=0)

    @pl.when(i == 0)
    def _():
        s_ref[...] = stats

    @pl.when(i != 0)
    def _():
        s_ref[...] += stats


def _tc_mlp0(x, agg, W1, b1, W2, b2):

    def body(x_ref, agg_ref, w1_ref, b1_ref, w2_ref, b2_ref, m_ref, s_ref):
        i = pl.program_id(0)
        xx = x_ref[...] + agg_ref[0] + agg_ref[1]
        m = _mlp(xx, w1_ref, b1_ref, w2_ref, b2_ref)
        m_ref[...] = m
        _emit_stats(i, m, s_ref)

    return pl.pallas_call(
        body,
        grid=(NBLK,),
        in_specs=[
            pl.BlockSpec((BLK, H), lambda i: (i, 0)),
            pl.BlockSpec((NC, BLK, H), lambda i: (0, i, 0)),
            pl.BlockSpec((H, H), lambda i: (0, 0)),
            pl.BlockSpec((1, H), lambda i: (0, 0)),
            pl.BlockSpec((H, H), lambda i: (0, 0)),
            pl.BlockSpec((1, H), lambda i: (0, 0)),
        ],
        out_specs=[
            pl.BlockSpec((BLK, H), lambda i: (i, 0)),
            pl.BlockSpec((8, H), lambda i: (0, 0)),
        ],
        out_shape=[
            jax.ShapeDtypeStruct((N, H), jnp.float32),
            jax.ShapeDtypeStruct((8, H), jnp.float32),
        ],
    )(x, agg, W1, b1.reshape(1, H), W2, b2.reshape(1, H))


def _tc_mlpN(m_prev, aggm, stats_prev, indeg, g_prev, b_prev,
             W1, b1, W2, b2):

    def body(m_ref, agg_ref, s_ref, d_ref, g_ref, bb_ref,
             w1_ref, b1_ref, w2_ref, b2_ref, m_out, s_out):
        i = pl.program_id(0)
        scale, shift = _stats_to_scale_shift(s_ref, g_ref, bb_ref)
        deg = d_ref[0, :, 0] + d_ref[1, :, 0]
        xx = (scale[None, :] * (m_ref[...] + agg_ref[0] + agg_ref[1])
              + (1.0 + deg)[:, None] * shift[None, :])
        m = _mlp(xx, w1_ref, b1_ref, w2_ref, b2_ref)
        m_out[...] = m
        _emit_stats(i, m, s_out)

    return pl.pallas_call(
        body,
        grid=(NBLK,),
        in_specs=[
            pl.BlockSpec((BLK, H), lambda i: (i, 0)),
            pl.BlockSpec((NC, BLK, H), lambda i: (0, i, 0)),
            pl.BlockSpec((8, H), lambda i: (0, 0)),
            pl.BlockSpec((NC, BLK, H), lambda i: (0, i, 0)),
            pl.BlockSpec((1, H), lambda i: (0, 0)),
            pl.BlockSpec((1, H), lambda i: (0, 0)),
            pl.BlockSpec((H, H), lambda i: (0, 0)),
            pl.BlockSpec((1, H), lambda i: (0, 0)),
            pl.BlockSpec((H, H), lambda i: (0, 0)),
            pl.BlockSpec((1, H), lambda i: (0, 0)),
        ],
        out_specs=[
            pl.BlockSpec((BLK, H), lambda i: (i, 0)),
            pl.BlockSpec((8, H), lambda i: (0, 0)),
        ],
        out_shape=[
            jax.ShapeDtypeStruct((N, H), jnp.float32),
            jax.ShapeDtypeStruct((8, H), jnp.float32),
        ],
    )(m_prev, aggm, stats_prev, indeg, g_prev.reshape(1, H),
      b_prev.reshape(1, H), W1, b1.reshape(1, H), W2, b2.reshape(1, H))


def _tc_norm_pool(m, stats, gamma, beta, batch3, xs_in, li):

    def body(m_ref, s_ref, g_ref, bb_ref, batch_ref, xs_ref, p_ref):
        i = pl.program_id(0)
        scale, shift = _stats_to_scale_shift(s_ref, g_ref, bb_ref)
        hh = m_ref[...] * scale[None, :] + shift[None, :]
        xs_ref[...] = hh
        bt = batch_ref[0, 0, :]
        onehot = (bt[:, None] == lax.broadcasted_iota(jnp.int32, (BLK, G), 1)
                  ).astype(jnp.float32)
        pool = lax.dot_general(onehot, hh, (((0,), (0,)), ((), ())),
                               preferred_element_type=jnp.float32)

        @pl.when(i == 0)
        def _():
            p_ref[...] = pool

        @pl.when(i != 0)
        def _():
            p_ref[...] += pool

    in_specs = [
        pl.BlockSpec((BLK, H), lambda i: (i, 0)),
        pl.BlockSpec((8, H), lambda i: (0, 0)),
        pl.BlockSpec((1, H), lambda i: (0, 0)),
        pl.BlockSpec((1, H), lambda i: (0, 0)),
        pl.BlockSpec((1, 1, BLK), lambda i: (i, 0, 0)),
    ]
    inputs = [m, stats, gamma.reshape(1, H), beta.reshape(1, H), batch3]
    aliases = {}
    if li > 0:
        in_specs.append(pl.BlockSpec((BLK, H), lambda i: (0, 0)))
        inputs.append(xs_in)
        aliases = {5: 0}

    return pl.pallas_call(
        body if li == 0 else (lambda m_ref, s_ref, g_ref, bb_ref, batch_ref,
                              xs_alias, xs_ref, p_ref:
                              body(m_ref, s_ref, g_ref, bb_ref, batch_ref,
                                   xs_ref, p_ref)),
        grid=(NBLK,),
        in_specs=in_specs,
        out_specs=[
            pl.BlockSpec((BLK, H), lambda i, li=li: (i, li)),
            pl.BlockSpec((G, H), lambda i: (0, 0)),
        ],
        out_shape=[
            jax.ShapeDtypeStruct((N, L * H), jnp.float32),
            jax.ShapeDtypeStruct((G, H), jnp.float32),
        ],
        input_output_aliases=aliases,
    )(*inputs)


def kernel(x, edge_index, batch,
           W1_0, b1_0, W2_0, b2_0, gamma_0, beta_0,
           W1_1, b1_1, W2_1, b2_1, gamma_1, beta_1,
           W1_2, b1_2, W2_2, b2_2, gamma_2, beta_2):
    src = edge_index[0].reshape(NW, EDGES_PER_TILE)
    dst = edge_index[1].reshape(NW, EDGES_PER_TILE)
    batch3 = batch.reshape(NBLK, 1, BLK)

    agg0 = _sc_agg(x, src, dst)
    m0, s0 = _tc_mlp0(x, agg0, W1_0, b1_0, W2_0, b2_0)
    indeg = _sc_agg(jnp.ones((N, H), jnp.float32), src, dst)

    agg1 = _sc_agg(m0, src, dst)
    xs, pool0 = _tc_norm_pool(m0, s0, gamma_0, beta_0, batch3, None, 0)
    m1, s1 = _tc_mlpN(m0, agg1, s0, indeg, gamma_0, beta_0,
                      W1_1, b1_1, W2_1, b2_1)

    agg2 = _sc_agg(m1, src, dst)
    xs, pool1 = _tc_norm_pool(m1, s1, gamma_1, beta_1, batch3, xs, 1)
    m2, s2 = _tc_mlpN(m1, agg2, s1, indeg, gamma_1, beta_1,
                      W1_2, b1_2, W2_2, b2_2)

    xs, pool2 = _tc_norm_pool(m2, s2, gamma_2, beta_2, batch3, xs, 2)

    return (jnp.concatenate([pool0, pool1, pool2], axis=1), xs)

# --- scband reference (transcript-rebuilt; emitter-appended) ---
"""Pipeline reference for scband-ginencoder-6640019439960 (READ-ONLY COPY).

The authoritative reference and input builder live on the scoring server;
editing this copy changes nothing except your own understanding.
"""

import jax, jax.numpy as jnp
import numpy as np

N = 10000
E = 320000
F_IN = 128
H = 128
L = 3
G = 64

def _lin_init(key, shape):
    lim = 1.0 / np.sqrt(shape[0])
    return jax.random.uniform(key, shape, minval=-lim, maxval=lim, dtype=jnp.float32)

def setup_inputs(seed: int = 0):
    key = jax.random.key(seed)
    ks = jax.random.split(key, 32)
    inp = {}
    inp["x"] = jax.random.normal(ks[0], (N, F_IN), dtype=jnp.float32)
    inp["edge_index"] = jax.random.randint(ks[1], (2, E), 0, N, dtype=jnp.int32)
    inp["batch"] = jnp.sort(jax.random.randint(ks[2], (N,), 0, G, dtype=jnp.int32))
    k = 3
    for i in range(L):
        fin = F_IN if i == 0 else H
        inp[f"W1_{i}"] = _lin_init(ks[k], (fin, H)); k += 1
        inp[f"b1_{i}"] = jnp.zeros((H,), dtype=jnp.float32)
        inp[f"W2_{i}"] = _lin_init(ks[k], (H, H)); k += 1
        inp[f"b2_{i}"] = jnp.zeros((H,), dtype=jnp.float32)
        inp[f"gamma_{i}"] = jnp.ones((H,), dtype=jnp.float32)
        inp[f"beta_{i}"] = jnp.zeros((H,), dtype=jnp.float32)
    return inp

def reference(x, edge_index, batch,
              W1_0, b1_0, W2_0, b2_0, gamma_0, beta_0,
              W1_1, b1_1, W2_1, b2_1, gamma_1, beta_1,
              W1_2, b1_2, W2_2, b2_2, gamma_2, beta_2):
    src = edge_index[0]
    dst = edge_index[1]
    layers = [(W1_0, b1_0, W2_0, b2_0, gamma_0, beta_0),
              (W1_1, b1_1, W2_1, b2_1, gamma_1, beta_1),
              (W1_2, b1_2, W2_2, b2_2, gamma_2, beta_2)]
    h = x
    xs = []
    for (W1, b1, W2, b2, g, b) in layers:
        # GINConv with eps=0: nn((1+eps)*x + sum_{j in N(i)} x_j)
        agg = jax.ops.segment_sum(h[src], dst, num_segments=N)
        m = h + agg
        m = jnp.maximum(jnp.dot(m, W1) + b1, 0.0)
        m = jnp.dot(m, W2) + b2
        # F.elu
        m = jax.nn.elu(m)
        # BatchNorm1d (training mode: batch statistics, biased var)
        mu = jnp.mean(m, axis=0)
        var = jnp.var(m, axis=0)
        h = (m - mu) / jnp.sqrt(var + 1e-5) * g + b
        xs.append(h)
    pools = [jax.ops.segment_sum(t, batch, num_segments=G) for t in xs]
    return (jnp.concatenate(pools, axis=1), jnp.concatenate(xs, axis=1))

if __name__ == "__main__":
    import jax
    _d = setup_inputs()
    print(jax.jit(kernel)(*tuple(_d.values())))

</pallas_src>

<mosaic_0001>
#map = affine_map<(d0, d1) -> (0, 0)>
#map1 = affine_map<(d0, d1) -> (0, 0, 0)>
module attributes {stable_mosaic.version = 14 : i64} {
  func.func @k(%arg0: i32, %arg1: i32, %arg2: memref<10000x128xf32, #tpu.memory_space<hbm>>, %arg3: memref<32x10000xi32, #tpu.memory_space<hbm>>, %arg4: memref<32x10000xi32, #tpu.memory_space<hbm>>, %arg5: memref<2x10112x128xf32, #tpu.memory_space<hbm>>, %arg6: memref<10000xi32, #tpu.memory_space<vmem>>, %arg7: memref<10000xi32, #tpu.memory_space<vmem>>, %arg8: memref<80x128xf32, #tpu.memory_space<vmem>>, %arg9: memref<80x128xf32, #tpu.memory_space<vmem>>, %arg10: memref<10112x128xf32, #tpu.memory_space<vmem_shared>>, %arg11: memref<!tpu.dma_semaphore, #tpu.memory_space<semaphore_mem>>, %arg12: memref<!tpu.dma_semaphore, #tpu.memory_space<semaphore_mem>>, %arg13: memref<!tpu.dma_semaphore, #tpu.memory_space<semaphore_mem>>) attributes {dimension_semantics = [#tpu.dimension_semantics<core_parallel>, #tpu.dimension_semantics<subcore_parallel>], iteration_bounds = array<i64: 2, 16>, scalar_prefetch = 0 : i64, scratch_operands = 8 : i64, tpu.core_type = #tpu.core_type<sc_vector_subcore>, window_params = [{transform_indices = #map}, {transform_indices = #map}, {transform_indices = #map}, {transform_indices = #map1}]} {
    %mul3A = arith.constant 2 : i32
    %mul3A_0 = arith.muli %arg1, %mul3A : i32
    %add3A = arith.addi %mul3A_0, %arg0 : i32
    %mul3A_1 = arith.constant 632 : i32
    %mul3A_2 = arith.muli %arg1, %mul3A_1 : i32
    %dma_start3A = arith.constant 0 : i32
    %dma_start3A_3 = tpu.memref_slice %arg3[%add3A, %dma_start3A] : memref<32x10000xi32, #tpu.memory_space<hbm>> -> memref<1x10000xi32, #tpu.memory_space<hbm>>
    %dma_start3A_4 = tpu.memref_squeeze %dma_start3A_3 : memref<1x10000xi32, #tpu.memory_space<hbm>> -> memref<10000xi32, #tpu.memory_space<hbm>>
    %dma_start3A_5 = arith.constant 0 : i32
    %dma_start3A_6 = tpu.memref_slice %arg3[%add3A, %dma_start3A_5] : memref<32x10000xi32, #tpu.memory_space<hbm>> -> memref<1x10000xi32, #tpu.memory_space<hbm>>
    %dma_start3A_7 = tpu.memref_squeeze %dma_start3A_6 : memref<1x10000xi32, #tpu.memory_space<hbm>> -> memref<10000xi32, #tpu.memory_space<hbm>>
    tpu.enqueue_dma source(%dma_start3A_7 : memref<10000xi32, #tpu.memory_space<hbm>>) target(%arg6 : memref<10000xi32, #tpu.memory_space<vmem>>) target_semaphore(%arg13 : memref<!tpu.dma_semaphore, #tpu.memory_space<semaphore_mem>>)
    %dma_start3A_8 = arith.constant 0 : i32
    %dma_start3A_9 = tpu.memref_slice %arg4[%add3A, %dma_start3A_8] : memref<32x10000xi32, #tpu.memory_space<hbm>> -> memref<1x10000xi32, #tpu.memory_space<hbm>>
    %dma_start3A_10 = tpu.memref_squeeze %dma_start3A_9 : memref<1x10000xi32, #tpu.memory_space<hbm>> -> memref<10000xi32, #tpu.memory_space<hbm>>
    %dma_start3A_11 = arith.constant 0 : i32
    %dma_start3A_12 = tpu.memref_slice %arg4[%add3A, %dma_start3A_11] : memref<32x10000xi32, #tpu.memory_space<hbm>> -> memref<1x10000xi32, #tpu.memory_space<hbm>>
    %dma_start3A_13 = tpu.memref_squeeze %dma_start3A_12 : memref<1x10000xi32, #tpu.memory_space<hbm>> -> memref<10000xi32, #tpu.memory_space<hbm>>
    tpu.enqueue_dma source(%dma_start3A_13 : memref<10000xi32, #tpu.memory_space<hbm>>) target(%arg7 : memref<10000xi32, #tpu.memory_space<vmem>>) target_semaphore(%arg13 : memref<!tpu.dma_semaphore, #tpu.memory_space<semaphore_mem>>)
    %scan3A = arith.constant 0 : i32
    %scan3A_14 = arith.constant 80 : i32
    %scan3A_15 = arith.addi %scan3A, %scan3A_14 : i32
    %scan3A_16 = arith.constant 1 : i32
    scf.for %scan3A_57 = %scan3A to %scan3A_15 step %scan3A_16  : i32 {
      %mul3A_58 = arith.constant 1 : i32
      %mul3A_59 = arith.muli %scan3A_57, %mul3A_58 : i32
      %add3A_60 = arith.constant 0 : i32
      %add3A_61 = arith.addi %add3A_60, %mul3A_59 : i32
      %scan3A_62 = arith.constant 0 : i32
      %scan3A_63 = arith.constant 8 : i32
      %scan3A_64 = arith.addi %scan3A_62, %scan3A_63 : i32
      %scan3A_65 = arith.constant 1 : i32
      scf.for %scan3A_67 = %scan3A_62 to %scan3A_64 step %scan3A_65  : i32 {
        %mul3A_68 = arith.constant 1 : i32
        %mul3A_69 = arith.muli %scan3A_67, %mul3A_68 : i32
        %add3A_70 = arith.constant 0 : i32
        %add3A_71 = arith.addi %add3A_70, %mul3A_69 : i32
        %broadcast_in_dim3A = arith.constant 0.000000e+00 : f32
        %broadcast_in_dim3A_72 = vector.broadcast %broadcast_in_dim3A : f32 to vector<16xf32>
        %mul3A_73 = arith.constant 16 : i32
        %mul3A_74 = arith.muli %add3A_71, %mul3A_73 : i32
        %swap3A = arith.index_cast %add3A_61 : i32 to index
        %swap3A_75 = arith.index_cast %mul3A_74 : i32 to index
        %swap3A_76 = tpu.vector_load %arg8[%swap3A, %swap3A_75] {strides = array<i32>} : memref<80x128xf32, #tpu.memory_space<vmem>>, vector<1x16xf32>,
        %swap3A_77 = vector.shape_cast %swap3A_76 : vector<1x16xf32> to vector<16xf32>
        %swap3A_78 = vector.shape_cast %broadcast_in_dim3A_72 : vector<16xf32> to vector<1x16xf32>
        tpu.vector_store %arg8[%swap3A, %swap3A_75], %swap3A_78 {strides = array<i32>} : memref<80x128xf32, #tpu.memory_space<vmem>>, vector<1x16xf32>,
      }
      %scan3A_66 = arith.constant 8 : i32
    }
    %scan3A_17 = arith.constant 80 : i32
    %scan3A_18 = arith.constant 0 : i32
    %scan3A_19 = arith.constant 7 : i32
    %scan3A_20 = arith.addi %scan3A_18, %scan3A_19 : i32
    %scan3A_21 = arith.constant 1 : i32
    scf.for %scan3A_57 = %scan3A_18 to %scan3A_20 step %scan3A_21  : i32 {
      %mul3A_58 = arith.constant 1 : i32
      %mul3A_59 = arith.muli %scan3A_57, %mul3A_58 : i32
      %add3A_60 = arith.constant 0 : i32
      %add3A_61 = arith.addi %add3A_60, %mul3A_59 : i32
      %mul3A_62 = arith.constant 80 : i32
      %mul3A_63 = arith.muli %add3A_61, %mul3A_62 : i32
      %add3A_64 = arith.addi %mul3A_2, %mul3A_63 : i32
      "tpu.region"() ({
        %run_scoped3A = tpu.sem_alloc : memref<!tpu.dma_semaphore, #tpu.memory_space<semaphore_mem>>
        %dma_start3A_65 = arith.constant 0 : i32
        %dma_start3A_66 = tpu.memref_slice %arg10[%add3A_64, %dma_start3A_65] : memref<10112x128xf32, #tpu.memory_space<vmem_shared>> -> memref<80x128xf32, #tpu.memory_space<vmem_shared>>
        %dma_start3A_67 = arith.constant 0 : i32
        %dma_start3A_68 = tpu.memref_slice %arg10[%add3A_64, %dma_start3A_67] : memref<10112x128xf32, #tpu.memory_space<vmem_shared>> -> memref<80x128xf32, #tpu.memory_space<vmem_shared>>
        tpu.enqueue_dma source(%arg8 : memref<80x128xf32, #tpu.memory_space<vmem>>) target(%dma_start3A_68 : memref<80x128xf32, #tpu.memory_space<vmem_shared>>) target_semaphore(%run_scoped3A : memref<!tpu.dma_semaphore, #tpu.memory_space<semaphore_mem>>)
        %dma_wait3A_69 = arith.constant 0 : i32
        %dma_wait3A_70 = tpu.memref_slice %arg10[%add3A_64, %dma_wait3A_69] : memref<10112x128xf32, #tpu.memory_space<vmem_shared>> -> memref<80x128xf32, #tpu.memory_space<vmem_shared>>
        %dma_wait3A_71 = arith.constant 0 : i32
        %dma_wait3A_72 = tpu.memref_slice %arg10[%add3A_64, %dma_wait3A_71] : memref<10112x128xf32, #tpu.memory_space<vmem_shared>> -> memref<80x128xf32, #tpu.memory_space<vmem_shared>>
        tpu.wait_dma2 semaphore(%run_scoped3A : memref<!tpu.dma_semaphore, #tpu.memory_space<semaphore_mem>>) src(%arg8 : memref<80x128xf32, #tpu.memory_space<vmem>>) dst(%dma_wait3A_72 : memref<80x128xf32, #tpu.memory_space<vmem_shared>>)
        tpu.yield
      }) : () -> ()
    }
    %scan3A_22 = arith.constant 7 : i32
    %add3A_23 = arith.constant 560 : i32
    %add3A_24 = arith.addi %mul3A_2, %add3A_23 : i32
    "tpu.region"() ({
      %run_scoped3A = tpu.sem_alloc : memref<!tpu.dma_semaphore, #tpu.memory_space<semaphore_mem>>
      %dma_start3A_57 = arith.constant 0 : i32
      %dma_start3A_58 = arith.constant 0 : i32
      %dma_start3A_59 = tpu.memref_slice %arg8[%dma_start3A_57, %dma_start3A_58] : memref<80x128xf32, #tpu.memory_space<vmem>> -> memref<72x128xf32, #tpu.memory_space<vmem>>
      %dma_start3A_60 = arith.constant 0 : i32
      %dma_start3A_61 = tpu.memref_slice %arg10[%add3A_24, %dma_start3A_60] : memref<10112x128xf32, #tpu.memory_space<vmem_shared>> -> memref<72x128xf32, #tpu.memory_space<vmem_shared>>
      %dma_start3A_62 = arith.constant 0 : i32
      %dma_start3A_63 = tpu.memref_slice %arg10[%add3A_24, %dma_start3A_62] : memref<10112x128xf32, #tpu.memory_space<vmem_shared>> -> memref<72x128xf32, #tpu.memory_space<vmem_shared>>
      %dma_start3A_64 = arith.constant 0 : i32
      %dma_start3A_65 = arith.constant 0 : i32
      %dma_start3A_66 = tpu.memref_slice %arg8[%dma_start3A_64, %dma_start3A_65] : memref<80x128xf32, #tpu.memory_space<vmem>> -> memref<72x128xf32, #tpu.memory_space<vmem>>
      tpu.enqueue_dma source(%dma_start3A_66 : memref<72x128xf32, #tpu.memory_space<vmem>>) target(%dma_start3A_63 : memref<72x128xf32, #tpu.memory_space<vmem_shared>>) target_semaphore(%run_scoped3A : memref<!tpu.dma_semaphore, #tpu.memory_space<semaphore_mem>>)
      %dma_wait3A_67 = arith.constant 0 : i32
      %dma_wait3A_68 = arith.constant 0 : i32
      %dma_wait3A_69 = tpu.memref_slice %arg8[%dma_wait3A_67, %dma_wait3A_68] : memref<80x128xf32, #tpu.memory_space<vmem>> -> memref<72x128xf32, #tpu.memory_space<vmem>>
      %dma_wait3A_70 = arith.constant 0 : i32
      %dma_wait3A_71 = tpu.memref_slice %arg10[%add3A_24, %dma_wait3A_70] : memref<10112x128xf32, #tpu.memory_space<vmem_shared>> -> memref<72x128xf32, #tpu.memory_space<vmem_shared>>
      %dma_wait3A_72 = arith.constant 0 : i32
      %dma_wait3A_73 = tpu.memref_slice %arg10[%add3A_24, %dma_wait3A_72] : memref<10112x128xf32, #tpu.memory_space<vmem_shared>> -> memref<72x128xf32, #tpu.memory_space<vmem_shared>>
      %dma_wait3A_74 = arith.constant 0 : i32
      %dma_wait3A_75 = arith.constant 0 : i32
      %dma_wait3A_76 = tpu.memref_slice %arg8[%dma_wait3A_74, %dma_wait3A_75] : memref<80x128xf32, #tpu.memory_space<vmem>> -> memref<72x128xf32, #tpu.memory_space<vmem>>
      tpu.wait_dma2 semaphore(%run_scoped3A : memref<!tpu.dma_semaphore, #tpu.memory_space<semaphore_mem>>) src(%dma_wait3A_76 : memref<72x128xf32, #tpu.memory_space<vmem>>) dst(%dma_wait3A_73 : memref<72x128xf32, #tpu.memory_space<vmem_shared>>)
      tpu.yield
    }) : () -> ()
    %dma_wait3A = arith.constant 0 : i32
    %dma_wait3A_25 = tpu.memref_slice %arg3[%add3A, %dma_wait3A] : memref<32x10000xi32, #tpu.memory_space<hbm>> -> memref<1x10000xi32, #tpu.memory_space<hbm>>
    %dma_wait3A_26 = tpu.memref_squeeze %dma_wait3A_25 : memref<1x10000xi32, #tpu.memory_space<hbm>> -> memref<10000xi32, #tpu.memory_space<hbm>>
    %dma_wait3A_27 = arith.constant 0 : i32
    %dma_wait3A_28 = tpu.memref_slice %arg3[%add3A, %dma_wait3A_27] : memref<32x10000xi32, #tpu.memory_space<hbm>> -> memref<1x10000xi32, #tpu.memory_space<hbm>>
    %dma_wait3A_29 = tpu.memref_squeeze %dma_wait3A_28 : memref<1x10000xi32, #tpu.memory_space<hbm>> -> memref<10000xi32, #tpu.memory_space<hbm>>
    tpu.wait_dma2 semaphore(%arg13 : memref<!tpu.dma_semaphore, #tpu.memory_space<semaphore_mem>>) src(%dma_wait3A_29 : memref<10000xi32, #tpu.memory_space<hbm>>) dst(%arg6 : memref<10000xi32, #tpu.memory_space<vmem>>)
    %dma_wait3A_30 = arith.constant 0 : i32
    %dma_wait3A_31 = tpu.memref_slice %arg4[%add3A, %dma_wait3A_30] : memref<32x10000xi32, #tpu.memory_space<hbm>> -> memref<1x10000xi32, #tpu.memory_space<hbm>>
    %dma_wait3A_32 = tpu.memref_squeeze %dma_wait3A_31 : memref<1x10000xi32, #tpu.memory_space<hbm>> -> memref<10000xi32, #tpu.memory_space<hbm>>
    %dma_wait3A_33 = arith.constant 0 : i32
    %dma_wait3A_34 = tpu.memref_slice %arg4[%add3A, %dma_wait3A_33] : memref<32x10000xi32, #tpu.memory_space<hbm>> -> memref<1x10000xi32, #tpu.memory_space<hbm>>
    %dma_wait3A_35 = tpu.memref_squeeze %dma_wait3A_34 : memref<1x10000xi32, #tpu.memory_space<hbm>> -> memref<10000xi32, #tpu.memory_space<hbm>>
    tpu.wait_dma2 semaphore(%arg13 : memref<!tpu.dma_semaphore, #tpu.memory_space<semaphore_mem>>) src(%dma_wait3A_35 : memref<10000xi32, #tpu.memory_space<hbm>>) dst(%arg7 : memref<10000xi32, #tpu.memory_space<vmem>>)
    %dma_start3A_36 = arith.constant 0 : i32
    %dma_start3A_37 = tpu.memref_slice %arg6[%dma_start3A_36] : memref<10000xi32, #tpu.memory_space<vmem>> -> memref<80xi32, #tpu.memory_space<vmem>>
    %dma_start3A_38 = arith.constant 0 : i32
    %dma_start3A_39 = arith.constant 0 : i32
    %dma_start3A_40 = tpu.memref_slice %arg2[%dma_start3A_38, %dma_start3A_39] : memref<10000x128xf32, #tpu.memory_space<hbm>> -> memref<10000x128xf32, #tpu.memory_space<hbm>>
    tpu.enqueue_indirect_dma source(%dma_start3A_40 : memref<10000x128xf32, #tpu.memory_space<hbm>>) target(%arg8 : memref<80x128xf32, #tpu.memory_space<vmem>>) offsets(%dma_start3A_37 : memref<80xi32, #tpu.memory_space<vmem>>) semaphore(%arg11 : memref<!tpu.dma_semaphore, #tpu.memory_space<semaphore_mem>>)
    %dma_start3A_41 = arith.constant 80 : i32
    %dma_start3A_42 = tpu.memref_slice %arg6[%dma_start3A_41] : memref<10000xi32, #tpu.memory_space<vmem>> -> memref<80xi32, #tpu.memory_space<vmem>>
    %dma_start3A_43 = arith.constant 0 : i32
    %dma_start3A_44 = arith.constant 0 : i32
    %dma_start3A_45 = tpu.memref_slice %arg2[%dma_start3A_43, %dma_start3A_44] : memref<10000x128xf32, #tpu.memory_space<hbm>> -> memref<10000x128xf32, #tpu.memory_space<hbm>>
    tpu.enqueue_indirect_dma source(%dma_start3A_45 : memref<10000x128xf32, #tpu.memory_space<hbm>>) target(%arg9 : memref<80x128xf32, #tpu.memory_space<vmem>>) offsets(%dma_start3A_42 : memref<80xi32, #tpu.memory_space<vmem>>) semaphore(%arg12 : memref<!tpu.dma_semaphore, #tpu.memory_space<semaphore_mem>>)
    %barrier3A = arith.constant 0 : index
    tpu.barrier barrier_id(%barrier3A)
    %scan3A_46 = arith.constant 0 : i32
    %scan3A_47 = arith.constant 62 : i32
    %scan3A_48 = arith.addi %scan3A_46, %scan3A_47 : i32
    %scan3A_49 = arith.constant 1 : i32
    scf.for %scan3A_57 = %scan3A_46 to %scan3A_48 step %scan3A_49  : i32 {
      %mul3A_58 = arith.constant 1 : i32
      %mul3A_59 = arith.muli %scan3A_57, %mul3A_58 : i32
      %add3A_60 = arith.constant 0 : i32
      %add3A_61 = arith.addi %add3A_60, %mul3A_59 : i32
      %mul3A_62 = arith.constant 2 : i32
      %mul3A_63 = arith.muli %add3A_61, %mul3A_62 : i32
      %add3A_64 = arith.constant 0 : i32
      %add3A_65 = arith.addi %mul3A_63, %add3A_64 : i32
      %mul3A_66 = arith.constant 80 : i32
      %mul3A_67 = arith.muli %add3A_65, %mul3A_66 : i32
      %dma_wait3A_68 = tpu.memref_slice %arg6[%mul3A_67] : memref<10000xi32, #tpu.memory_space<vmem>> -> memref<80xi32, #tpu.memory_space<vmem>>
      %dma_wait3A_69 = arith.constant 0 : i32
      %dma_wait3A_70 = arith.constant 0 : i32
      %dma_wait3A_71 = tpu.memref_slice %arg2[%dma_wait3A_69, %dma_wait3A_70] : memref<10000x128xf32, #tpu.memory_space<hbm>> -> memref<10000x128xf32, #tpu.memory_space<hbm>>
      tpu.wait_indirect_dma semaphore(%arg11 : memref<!tpu.dma_semaphore, #tpu.memory_space<semaphore_mem>>) src(%dma_wait3A_71 : memref<10000x128xf32, #tpu.memory_space<hbm>>) dst(%arg8 : memref<80x128xf32, #tpu.memory_space<vmem>>)
      %mul3A_72 = arith.constant 80 : i32
      %mul3A_73 = arith.muli %add3A_65, %mul3A_72 : i32
      "tpu.region"() ({
        %run_scoped3A = tpu.sem_alloc : memref<!tpu.dma_semaphore, #tpu.memory_space<semaphore_mem>>
        %dma_start3A_95 = tpu.memref_slice %arg7[%mul3A_73] : memref<10000xi32, #tpu.memory_space<vmem>> -> memref<80xi32, #tpu.memory_space<vmem>>
        %dma_start3A_96 = arith.constant 0 : i32
        %dma_start3A_97 = arith.constant 0 : i32
        %dma_start3A_98 = tpu.memref_slice %arg10[%dma_start3A_96, %dma_start3A_97] : memref<10112x128xf32, #tpu.memory_space<vmem_shared>> -> memref<10112x128xf32, #tpu.memory_space<vmem_shared>>
        tpu.enqueue_indirect_dma source(%arg8 : memref<80x128xf32, #tpu.memory_space<vmem>>) target(%dma_start3A_98 : memref<10112x128xf32, #tpu.memory_space<vmem_shared>>) offsets(%dma_start3A_95 : memref<80xi32, #tpu.memory_space<vmem>>) semaphore(%run_scoped3A : memref<!tpu.dma_semaphore, #tpu.memory_space<semaphore_mem>>) {add = true}
        %dma_wait3A_99 = tpu.memref_slice %arg7[%mul3A_73] : memref<10000xi32, #tpu.memory_space<vmem>> -> memref<80xi32, #tpu.memory_space<vmem>>
        %dma_wait3A_100 = arith.constant 0 : i32
        %dma_wait3A_101 = arith.constant 0 : i32
        %dma_wait3A_102 = tpu.memref_slice %arg10[%dma_wait3A_100, %dma_wait3A_101] : memref<10112x128xf32, #tpu.memory_space<vmem_shared>> -> memref<10112x128xf32, #tpu.memory_space<vmem_shared>>
        tpu.wait_indirect_dma semaphore(%run_scoped3A : memref<!tpu.dma_semaphore, #tpu.memory_space<semaphore_mem>>) src(%arg8 : memref<80x128xf32, #tpu.memory_space<vmem>>) dst(%dma_wait3A_102 : memref<10112x128xf32, #tpu.memory_space<vmem_shared>>)
        tpu.yield
      }) : () -> ()
      %add3A_74 = arith.constant 2 : i32
      %add3A_75 = arith.addi %add3A_65, %add3A_74 : i32
      %lt3A = arith.constant 125 : i32
      %lt3A_76 = arith.cmpi slt, %add3A_75, %lt3A : i32
      %convert_element_type3A = arith.extui %lt3A_76 : i1 to i32
      %cond3A = arith.constant 0 : i32
      %cond3A_77 = arith.cmpi ne, %convert_element_type3A, %cond3A : i32
      scf.if %cond3A_77 {
        %mul3A_95 = arith.constant 80 : i32
        %mul3A_96 = arith.muli %add3A_75, %mul3A_95 : i32
        %dma_start3A_97 = tpu.memref_slice %arg6[%mul3A_96] : memref<10000xi32, #tpu.memory_space<vmem>> -> memref<80xi32, #tpu.memory_space<vmem>>
        %dma_start3A_98 = arith.constant 0 : i32
        %dma_start3A_99 = arith.constant 0 : i32
        %dma_start3A_100 = tpu.memref_slice %arg2[%dma_start3A_98, %dma_start3A_99] : memref<10000x128xf32, #tpu.memory_space<hbm>> -> memref<10000x128xf32, #tpu.memory_space<hbm>>
        tpu.enqueue_indirect_dma source(%dma_start3A_100 : memref<10000x128xf32, #tpu.memory_space<hbm>>) target(%arg8 : memref<80x128xf32, #tpu.memory_space<vmem>>) offsets(%dma_start3A_97 : memref<80xi32, #tpu.memory_space<vmem>>) semaphore(%arg11 : memref<!tpu.dma_semaphore, #tpu.memory_space<semaphore_mem>>)
      } else {
      }
      %add3A_78 = arith.constant 1 : i32
      %add3A_79 = arith.addi %mul3A_63, %add3A_78 : i32
      %mul3A_80 = arith.constant 80 : i32
      %mul3A_81 = arith.muli %add3A_79, %mul3A_80 : i32
      %dma_wait3A_82 = tpu.memref_slice %arg6[%mul3A_81] : memref<10000xi32, #tpu.memory_space<vmem>> -> memref<80xi32, #tpu.memory_space<vmem>>
      %dma_wait3A_83 = arith.constant 0 : i32
      %dma_wait3A_84 = arith.constant 0 : i32
      %dma_wait3A_85 = tpu.memref_slice %arg2[%dma_wait3A_83, %dma_wait3A_84] : memref<10000x128xf32, #tpu.memory_space<hbm>> -> memref<10000x128xf32, #tpu.memory_space<hbm>>
      tpu.wait_indirect_dma semaphore(%arg12 : memref<!tpu.dma_semaphore, #tpu.memory_space<semaphore_mem>>) src(%dma_wait3A_85 : memref<10000x128xf32, #tpu.memory_space<hbm>>) dst(%arg9 : memref<80x128xf32, #tpu.memory_space<vmem>>)
      %mul3A_86 = arith.constant 80 : i32
      %mul3A_87 = arith.muli %add3A_79, %mul3A_86 : i32
      "tpu.region"() ({
        %run_scoped3A = tpu.sem_alloc : memref<!tpu.dma_semaphore, #tpu.memory_space<semaphore_mem>>
        %dma_start3A_95 = tpu.memref_slice %arg7[%mul3A_87] : memref<10000xi32, #tpu.memory_space<vmem>> -> memref<80xi32, #tpu.memory_space<vmem>>
        %dma_start3A_96 = arith.constant 0 : i32
        %dma_start3A_97 = arith.constant 0 : i32
        %dma_start3A_98 = tpu.memref_slice %arg10[%dma_start3A_96, %dma_start3A_97] : memref<10112x128xf32, #tpu.memory_space<vmem_shared>> -> memref<10112x128xf32, #tpu.memory_space<vmem_shared>>
        tpu.enqueue_indirect_dma source(%arg9 : memref<80x128xf32, #tpu.memory_space<vmem>>) target(%dma_start3A_98 : memref<10112x128xf32, #tpu.memory_space<vmem_shared>>) offsets(%dma_start3A_95 : memref<80xi32, #tpu.memory_space<vmem>>) semaphore(%run_scoped3A : memref<!tpu.dma_semaphore, #tpu.memory_space<semaphore_mem>>) {add = true}
        %dma_wait3A_99 = tpu.memref_slice %arg7[%mul3A_87] : memref<10000xi32, #tpu.memory_space<vmem>> -> memref<80xi32, #tpu.memory_space<vmem>>
        %dma_wait3A_100 = arith.constant 0 : i32
        %dma_wait3A_101 = arith.constant 0 : i32
        %dma_wait3A_102 = tpu.memref_slice %arg10[%dma_wait3A_100, %dma_wait3A_101] : memref<10112x128xf32, #tpu.memory_space<vmem_shared>> -> memref<10112x128xf32, #tpu.memory_space<vmem_shared>>
        tpu.wait_indirect_dma semaphore(%run_scoped3A : memref<!tpu.dma_semaphore, #tpu.memory_space<semaphore_mem>>) src(%arg9 : memref<80x128xf32, #tpu.memory_space<vmem>>) dst(%dma_wait3A_102 : memref<10112x128xf32, #tpu.memory_space<vmem_shared>>)
        tpu.yield
      }) : () -> ()
      %add3A_88 = arith.constant 2 : i32
      %add3A_89 = arith.addi %add3A_79, %add3A_88 : i32
      %lt3A_90 = arith.constant 125 : i32
      %lt3A_91 = arith.cmpi slt, %add3A_89, %lt3A_90 : i32
      %convert_element_type3A_92 = arith.extui %lt3A_91 : i1 to i32
      %cond3A_93 = arith.constant 0 : i32
      %cond3A_94 = arith.cmpi ne, %convert_element_type3A_92, %cond3A_93 : i32
      scf.if %cond3A_94 {
        %mul3A_95 = arith.constant 80 : i32
        %mul3A_96 = arith.muli %add3A_89, %mul3A_95 : i32
        %dma_start3A_97 = tpu.memref_slice %arg6[%mul3A_96] : memref<10000xi32, #tpu.memory_space<vmem>> -> memref<80xi32, #tpu.memory_space<vmem>>
        %dma_start3A_98 = arith.constant 0 : i32
        %dma_start3A_99 = arith.constant 0 : i32
        %dma_start3A_100 = tpu.memref_slice %arg2[%dma_start3A_98, %dma_start3A_99] : memref<10000x128xf32, #tpu.memory_space<hbm>> -> memref<10000x128xf32, #tpu.memory_space<hbm>>
        tpu.enqueue_indirect_dma source(%dma_start3A_100 : memref<10000x128xf32, #tpu.memory_space<hbm>>) target(%arg9 : memref<80x128xf32, #tpu.memory_space<vmem>>) offsets(%dma_start3A_97 : memref<80xi32, #tpu.memory_space<vmem>>) semaphore(%arg12 : memref<!tpu.dma_semaphore, #tpu.memory_space<semaphore_mem>>)
      } else {
      }
    }
    %scan3A_50 = arith.constant 62 : i32
    %dma_wait3A_51 = arith.constant 9920 : i32
    %dma_wait3A_52 = tpu.memref_slice %arg6[%dma_wait3A_51] : memref<10000xi32, #tpu.memory_space<vmem>> -> memref<80xi32, #tpu.memory_space<vmem>>
    %dma_wait3A_53 = arith.constant 0 : i32
    %dma_wait3A_54 = arith.constant 0 : i32
    %dma_wait3A_55 = tpu.memref_slice %arg2[%dma_wait3A_53, %dma_wait3A_54] : memref<10000x128xf32, #tpu.memory_space<hbm>> -> memref<10000x128xf32, #tpu.memory_space<hbm>>
    tpu.wait_indirect_dma semaphore(%arg11 : memref<!tpu.dma_semaphore, #tpu.memory_space<semaphore_mem>>) src(%dma_wait3A_55 : memref<10000x128xf32, #tpu.memory_space<hbm>>) dst(%arg8 : memref<80x128xf32, #tpu.memory_space<vmem>>)
    "tpu.region"() ({
      %run_scoped3A = tpu.sem_alloc : memref<!tpu.dma_semaphore, #tpu.memory_space<semaphore_mem>>
      %dma_start3A_57 = arith.constant 9920 : i32
      %dma_start3A_58 = tpu.memref_slice %arg7[%dma_start3A_57] : memref<10000xi32, #tpu.memory_space<vmem>> -> memref<80xi32, #tpu.memory_space<vmem>>
      %dma_start3A_59 = arith.constant 0 : i32
      %dma_start3A_60 = arith.constant 0 : i32
      %dma_start3A_61 = tpu.memref_slice %arg10[%dma_start3A_59, %dma_start3A_60] : memref<10112x128xf32, #tpu.memory_space<vmem_shared>> -> memref<10112x128xf32, #tpu.memory_space<vmem_shared>>
      tpu.enqueue_indirect_dma source(%arg8 : memref<80x128xf32, #tpu.memory_space<vmem>>) target(%dma_start3A_61 : memref<10112x128xf32, #tpu.memory_space<vmem_shared>>) offsets(%dma_start3A_58 : memref<80xi32, #tpu.memory_space<vmem>>) semaphore(%run_scoped3A : memref<!tpu.dma_semaphore, #tpu.memory_space<semaphore_mem>>) {add = true}
      %dma_wait3A_62 = arith.constant 9920 : i32
      %dma_wait3A_63 = tpu.memref_slice %arg7[%dma_wait3A_62] : memref<10000xi32, #tpu.memory_space<vmem>> -> memref<80xi32, #tpu.memory_space<vmem>>
      %dma_wait3A_64 = arith.constant 0 : i32
      %dma_wait3A_65 = arith.constant 0 : i32
      %dma_wait3A_66 = tpu.memref_slice %arg10[%dma_wait3A_64, %dma_wait3A_65] : memref<10112x128xf32, #tpu.memory_space<vmem_shared>> -> memref<10112x128xf32, #tpu.memory_space<vmem_shared>>
      tpu.wait_indirect_dma semaphore(%run_scoped3A : memref<!tpu.dma_semaphore, #tpu.memory_space<semaphore_mem>>) src(%arg8 : memref<80x128xf32, #tpu.memory_space<vmem>>) dst(%dma_wait3A_66 : memref<10112x128xf32, #tpu.memory_space<vmem_shared>>)
      tpu.yield
    }) : () -> ()
    %barrier3A_56 = arith.constant 0 : index
    tpu.barrier barrier_id(%barrier3A_56)
    "tpu.region"() ({
      %run_scoped3A = tpu.sem_alloc : memref<!tpu.dma_semaphore, #tpu.memory_space<semaphore_mem>>
      %dma_start3A_57 = arith.constant 0 : i32
      %dma_start3A_58 = tpu.memref_slice %arg5[%arg0, %mul3A_2, %dma_start3A_57] : memref<2x10112x128xf32, #tpu.memory_space<hbm>> -> memref<1x632x128xf32, #tpu.memory_space<hbm>>
      %dma_start3A_59 = tpu.memref_squeeze %dma_start3A_58 : memref<1x632x128xf32, #tpu.memory_space<hbm>> -> memref<632x128xf32, #tpu.memory_space<hbm>>
      %dma_start3A_60 = arith.constant 0 : i32
      %dma_start3A_61 = tpu.memref_slice %arg10[%mul3A_2, %dma_start3A_60] : memref<10112x128xf32, #tpu.memory_space<vmem_shared>> -> memref<632x128xf32, #tpu.memory_space<vmem_shared>>
      tpu.enqueue_dma source(%dma_start3A_61 : memref<632x128xf32, #tpu.memory_space<vmem_shared>>) target(%dma_start3A_59 : memref<632x128xf32, #tpu.memory_space<hbm>>) target_semaphore(%run_scoped3A : memref<!tpu.dma_semaphore, #tpu.memory_space<semaphore_mem>>)
      %dma_wait3A_62 = arith.constant 0 : i32
      %dma_wait3A_63 = tpu.memref_slice %arg5[%arg0, %mul3A_2, %dma_wait3A_62] : memref<2x10112x128xf32, #tpu.memory_space<hbm>> -> memref<1x632x128xf32, #tpu.memory_space<hbm>>
      %dma_wait3A_64 = tpu.memref_squeeze %dma_wait3A_63 : memref<1x632x128xf32, #tpu.memory_space<hbm>> -> memref<632x128xf32, #tpu.memory_space<hbm>>
      %dma_wait3A_65 = arith.constant 0 : i32
      %dma_wait3A_66 = tpu.memref_slice %arg10[%mul3A_2, %dma_wait3A_65] : memref<10112x128xf32, #tpu.memory_space<vmem_shared>> -> memref<632x128xf32, #tpu.memory_space<vmem_shared>>
      tpu.wait_dma2 semaphore(%run_scoped3A : memref<!tpu.dma_semaphore, #tpu.memory_space<semaphore_mem>>) src(%dma_wait3A_66 : memref<632x128xf32, #tpu.memory_space<vmem_shared>>) dst(%dma_wait3A_64 : memref<632x128xf32, #tpu.memory_space<hbm>>)
      tpu.yield
    }) : () -> ()
    return
  }
}

#map = affine_map<(d0, d1) -> (0, 0)>
#map1 = affine_map<(d0, d1) -> (0, 0, 0)>
module attributes {stable_mosaic.version = 14 : i64} {
  func.func @k(%arg0: i32, %arg1: i32, %arg2: memref<10000x128xf32, #tpu.memory_space<hbm>>, %arg3: memref<32x10000xi32, #tpu.memory_space<hbm>>, %arg4: memref<32x10000xi32, #tpu.memory_space<hbm>>, %arg5: memref<2x10112x128xf32, #tpu.memory_space<hbm>>, %arg6: memref<10000xi32, #tpu.memory_space<vmem>>, %arg7: memref<10000xi32, #tpu.memory_space<vmem>>, %arg8: memref<80x128xf32, #tpu.memory_space<vmem>>, %arg9: memref<80x128xf32, #tpu.memory_space<vmem>>, %arg10: memref<10112x128xf32, #tpu.memory_space<vmem_shared>>, %arg11: memref<!tpu.dma_semaphore, #tpu.memory_space<semaphore_mem>>, %arg12: memref<!tpu.dma_semaphore, #tpu.memory_space<semaphore_mem>>, %arg13: memref<!tpu.dma_semaphore, #tpu.memory_space<semaphore_mem>>) attributes {dimension_semantics = [#tpu.dimension_semantics<core_parallel>, #tpu.dimension_semantics<subcore_parallel>], iteration_bounds = array<i64: 2, 16>, scalar_prefetch = 0 : i64, scratch_operands = 8 : i64, tpu.core_type = #tpu.core_type<sc_vector_subcore>, window_params = [{transform_indices = #map}, {transform_indices = #map}, {transform_indices = #map}, {transform_indices = #map1}]} {
    %mul3A = arith.constant 2 : i32
    %mul3A_0 = arith.muli %arg1, %mul3A : i32
    %add3A = arith.addi %mul3A_0, %arg0 : i32
    %mul3A_1 = arith.constant 632 : i32
    %mul3A_2 = arith.muli %arg1, %mul3A_1 : i32
    %dma_start3A = arith.constant 0 : i32
    %dma_start3A_3 = tpu.memref_slice %arg3[%add3A, %dma_start3A] : memref<32x10000xi32, #tpu.memory_space<hbm>> -> memref<1x10000xi32, #tpu.memory_space<hbm>>
    %dma_start3A_4 = tpu.memref_squeeze %dma_start3A_3 : memref<1x10000xi32, #tpu.memory_space<hbm>> -> memref<10000xi32, #tpu.memory_space<hbm>>
    %dma_start3A_5 = arith.constant 0 : i32
    %dma_start3A_6 = tpu.memref_slice %arg3[%add3A, %dma_start3A_5] : memref<32x10000xi32, #tpu.memory_space<hbm>> -> memref<1x10000xi32, #tpu.memory_space<hbm>>
    %dma_start3A_7 = tpu.memref_squeeze %dma_start3A_6 : memref<1x10000xi32, #tpu.memory_space<hbm>> -> memref<10000xi32, #tpu.memory_space<hbm>>
    tpu.enqueue_dma source(%dma_start3A_7 : memref<10000xi32, #tpu.memory_space<hbm>>) target(%arg6 : memref<10000xi32, #tpu.memory_space<vmem>>) target_semaphore(%arg13 : memref<!tpu.dma_semaphore, #tpu.memory_space<semaphore_mem>>)
    %dma_start3A_8 = arith.constant 0 : i32
    %dma_start3A_9 = tpu.memref_slice %arg4[%add3A, %dma_start3A_8] : memref<32x10000xi32, #tpu.memory_space<hbm>> -> memref<1x10000xi32, #tpu.memory_space<hbm>>
    %dma_start3A_10 = tpu.memref_squeeze %dma_start3A_9 : memref<1x10000xi32, #tpu.memory_space<hbm>> -> memref<10000xi32, #tpu.memory_space<hbm>>
    %dma_start3A_11 = arith.constant 0 : i32
    %dma_start3A_12 = tpu.memref_slice %arg4[%add3A, %dma_start3A_11] : memref<32x10000xi32, #tpu.memory_space<hbm>> -> memref<1x10000xi32, #tpu.memory_space<hbm>>
    %dma_start3A_13 = tpu.memref_squeeze %dma_start3A_12 : memref<1x10000xi32, #tpu.memory_space<hbm>> -> memref<10000xi32, #tpu.memory_space<hbm>>
    tpu.enqueue_dma source(%dma_start3A_13 : memref<10000xi32, #tpu.memory_space<hbm>>) target(%arg7 : memref<10000xi32, #tpu.memory_space<vmem>>) target_semaphore(%arg13 : memref<!tpu.dma_semaphore, #tpu.memory_space<semaphore_mem>>)
    %scan3A = arith.constant 0 : i32
    %scan3A_14 = arith.constant 80 : i32
    %scan3A_15 = arith.addi %scan3A, %scan3A_14 : i32
    %scan3A_16 = arith.constant 1 : i32
    scf.for %scan3A_57 = %scan3A to %scan3A_15 step %scan3A_16  : i32 {
      %mul3A_58 = arith.constant 1 : i32
      %mul3A_59 = arith.muli %scan3A_57, %mul3A_58 : i32
      %add3A_60 = arith.constant 0 : i32
      %add3A_61 = arith.addi %add3A_60, %mul3A_59 : i32
      %scan3A_62 = arith.constant 0 : i32
      %scan3A_63 = arith.constant 8 : i32
      %scan3A_64 = arith.addi %scan3A_62, %scan3A_63 : i32
      %scan3A_65 = arith.constant 1 : i32
      scf.for %scan3A_67 = %scan3A_62 to %scan3A_64 step %scan3A_65  : i32 {
        %mul3A_68 = arith.constant 1 : i32
        %mul3A_69 = arith.muli %scan3A_67, %mul3A_68 : i32
        %add3A_70 = arith.constant 0 : i32
        %add3A_71 = arith.addi %add3A_70, %mul3A_69 : i32
        %broadcast_in_dim3A = arith.constant 0.000000e+00 : f32
        %broadcast_in_dim3A_72 = vector.broadcast %broadcast_in_dim3A : f32 to vector<16xf32>
        %mul3A_73 = arith.constant 16 : i32
        %mul3A_74 = arith.muli %add3A_71, %mul3A_73 : i32
        %swap3A = arith.index_cast %add3A_61 : i32 to index
        %swap3A_75 = arith.index_cast %mul3A_74 : i32 to index
        %swap3A_76 = tpu.vector_load %arg8[%swap3A, %swap3A_75] {strides = array<i32>} : memref<80x128xf32, #tpu.memory_space<vmem>>, vector<1x16xf32>,
        %swap3A_77 = vector.shape_cast %swap3A_76 : vector<1x16xf32> to vector<16xf32>
        %swap3A_78 = vector.shape_cast %broadcast_in_dim3A_72 : vector<16xf32> to vector<1x16xf32>
        tpu.vector_store %arg8[%swap3A, %swap3A_75], %swap3A_78 {strides = array<i32>} : memref<80x128xf32, #tpu.memory_space<vmem>>, vector<1x16xf32>,
      }
      %scan3A_66 = arith.constant 8 : i32
    }
    %scan3A_17 = arith.constant 80 : i32
    %scan3A_18 = arith.constant 0 : i32
    %scan3A_19 = arith.constant 7 : i32
    %scan3A_20 = arith.addi %scan3A_18, %scan3A_19 : i32
    %scan3A_21 = arith.constant 1 : i32
    scf.for %scan3A_57 = %scan3A_18 to %scan3A_20 step %scan3A_21  : i32 {
      %mul3A_58 = arith.constant 1 : i32
      %mul3A_59 = arith.muli %scan3A_57, %mul3A_58 : i32
      %add3A_60 = arith.constant 0 : i32
      %add3A_61 = arith.addi %add3A_60, %mul3A_59 : i32
      %mul3A_62 = arith.constant 80 : i32
      %mul3A_63 = arith.muli %add3A_61, %mul3A_62 : i32
      %add3A_64 = arith.addi %mul3A_2, %mul3A_63 : i32
      "tpu.region"() ({
        %run_scoped3A = tpu.sem_alloc : memref<!tpu.dma_semaphore, #tpu.memory_space<semaphore_mem>>
        %dma_start3A_65 = arith.constant 0 : i32
        %dma_start3A_66 = tpu.memref_slice %arg10[%add3A_64, %dma_start3A_65] : memref<10112x128xf32, #tpu.memory_space<vmem_shared>> -> memref<80x128xf32, #tpu.memory_space<vmem_shared>>
        %dma_start3A_67 = arith.constant 0 : i32
        %dma_start3A_68 = tpu.memref_slice %arg10[%add3A_64, %dma_start3A_67] : memref<10112x128xf32, #tpu.memory_space<vmem_shared>> -> memref<80x128xf32, #tpu.memory_space<vmem_shared>>
        tpu.enqueue_dma source(%arg8 : memref<80x128xf32, #tpu.memory_space<vmem>>) target(%dma_start3A_68 : memref<80x128xf32, #tpu.memory_space<vmem_shared>>) target_semaphore(%run_scoped3A : memref<!tpu.dma_semaphore, #tpu.memory_space<semaphore_mem>>)
        %dma_wait3A_69 = arith.constant 0 : i32
        %dma_wait3A_70 = tpu.memref_slice %arg10[%add3A_64, %dma_wait3A_69] : memref<10112x128xf32, #tpu.memory_space<vmem_shared>> -> memref<80x128xf32, #tpu.memory_space<vmem_shared>>
        %dma_wait3A_71 = arith.constant 0 : i32
        %dma_wait3A_72 = tpu.memref_slice %arg10[%add3A_64, %dma_wait3A_71] : memref<10112x128xf32, #tpu.memory_space<vmem_shared>> -> memref<80x128xf32, #tpu.memory_space<vmem_shared>>
        tpu.wait_dma2 semaphore(%run_scoped3A : memref<!tpu.dma_semaphore, #tpu.memory_space<semaphore_mem>>) src(%arg8 : memref<80x128xf32, #tpu.memory_space<vmem>>) dst(%dma_wait3A_72 : memref<80x128xf32, #tpu.memory_space<vmem_shared>>)
        tpu.yield
      }) : () -> ()
    }
    %scan3A_22 = arith.constant 7 : i32
    %add3A_23 = arith.constant 560 : i32
    %add3A_24 = arith.addi %mul3A_2, %add3A_23 : i32
    "tpu.region"() ({
      %run_scoped3A = tpu.sem_alloc : memref<!tpu.dma_semaphore, #tpu.memory_space<semaphore_mem>>
      %dma_start3A_57 = arith.constant 0 : i32
      %dma_start3A_58 = arith.constant 0 : i32
      %dma_start3A_59 = tpu.memref_slice %arg8[%dma_start3A_57, %dma_start3A_58] : memref<80x128xf32, #tpu.memory_space<vmem>> -> memref<72x128xf32, #tpu.memory_space<vmem>>
      %dma_start3A_60 = arith.constant 0 : i32
      %dma_start3A_61 = tpu.memref_slice %arg10[%add3A_24, %dma_start3A_60] : memref<10112x128xf32, #tpu.memory_space<vmem_shared>> -> memref<72x128xf32, #tpu.memory_space<vmem_shared>>
      %dma_start3A_62 = arith.constant 0 : i32
      %dma_start3A_63 = tpu.memref_slice %arg10[%add3A_24, %dma_start3A_62] : memref<10112x128xf32, #tpu.memory_space<vmem_shared>> -> memref<72x128xf32, #tpu.memory_space<vmem_shared>>
      %dma_start3A_64 = arith.constant 0 : i32
      %dma_start3A_65 = arith.constant 0 : i32
      %dma_start3A_66 = tpu.memref_slice %arg8[%dma_start3A_64, %dma_start3A_65] : memref<80x128xf32, #tpu.memory_space<vmem>> -> memref<72x128xf32, #tpu.memory_space<vmem>>
      tpu.enqueue_dma source(%dma_start3A_66 : memref<72x128xf32, #tpu.memory_space<vmem>>) target(%dma_start3A_63 : memref<72x128xf32, #tpu.memory_space<vmem_shared>>) target_semaphore(%run_scoped3A : memref<!tpu.dma_semaphore, #tpu.memory_space<semaphore_mem>>)
      %dma_wait3A_67 = arith.constant 0 : i32
      %dma_wait3A_68 = arith.constant 0 : i32
      %dma_wait3A_69 = tpu.memref_slice %arg8[%dma_wait3A_67, %dma_wait3A_68] : memref<80x128xf32, #tpu.memory_space<vmem>> -> memref<72x128xf32, #tpu.memory_space<vmem>>
      %dma_wait3A_70 = arith.constant 0 : i32
      %dma_wait3A_71 = tpu.memref_slice %arg10[%add3A_24, %dma_wait3A_70] : memref<10112x128xf32, #tpu.memory_space<vmem_shared>> -> memref<72x128xf32, #tpu.memory_space<vmem_shared>>
      %dma_wait3A_72 = arith.constant 0 : i32
      %dma_wait3A_73 = tpu.memref_slice %arg10[%add3A_24, %dma_wait3A_72] : memref<10112x128xf32, #tpu.memory_space<vmem_shared>> -> memref<72x128xf32, #tpu.memory_space<vmem_shared>>
      %dma_wait3A_74 = arith.constant 0 : i32
      %dma_wait3A_75 = arith.constant 0 : i32
      %dma_wait3A_76 = tpu.memref_slice %arg8[%dma_wait3A_74, %dma_wait3A_75] : memref<80x128xf32, #tpu.memory_space<vmem>> -> memref<72x128xf32, #tpu.memory_space<vmem>>
      tpu.wait_dma2 semaphore(%run_scoped3A : memref<!tpu.dma_semaphore, #tpu.memory_space<semaphore_mem>>) src(%dma_wait3A_76 : memref<72x128xf32, #tpu.memory_space<vmem>>) dst(%dma_wait3A_73 : memref<72x128xf32, #tpu.memory_space<vmem_shared>>)
      tpu.yield
    }) : () -> ()
    %dma_wait3A = arith.constant 0 : i32
    %dma_wait3A_25 = tpu.memref_slice %arg3[%add3A, %dma_wait3A] : memref<32x10000xi32, #tpu.memory_space<hbm>> -> memref<1x10000xi32, #tpu.memory_space<hbm>>
    %dma_wait3A_26 = tpu.memref_squeeze %dma_wait3A_25 : memref<1x10000xi32, #tpu.memory_space<hbm>> -> memref<10000xi32, #tpu.memory_space<hbm>>
    %dma_wait3A_27 = arith.constant 0 : i32
    %dma_wait3A_28 = tpu.memref_slice %arg3[%add3A, %dma_wait3A_27] : memref<32x10000xi32, #tpu.memory_space<hbm>> -> memref<1x10000xi32, #tpu.memory_space<hbm>>
    %dma_wait3A_29 = tpu.memref_squeeze %dma_wait3A_28 : memref<1x10000xi32, #tpu.memory_space<hbm>> -> memref<10000xi32, #tpu.memory_space<hbm>>
    tpu.wait_dma2 semaphore(%arg13 : memref<!tpu.dma_semaphore, #tpu.memory_space<semaphore_mem>>) src(%dma_wait3A_29 : memref<10000xi32, #tpu.memory_space<hbm>>) dst(%arg6 : memref<10000xi32, #tpu.memory_space<vmem>>)
    %dma_wait3A_30 = arith.constant 0 : i32
    %dma_wait3A_31 = tpu.memref_slice %arg4[%add3A, %dma_wait3A_30] : memref<32x10000xi32, #tpu.memory_space<hbm>> -> memref<1x10000xi32, #tpu.memory_space<hbm>>
    %dma_wait3A_32 = tpu.memref_squeeze %dma_wait3A_31 : memref<1x10000xi32, #tpu.memory_space<hbm>> -> memref<10000xi32, #tpu.memory_space<hbm>>
    %dma_wait3A_33 = arith.constant 0 : i32
    %dma_wait3A_34 = tpu.memref_slice %arg4[%add3A, %dma_wait3A_33] : memref<32x10000xi32, #tpu.memory_space<hbm>> -> memref<1x10000xi32, #tpu.memory_space<hbm>>
    %dma_wait3A_35 = tpu.memref_squeeze %dma_wait3A_34 : memref<1x10000xi32, #tpu.memory_space<hbm>> -> memref<10000xi32, #tpu.memory_space<hbm>>
    tpu.wait_dma2 semaphore(%arg13 : memref<!tpu.dma_semaphore, #tpu.memory_space<semaphore_mem>>) src(%dma_wait3A_35 : memref<10000xi32, #tpu.memory_space<hbm>>) dst(%arg7 : memref<10000xi32, #tpu.memory_space<vmem>>)
    %dma_start3A_36 = arith.constant 0 : i32
    %dma_start3A_37 = tpu.memref_slice %arg6[%dma_start3A_36] : memref<10000xi32, #tpu.memory_space<vmem>> -> memref<80xi32, #tpu.memory_space<vmem>>
    %dma_start3A_38 = arith.constant 0 : i32
    %dma_start3A_39 = arith.constant 0 : i32
    %dma_start3A_40 = tpu.memref_slice %arg2[%dma_start3A_38, %dma_start3A_39] : memref<10000x128xf32, #tpu.memory_space<hbm>> -> memref<10000x128xf32, #tpu.memory_space<hbm>>
    tpu.enqueue_indirect_dma source(%dma_start3A_40 : memref<10000x128xf32, #tpu.memory_space<hbm>>) target(%arg8 : memref<80x128xf32, #tpu.memory_space<vmem>>) offsets(%dma_start3A_37 : memref<80xi32, #tpu.memory_space<vmem>>) semaphore(%arg11 : memref<!tpu.dma_semaphore, #tpu.memory_space<semaphore_mem>>)
    %dma_start3A_41 = arith.constant 80 : i32
    %dma_start3A_42 = tpu.memref_slice %arg6[%dma_start3A_41] : memref<10000xi32, #tpu.memory_space<vmem>> -> memref<80xi32, #tpu.memory_space<vmem>>
    %dma_start3A_43 = arith.constant 0 : i32
    %dma_start3A_44 = arith.constant 0 : i32
    %dma_start3A_45 = tpu.memref_slice %arg2[%dma_start3A_43, %dma_start3A_44] : memref<10000x128xf32, #tpu.memory_space<hbm>> -> memref<10000x128xf32, #tpu.memory_space<hbm>>
    tpu.enqueue_indirect_dma source(%dma_start3A_45 : memref<10000x128xf32, #tpu.memory_space<hbm>>) target(%arg9 : memref<80x128xf32, #tpu.memory_space<vmem>>) offsets(%dma_start3A_42 : memref<80xi32, #tpu.memory_space<vmem>>) semaphore(%arg12 : memref<!tpu.dma_semaphore, #tpu.memory_space<semaphore_mem>>)
    %barrier3A = arith.constant 0 : index
    tpu.barrier barrier_id(%barrier3A)
    %scan3A_46 = arith.constant 0 : i32
    %scan3A_47 = arith.constant 62 : i32
    %scan3A_48 = arith.addi %scan3A_46, %scan3A_47 : i32
    %scan3A_49 = arith.constant 1 : i32
    scf.for %scan3A_57 = %scan3A_46 to %scan3A_48 step %scan3A_49  : i32 {
      %mul3A_58 = arith.constant 1 : i32
      %mul3A_59 = arith.muli %scan3A_57, %mul3A_58 : i32
      %add3A_60 = arith.constant 0 : i32
      %add3A_61 = arith.addi %add3A_60, %mul3A_59 : i32
      %mul3A_62 = arith.constant 2 : i32
      %mul3A_63 = arith.muli %add3A_61, %mul3A_62 : i32
      %add3A_64 = arith.constant 0 : i32
      %add3A_65 = arith.addi %mul3A_63, %add3A_64 : i32
      %mul3A_66 = arith.constant 80 : i32
      %mul3A_67 = arith.muli %add3A_65, %mul3A_66 : i32
      %dma_wait3A_68 = tpu.memref_slice %arg6[%mul3A_67] : memref<10000xi32, #tpu.memory_space<vmem>> -> memref<80xi32, #tpu.memory_space<vmem>>
      %dma_wait3A_69 = arith.constant 0 : i32
      %dma_wait3A_70 = arith.constant 0 : i32
      %dma_wait3A_71 = tpu.memref_slice %arg2[%dma_wait3A_69, %dma_wait3A_70] : memref<10000x128xf32, #tpu.memory_space<hbm>> -> memref<10000x128xf32, #tpu.memory_space<hbm>>
      tpu.wait_indirect_dma semaphore(%arg11 : memref<!tpu.dma_semaphore, #tpu.memory_space<semaphore_mem>>) src(%dma_wait3A_71 : memref<10000x128xf32, #tpu.memory_space<hbm>>) dst(%arg8 : memref<80x128xf32, #tpu.memory_space<vmem>>)
      %mul3A_72 = arith.constant 80 : i32
      %mul3A_73 = arith.muli %add3A_65, %mul3A_72 : i32
      "tpu.region"() ({
        %run_scoped3A = tpu.sem_alloc : memref<!tpu.dma_semaphore, #tpu.memory_space<semaphore_mem>>
        %dma_start3A_95 = tpu.memref_slice %arg7[%mul3A_73] : memref<10000xi32, #tpu.memory_space<vmem>> -> memref<80xi32, #tpu.memory_space<vmem>>
        %dma_start3A_96 = arith.constant 0 : i32
        %dma_start3A_97 = arith.constant 0 : i32
        %dma_start3A_98 = tpu.memref_slice %arg10[%dma_start3A_96, %dma_start3A_97] : memref<10112x128xf32, #tpu.memory_space<vmem_shared>> -> memref<10112x128xf32, #tpu.memory_space<vmem_shared>>
        tpu.enqueue_indirect_dma source(%arg8 : memref<80x128xf32, #tpu.memory_space<vmem>>) target(%dma_start3A_98 : memref<10112x128xf32, #tpu.memory_space<vmem_shared>>) offsets(%dma_start3A_95 : memref<80xi32, #tpu.memory_space<vmem>>) semaphore(%run_scoped3A : memref<!tpu.dma_semaphore, #tpu.memory_space<semaphore_mem>>) {add = true}
        %dma_wait3A_99 = tpu.memref_slice %arg7[%mul3A_73] : memref<10000xi32, #tpu.memory_space<vmem>> -> memref<80xi32, #tpu.memory_space<vmem>>
        %dma_wait3A_100 = arith.constant 0 : i32
        %dma_wait3A_101 = arith.constant 0 : i32
        %dma_wait3A_102 = tpu.memref_slice %arg10[%dma_wait3A_100, %dma_wait3A_101] : memref<10112x128xf32, #tpu.memory_space<vmem_shared>> -> memref<10112x128xf32, #tpu.memory_space<vmem_shared>>
        tpu.wait_indirect_dma semaphore(%run_scoped3A : memref<!tpu.dma_semaphore, #tpu.memory_space<semaphore_mem>>) src(%arg8 : memref<80x128xf32, #tpu.memory_space<vmem>>) dst(%dma_wait3A_102 : memref<10112x128xf32, #tpu.memory_space<vmem_shared>>)
        tpu.yield
      }) : () -> ()
      %add3A_74 = arith.constant 2 : i32
      %add3A_75 = arith.addi %add3A_65, %add3A_74 : i32
      %lt3A = arith.constant 125 : i32
      %lt3A_76 = arith.cmpi slt, %add3A_75, %lt3A : i32
      %convert_element_type3A = arith.extui %lt3A_76 : i1 to i32
      %cond3A = arith.constant 0 : i32
      %cond3A_77 = arith.cmpi ne, %convert_element_type3A, %cond3A : i32
      scf.if %cond3A_77 {
        %mul3A_95 = arith.constant 80 : i32
        %mul3A_96 = arith.muli %add3A_75, %mul3A_95 : i32
        %dma_start3A_97 = tpu.memref_slice %arg6[%mul3A_96] : memref<10000xi32, #tpu.memory_space<vmem>> -> memref<80xi32, #tpu.memory_space<vmem>>
        %dma_start3A_98 = arith.constant 0 : i32
        %dma_start3A_99 = arith.constant 0 : i32
        %dma_start3A_100 = tpu.memref_slice %arg2[%dma_start3A_98, %dma_start3A_99] : memref<10000x128xf32, #tpu.memory_space<hbm>> -> memref<10000x128xf32, #tpu.memory_space<hbm>>
        tpu.enqueue_indirect_dma source(%dma_start3A_100 : memref<10000x128xf32, #tpu.memory_space<hbm>>) target(%arg8 : memref<80x128xf32, #tpu.memory_space<vmem>>) offsets(%dma_start3A_97 : memref<80xi32, #tpu.memory_space<vmem>>) semaphore(%arg11 : memref<!tpu.dma_semaphore, #tpu.memory_space<semaphore_mem>>)
      } else {
      }
      %add3A_78 = arith.constant 1 : i32
      %add3A_79 = arith.addi %mul3A_63, %add3A_78 : i32
      %mul3A_80 = arith.constant 80 : i32
      %mul3A_81 = arith.muli %add3A_79, %mul3A_80 : i32
      %dma_wait3A_82 = tpu.memref_slice %arg6[%mul3A_81] : memref<10000xi32, #tpu.memory_space<vmem>> -> memref<80xi32, #tpu.memory_space<vmem>>
      %dma_wait3A_83 = arith.constant 0 : i32
      %dma_wait3A_84 = arith.constant 0 : i32
      %dma_wait3A_85 = tpu.memref_slice %arg2[%dma_wait3A_83, %dma_wait3A_84] : memref<10000x128xf32, #tpu.memory_space<hbm>> -> memref<10000x128xf32, #tpu.memory_space<hbm>>
      tpu.wait_indirect_dma semaphore(%arg12 : memref<!tpu.dma_semaphore, #tpu.memory_space<semaphore_mem>>) src(%dma_wait3A_85 : memref<10000x128xf32, #tpu.memory_space<hbm>>) dst(%arg9 : memref<80x128xf32, #tpu.memory_space<vmem>>)
      %mul3A_86 = arith.constant 80 : i32
      %mul3A_87 = arith.muli %add3A_79, %mul3A_86 : i32
      "tpu.region"() ({
        %run_scoped3A = tpu.sem_alloc : memref<!tpu.dma_semaphore, #tpu.memory_space<semaphore_mem>>
        %dma_start3A_95 = tpu.memref_slice %arg7[%mul3A_87] : memref<10000xi32, #tpu.memory_space<vmem>> -> memref<80xi32, #tpu.memory_space<vmem>>
        %dma_start3A_96 = arith.constant 0 : i32
        %dma_start3A_97 = arith.constant 0 : i32
        %dma_start3A_98 = tpu.memref_slice %arg10[%dma_start3A_96, %dma_start3A_97] : memref<10112x128xf32, #tpu.memory_space<vmem_shared>> -> memref<10112x128xf32, #tpu.memory_space<vmem_shared>>
        tpu.enqueue_indirect_dma source(%arg9 : memref<80x128xf32, #tpu.memory_space<vmem>>) target(%dma_start3A_98 : memref<10112x128xf32, #tpu.memory_space<vmem_shared>>) offsets(%dma_start3A_95 : memref<80xi32, #tpu.memory_space<vmem>>) semaphore(%run_scoped3A : memref<!tpu.dma_semaphore, #tpu.memory_space<semaphore_mem>>) {add = true}
        %dma_wait3A_99 = tpu.memref_slice %arg7[%mul3A_87] : memref<10000xi32, #tpu.memory_space<vmem>> -> memref<80xi32, #tpu.memory_space<vmem>>
        %dma_wait3A_100 = arith.constant 0 : i32
        %dma_wait3A_101 = arith.constant 0 : i32
        %dma_wait3A_102 = tpu.memref_slice %arg10[%dma_wait3A_100, %dma_wait3A_101] : memref<10112x128xf32, #tpu.memory_space<vmem_shared>> -> memref<10112x128xf32, #tpu.memory_space<vmem_shared>>
        tpu.wait_indirect_dma semaphore(%run_scoped3A : memref<!tpu.dma_semaphore, #tpu.memory_space<semaphore_mem>>) src(%arg9 : memref<80x128xf32, #tpu.memory_space<vmem>>) dst(%dma_wait3A_102 : memref<10112x128xf32, #tpu.memory_space<vmem_shared>>)
        tpu.yield
      }) : () -> ()
      %add3A_88 = arith.constant 2 : i32
      %add3A_89 = arith.addi %add3A_79, %add3A_88 : i32
      %lt3A_90 = arith.constant 125 : i32
      %lt3A_91 = arith.cmpi slt, %add3A_89, %lt3A_90 : i32
      %convert_element_type3A_92 = arith.extui %lt3A_91 : i1 to i32
      %cond3A_93 = arith.constant 0 : i32
      %cond3A_94 = arith.cmpi ne, %convert_element_type3A_92, %cond3A_93 : i32
      scf.if %cond3A_94 {
        %mul3A_95 = arith.constant 80 : i32
        %mul3A_96 = arith.muli %add3A_89, %mul3A_95 : i32
        %dma_start3A_97 = tpu.memref_slice %arg6[%mul3A_96] : memref<10000xi32, #tpu.memory_space<vmem>> -> memref<80xi32, #tpu.memory_space<vmem>>
        %dma_start3A_98 = arith.constant 0 : i32
        %dma_start3A_99 = arith.constant 0 : i32
        %dma_start3A_100 = tpu.memref_slice %arg2[%dma_start3A_98, %dma_start3A_99] : memref<10000x128xf32, #tpu.memory_space<hbm>> -> memref<10000x128xf32, #tpu.memory_space<hbm>>
        tpu.enqueue_indirect_dma source(%dma_start3A_100 : memref<10000x128xf32, #tpu.memory_space<hbm>>) target(%arg9 : memref<80x128xf32, #tpu.memory_space<vmem>>) offsets(%dma_start3A_97 : memref<80xi32, #tpu.memory_space<vmem>>) semaphore(%arg12 : memref<!tpu.dma_semaphore, #tpu.memory_space<semaphore_mem>>)
      } else {
      }
    }
    %scan3A_50 = arith.constant 62 : i32
    %dma_wait3A_51 = arith.constant 9920 : i32
    %dma_wait3A_52 = tpu.memref_slice %arg6[%dma_wait3A_51] : memref<10000xi32, #tpu.memory_space<vmem>> -> memref<80xi32, #tpu.memory_space<vmem>>
    %dma_wait3A_53 = arith.constant 0 : i32
    %dma_wait3A_54 = arith.constant 0 : i32
    %dma_wait3A_55 = tpu.memref_slice %arg2[%dma_wait3A_53, %dma_wait3A_54] : memref<10000x128xf32, #tpu.memory_space<hbm>> -> memref<10000x128xf32, #tpu.memory_space<hbm>>
    tpu.wait_indirect_dma semaphore(%arg11 : memref<!tpu.dma_semaphore, #tpu.memory_space<semaphore_mem>>) src(%dma_wait3A_55 : memref<10000x128xf32, #tpu.memory_space<hbm>>) dst(%arg8 : memref<80x128xf32, #tpu.memory_space<vmem>>)
    "tpu.region"() ({
      %run_scoped3A = tpu.sem_alloc : memref<!tpu.dma_semaphore, #tpu.memory_space<semaphore_mem>>
      %dma_start3A_57 = arith.constant 9920 : i32
      %dma_start3A_58 = tpu.memref_slice %arg7[%dma_start3A_57] : memref<10000xi32, #tpu.memory_space<vmem>> -> memref<80xi32, #tpu.memory_space<vmem>>
      %dma_start3A_59 = arith.constant 0 : i32
      %dma_start3A_60 = arith.constant 0 : i32
      %dma_start3A_61 = tpu.memref_slice %arg10[%dma_start3A_59, %dma_start3A_60] : memref<10112x128xf32, #tpu.memory_space<vmem_shared>> -> memref<10112x128xf32, #tpu.memory_space<vmem_shared>>
      tpu.enqueue_indirect_dma source(%arg8 : memref<80x128xf32, #tpu.memory_space<vmem>>) target(%dma_start3A_61 : memref<10112x128xf32, #tpu.memory_space<vmem_shared>>) offsets(%dma_start3A_58 : memref<80xi32, #tpu.memory_space<vmem>>) semaphore(%run_scoped3A : memref<!tpu.dma_semaphore, #tpu.memory_space<semaphore_mem>>) {add = true}
      %dma_wait3A_62 = arith.constant 9920 : i32
      %dma_wait3A_63 = tpu.memref_slice %arg7[%dma_wait3A_62] : memref<10000xi32, #tpu.memory_space<vmem>> -> memref<80xi32, #tpu.memory_space<vmem>>
      %dma_wait3A_64 = arith.constant 0 : i32
      %dma_wait3A_65 = arith.constant 0 : i32
      %dma_wait3A_66 = tpu.memref_slice %arg10[%dma_wait3A_64, %dma_wait3A_65] : memref<10112x128xf32, #tpu.memory_space<vmem_shared>> -> memref<10112x128xf32, #tpu.memory_space<vmem_shared>>
      tpu.wait_indirect_dma semaphore(%run_scoped3A : memref<!tpu.dma_semaphore, #tpu.memory_space<semaphore_mem>>) src(%arg8 : memref<80x128xf32, #tpu.memory_space<vmem>>) dst(%dma_wait3A_66 : memref<10112x128xf32, #tpu.memory_space<vmem_shared>>)
      tpu.yield
    }) : () -> ()
    %barrier3A_56 = arith.constant 0 : index
    tpu.barrier barrier_id(%barrier3A_56)
    "tpu.region"() ({
      %run_scoped3A = tpu.sem_alloc : memref<!tpu.dma_semaphore, #tpu.memory_space<semaphore_mem>>
      %dma_start3A_57 = arith.constant 0 : i32
      %dma_start3A_58 = tpu.memref_slice %arg5[%arg0, %mul3A_2, %dma_start3A_57] : memref<2x10112x128xf32, #tpu.memory_space<hbm>> -> memref<1x632x128xf32, #tpu.memory_space<hbm>>
      %dma_start3A_59 = tpu.memref_squeeze %dma_start3A_58 : memref<1x632x128xf32, #tpu.memory_space<hbm>> -> memref<632x128xf32, #tpu.memory_space<hbm>>
      %dma_start3A_60 = arith.constant 0 : i32
      %dma_start3A_61 = tpu.memref_slice %arg10[%mul3A_2, %dma_start3A_60] : memref<10112x128xf32, #tpu.memory_space<vmem_shared>> -> memref<632x128xf32, #tpu.memory_space<vmem_shared>>
      tpu.enqueue_dma source(%dma_start3A_61 : memref<632x128xf32, #tpu.memory_space<vmem_shared>>) target(%dma_start3A_59 : memref<632x128xf32, #tpu.memory_space<hbm>>) target_semaphore(%run_scoped3A : memref<!tpu.dma_semaphore, #tpu.memory_space<semaphore_mem>>)
      %dma_wait3A_62 = arith.constant 0 : i32
      %dma_wait3A_63 = tpu.memref_slice %arg5[%arg0, %mul3A_2, %dma_wait3A_62] : memref<2x10112x128xf32, #tpu.memory_space<hbm>> -> memref<1x632x128xf32, #tpu.memory_space<hbm>>
      %dma_wait3A_64 = tpu.memref_squeeze %dma_wait3A_63 : memref<1x632x128xf32, #tpu.memory_space<hbm>> -> memref<632x128xf32, #tpu.memory_space<hbm>>
      %dma_wait3A_65 = arith.constant 0 : i32
      %dma_wait3A_66 = tpu.memref_slice %arg10[%mul3A_2, %dma_wait3A_65] : memref<10112x128xf32, #tpu.memory_space<vmem_shared>> -> memref<632x128xf32, #tpu.memory_space<vmem_shared>>
      tpu.wait_dma2 semaphore(%run_scoped3A : memref<!tpu.dma_semaphore, #tpu.memory_space<semaphore_mem>>) src(%dma_wait3A_66 : memref<632x128xf32, #tpu.memory_space<vmem_shared>>) dst(%dma_wait3A_64 : memref<632x128xf32, #tpu.memory_space<hbm>>)
      tpu.yield
    }) : () -> ()
    return
  }
}

#map = affine_map<(d0, d1) -> (0, 0)>
#map1 = affine_map<(d0, d1) -> (0, 0, 0)>
module attributes {stable_mosaic.version = 14 : i64} {
  func.func @k(%arg0: i32, %arg1: i32, %arg2: memref<10000x128xf32, #tpu.memory_space<hbm>>, %arg3: memref<32x10000xi32, #tpu.memory_space<hbm>>, %arg4: memref<32x10000xi32, #tpu.memory_space<hbm>>, %arg5: memref<2x10112x128xf32, #tpu.memory_space<hbm>>, %arg6: memref<10000xi32, #tpu.memory_space<vmem>>, %arg7: memref<10000xi32, #tpu.memory_space<vmem>>, %arg8: memref<80x128xf32, #tpu.memory_space<vmem>>, %arg9: memref<80x128xf32, #tpu.memory_space<vmem>>, %arg10: memref<10112x128xf32, #tpu.memory_space<vmem_shared>>, %arg11: memref<!tpu.dma_semaphore, #tpu.memory_space<semaphore_mem>>, %arg12: memref<!tpu.dma_semaphore, #tpu.memory_space<semaphore_mem>>, %arg13: memref<!tpu.dma_semaphore, #tpu.memory_space<semaphore_mem>>) attributes {dimension_semantics = [#tpu.dimension_semantics<core_parallel>, #tpu.dimension_semantics<subcore_parallel>], iteration_bounds = array<i64: 2, 16>, scalar_prefetch = 0 : i64, scratch_operands = 8 : i64, tpu.core_type = #tpu.core_type<sc_vector_subcore>, window_params = [{transform_indices = #map}, {transform_indices = #map}, {transform_indices = #map}, {transform_indices = #map1}]} {
    %mul3A = arith.constant 2 : i32
    %mul3A_0 = arith.muli %arg1, %mul3A : i32
    %add3A = arith.addi %mul3A_0, %arg0 : i32
    %mul3A_1 = arith.constant 632 : i32
    %mul3A_2 = arith.muli %arg1, %mul3A_1 : i32
    %dma_start3A = arith.constant 0 : i32
    %dma_start3A_3 = tpu.memref_slice %arg3[%add3A, %dma_start3A] : memref<32x10000xi32, #tpu.memory_space<hbm>> -> memref<1x10000xi32, #tpu.memory_space<hbm>>
    %dma_start3A_4 = tpu.memref_squeeze %dma_start3A_3 : memref<1x10000xi32, #tpu.memory_space<hbm>> -> memref<10000xi32, #tpu.memory_space<hbm>>
    %dma_start3A_5 = arith.constant 0 : i32
    %dma_start3A_6 = tpu.memref_slice %arg3[%add3A, %dma_start3A_5] : memref<32x10000xi32, #tpu.memory_space<hbm>> -> memref<1x10000xi32, #tpu.memory_space<hbm>>
    %dma_start3A_7 = tpu.memref_squeeze %dma_start3A_6 : memref<1x10000xi32, #tpu.memory_space<hbm>> -> memref<10000xi32, #tpu.memory_space<hbm>>
    tpu.enqueue_dma source(%dma_start3A_7 : memref<10000xi32, #tpu.memory_space<hbm>>) target(%arg6 : memref<10000xi32, #tpu.memory_space<vmem>>) target_semaphore(%arg13 : memref<!tpu.dma_semaphore, #tpu.memory_space<semaphore_mem>>)
    %dma_start3A_8 = arith.constant 0 : i32
    %dma_start3A_9 = tpu.memref_slice %arg4[%add3A, %dma_start3A_8] : memref<32x10000xi32, #tpu.memory_space<hbm>> -> memref<1x10000xi32, #tpu.memory_space<hbm>>
    %dma_start3A_10 = tpu.memref_squeeze %dma_start3A_9 : memref<1x10000xi32, #tpu.memory_space<hbm>> -> memref<10000xi32, #tpu.memory_space<hbm>>
    %dma_start3A_11 = arith.constant 0 : i32
    %dma_start3A_12 = tpu.memref_slice %arg4[%add3A, %dma_start3A_11] : memref<32x10000xi32, #tpu.memory_space<hbm>> -> memref<1x10000xi32, #tpu.memory_space<hbm>>
    %dma_start3A_13 = tpu.memref_squeeze %dma_start3A_12 : memref<1x10000xi32, #tpu.memory_space<hbm>> -> memref<10000xi32, #tpu.memory_space<hbm>>
    tpu.enqueue_dma source(%dma_start3A_13 : memref<10000xi32, #tpu.memory_space<hbm>>) target(%arg7 : memref<10000xi32, #tpu.memory_space<vmem>>) target_semaphore(%arg13 : memref<!tpu.dma_semaphore, #tpu.memory_space<semaphore_mem>>)
    %scan3A = arith.constant 0 : i32
    %scan3A_14 = arith.constant 80 : i32
    %scan3A_15 = arith.addi %scan3A, %scan3A_14 : i32
    %scan3A_16 = arith.constant 1 : i32
    scf.for %scan3A_57 = %scan3A to %scan3A_15 step %scan3A_16  : i32 {
      %mul3A_58 = arith.constant 1 : i32
      %mul3A_59 = arith.muli %scan3A_57, %mul3A_58 : i32
      %add3A_60 = arith.constant 0 : i32
      %add3A_61 = arith.addi %add3A_60, %mul3A_59 : i32
      %scan3A_62 = arith.constant 0 : i32
      %scan3A_63 = arith.constant 8 : i32
      %scan3A_64 = arith.addi %scan3A_62, %scan3A_63 : i32
      %scan3A_65 = arith.constant 1 : i32
      scf.for %scan3A_67 = %scan3A_62 to %scan3A_64 step %scan3A_65  : i32 {
        %mul3A_68 = arith.constant 1 : i32
        %mul3A_69 = arith.muli %scan3A_67, %mul3A_68 : i32
        %add3A_70 = arith.constant 0 : i32
        %add3A_71 = arith.addi %add3A_70, %mul3A_69 : i32
        %broadcast_in_dim3A = arith.constant 0.000000e+00 : f32
        %broadcast_in_dim3A_72 = vector.broadcast %broadcast_in_dim3A : f32 to vector<16xf32>
        %mul3A_73 = arith.constant 16 : i32
        %mul3A_74 = arith.muli %add3A_71, %mul3A_73 : i32
        %swap3A = arith.index_cast %add3A_61 : i32 to index
        %swap3A_75 = arith.index_cast %mul3A_74 : i32 to index
        %swap3A_76 = tpu.vector_load %arg8[%swap3A, %swap3A_75] {strides = array<i32>} : memref<80x128xf32, #tpu.memory_space<vmem>>, vector<1x16xf32>,
        %swap3A_77 = vector.shape_cast %swap3A_76 : vector<1x16xf32> to vector<16xf32>
        %swap3A_78 = vector.shape_cast %broadcast_in_dim3A_72 : vector<16xf32> to vector<1x16xf32>
        tpu.vector_store %arg8[%swap3A, %swap3A_75], %swap3A_78 {strides = array<i32>} : memref<80x128xf32, #tpu.memory_space<vmem>>, vector<1x16xf32>,
      }
      %scan3A_66 = arith.constant 8 : i32
    }
    %scan3A_17 = arith.constant 80 : i32
    %scan3A_18 = arith.constant 0 : i32
    %scan3A_19 = arith.constant 7 : i32
    %scan3A_20 = arith.addi %scan3A_18, %scan3A_19 : i32
    %scan3A_21 = arith.constant 1 : i32
    scf.for %scan3A_57 = %scan3A_18 to %scan3A_20 step %scan3A_21  : i32 {
      %mul3A_58 = arith.constant 1 : i32
      %mul3A_59 = arith.muli %scan3A_57, %mul3A_58 : i32
      %add3A_60 = arith.constant 0 : i32
      %add3A_61 = arith.addi %add3A_60, %mul3A_59 : i32
      %mul3A_62 = arith.constant 80 : i32
      %mul3A_63 = arith.muli %add3A_61, %mul3A_62 : i32
      %add3A_64 = arith.addi %mul3A_2, %mul3A_63 : i32
      "tpu.region"() ({
        %run_scoped3A = tpu.sem_alloc : memref<!tpu.dma_semaphore, #tpu.memory_space<semaphore_mem>>
        %dma_start3A_65 = arith.constant 0 : i32
        %dma_start3A_66 = tpu.memref_slice %arg10[%add3A_64, %dma_start3A_65] : memref<10112x128xf32, #tpu.memory_space<vmem_shared>> -> memref<80x128xf32, #tpu.memory_space<vmem_shared>>
        %dma_start3A_67 = arith.constant 0 : i32
        %dma_start3A_68 = tpu.memref_slice %arg10[%add3A_64, %dma_start3A_67] : memref<10112x128xf32, #tpu.memory_space<vmem_shared>> -> memref<80x128xf32, #tpu.memory_space<vmem_shared>>
        tpu.enqueue_dma source(%arg8 : memref<80x128xf32, #tpu.memory_space<vmem>>) target(%dma_start3A_68 : memref<80x128xf32, #tpu.memory_space<vmem_shared>>) target_semaphore(%run_scoped3A : memref<!tpu.dma_semaphore, #tpu.memory_space<semaphore_mem>>)
        %dma_wait3A_69 = arith.constant 0 : i32
        %dma_wait3A_70 = tpu.memref_slice %arg10[%add3A_64, %dma_wait3A_69] : memref<10112x128xf32, #tpu.memory_space<vmem_shared>> -> memref<80x128xf32, #tpu.memory_space<vmem_shared>>
        %dma_wait3A_71 = arith.constant 0 : i32
        %dma_wait3A_72 = tpu.memref_slice %arg10[%add3A_64, %dma_wait3A_71] : memref<10112x128xf32, #tpu.memory_space<vmem_shared>> -> memref<80x128xf32, #tpu.memory_space<vmem_shared>>
        tpu.wait_dma2 semaphore(%run_scoped3A : memref<!tpu.dma_semaphore, #tpu.memory_space<semaphore_mem>>) src(%arg8 : memref<80x128xf32, #tpu.memory_space<vmem>>) dst(%dma_wait3A_72 : memref<80x128xf32, #tpu.memory_space<vmem_shared>>)
        tpu.yield
      }) : () -> ()
    }
    %scan3A_22 = arith.constant 7 : i32
    %add3A_23 = arith.constant 560 : i32
    %add3A_24 = arith.addi %mul3A_2, %add3A_23 : i32
    "tpu.region"() ({
      %run_scoped3A = tpu.sem_alloc : memref<!tpu.dma_semaphore, #tpu.memory_space<semaphore_mem>>
      %dma_start3A_57 = arith.constant 0 : i32
      %dma_start3A_58 = arith.constant 0 : i32
      %dma_start3A_59 = tpu.memref_slice %arg8[%dma_start3A_57, %dma_start3A_58] : memref<80x128xf32, #tpu.memory_space<vmem>> -> memref<72x128xf32, #tpu.memory_space<vmem>>
      %dma_start3A_60 = arith.constant 0 : i32
      %dma_start3A_61 = tpu.memref_slice %arg10[%add3A_24, %dma_start3A_60] : memref<10112x128xf32, #tpu.memory_space<vmem_shared>> -> memref<72x128xf32, #tpu.memory_space<vmem_shared>>
      %dma_start3A_62 = arith.constant 0 : i32
      %dma_start3A_63 = tpu.memref_slice %arg10[%add3A_24, %dma_start3A_62] : memref<10112x128xf32, #tpu.memory_space<vmem_shared>> -> memref<72x128xf32, #tpu.memory_space<vmem_shared>>
      %dma_start3A_64 = arith.constant 0 : i32
      %dma_start3A_65 = arith.constant 0 : i32
      %dma_start3A_66 = tpu.memref_slice %arg8[%dma_start3A_64, %dma_start3A_65] : memref<80x128xf32, #tpu.memory_space<vmem>> -> memref<72x128xf32, #tpu.memory_space<vmem>>
      tpu.enqueue_dma source(%dma_start3A_66 : memref<72x128xf32, #tpu.memory_space<vmem>>) target(%dma_start3A_63 : memref<72x128xf32, #tpu.memory_space<vmem_shared>>) target_semaphore(%run_scoped3A : memref<!tpu.dma_semaphore, #tpu.memory_space<semaphore_mem>>)
      %dma_wait3A_67 = arith.constant 0 : i32
      %dma_wait3A_68 = arith.constant 0 : i32
      %dma_wait3A_69 = tpu.memref_slice %arg8[%dma_wait3A_67, %dma_wait3A_68] : memref<80x128xf32, #tpu.memory_space<vmem>> -> memref<72x128xf32, #tpu.memory_space<vmem>>
      %dma_wait3A_70 = arith.constant 0 : i32
      %dma_wait3A_71 = tpu.memref_slice %arg10[%add3A_24, %dma_wait3A_70] : memref<10112x128xf32, #tpu.memory_space<vmem_shared>> -> memref<72x128xf32, #tpu.memory_space<vmem_shared>>
      %dma_wait3A_72 = arith.constant 0 : i32
      %dma_wait3A_73 = tpu.memref_slice %arg10[%add3A_24, %dma_wait3A_72] : memref<10112x128xf32, #tpu.memory_space<vmem_shared>> -> memref<72x128xf32, #tpu.memory_space<vmem_shared>>
      %dma_wait3A_74 = arith.constant 0 : i32
      %dma_wait3A_75 = arith.constant 0 : i32
      %dma_wait3A_76 = tpu.memref_slice %arg8[%dma_wait3A_74, %dma_wait3A_75] : memref<80x128xf32, #tpu.memory_space<vmem>> -> memref<72x128xf32, #tpu.memory_space<vmem>>
      tpu.wait_dma2 semaphore(%run_scoped3A : memref<!tpu.dma_semaphore, #tpu.memory_space<semaphore_mem>>) src(%dma_wait3A_76 : memref<72x128xf32, #tpu.memory_space<vmem>>) dst(%dma_wait3A_73 : memref<72x128xf32, #tpu.memory_space<vmem_shared>>)
      tpu.yield
    }) : () -> ()
    %dma_wait3A = arith.constant 0 : i32
    %dma_wait3A_25 = tpu.memref_slice %arg3[%add3A, %dma_wait3A] : memref<32x10000xi32, #tpu.memory_space<hbm>> -> memref<1x10000xi32, #tpu.memory_space<hbm>>
    %dma_wait3A_26 = tpu.memref_squeeze %dma_wait3A_25 : memref<1x10000xi32, #tpu.memory_space<hbm>> -> memref<10000xi32, #tpu.memory_space<hbm>>
    %dma_wait3A_27 = arith.constant 0 : i32
    %dma_wait3A_28 = tpu.memref_slice %arg3[%add3A, %dma_wait3A_27] : memref<32x10000xi32, #tpu.memory_space<hbm>> -> memref<1x10000xi32, #tpu.memory_space<hbm>>
    %dma_wait3A_29 = tpu.memref_squeeze %dma_wait3A_28 : memref<1x10000xi32, #tpu.memory_space<hbm>> -> memref<10000xi32, #tpu.memory_space<hbm>>
    tpu.wait_dma2 semaphore(%arg13 : memref<!tpu.dma_semaphore, #tpu.memory_space<semaphore_mem>>) src(%dma_wait3A_29 : memref<10000xi32, #tpu.memory_space<hbm>>) dst(%arg6 : memref<10000xi32, #tpu.memory_space<vmem>>)
    %dma_wait3A_30 = arith.constant 0 : i32
    %dma_wait3A_31 = tpu.memref_slice %arg4[%add3A, %dma_wait3A_30] : memref<32x10000xi32, #tpu.memory_space<hbm>> -> memref<1x10000xi32, #tpu.memory_space<hbm>>
    %dma_wait3A_32 = tpu.memref_squeeze %dma_wait3A_31 : memref<1x10000xi32, #tpu.memory_space<hbm>> -> memref<10000xi32, #tpu.memory_space<hbm>>
    %dma_wait3A_33 = arith.constant 0 : i32
    %dma_wait3A_34 = tpu.memref_slice %arg4[%add3A, %dma_wait3A_33] : memref<32x10000xi32, #tpu.memory_space<hbm>> -> memref<1x10000xi32, #tpu.memory_space<hbm>>
    %dma_wait3A_35 = tpu.memref_squeeze %dma_wait3A_34 : memref<1x10000xi32, #tpu.memory_space<hbm>> -> memref<10000xi32, #tpu.memory_space<hbm>>
    tpu.wait_dma2 semaphore(%arg13 : memref<!tpu.dma_semaphore, #tpu.memory_space<semaphore_mem>>) src(%dma_wait3A_35 : memref<10000xi32, #tpu.memory_space<hbm>>) dst(%arg7 : memref<10000xi32, #tpu.memory_space<vmem>>)
    %dma_start3A_36 = arith.constant 0 : i32
    %dma_start3A_37 = tpu.memref_slice %arg6[%dma_start3A_36] : memref<10000xi32, #tpu.memory_space<vmem>> -> memref<80xi32, #tpu.memory_space<vmem>>
    %dma_start3A_38 = arith.constant 0 : i32
    %dma_start3A_39 = arith.constant 0 : i32
    %dma_start3A_40 = tpu.memref_slice %arg2[%dma_start3A_38, %dma_start3A_39] : memref<10000x128xf32, #tpu.memory_space<hbm>> -> memref<10000x128xf32, #tpu.memory_space<hbm>>
    tpu.enqueue_indirect_dma source(%dma_start3A_40 : memref<10000x128xf32, #tpu.memory_space<hbm>>) target(%arg8 : memref<80x128xf32, #tpu.memory_space<vmem>>) offsets(%dma_start3A_37 : memref<80xi32, #tpu.memory_space<vmem>>) semaphore(%arg11 : memref<!tpu.dma_semaphore, #tpu.memory_space<semaphore_mem>>)
    %dma_start3A_41 = arith.constant 80 : i32
    %dma_start3A_42 = tpu.memref_slice %arg6[%dma_start3A_41] : memref<10000xi32, #tpu.memory_space<vmem>> -> memref<80xi32, #tpu.memory_space<vmem>>
    %dma_start3A_43 = arith.constant 0 : i32
    %dma_start3A_44 = arith.constant 0 : i32
    %dma_start3A_45 = tpu.memref_slice %arg2[%dma_start3A_43, %dma_start3A_44] : memref<10000x128xf32, #tpu.memory_space<hbm>> -> memref<10000x128xf32, #tpu.memory_space<hbm>>
    tpu.enqueue_indirect_dma source(%dma_start3A_45 : memref<10000x128xf32, #tpu.memory_space<hbm>>) target(%arg9 : memref<80x128xf32, #tpu.memory_space<vmem>>) offsets(%dma_start3A_42 : memref<80xi32, #tpu.memory_space<vmem>>) semaphore(%arg12 : memref<!tpu.dma_semaphore, #tpu.memory_space<semaphore_mem>>)
    %barrier3A = arith.constant 0 : index
    tpu.barrier barrier_id(%barrier3A)
    %scan3A_46 = arith.constant 0 : i32
    %scan3A_47 = arith.constant 62 : i32
    %scan3A_48 = arith.addi %scan3A_46, %scan3A_47 : i32
    %scan3A_49 = arith.constant 1 : i32
    scf.for %scan3A_57 = %scan3A_46 to %scan3A_48 step %scan3A_49  : i32 {
      %mul3A_58 = arith.constant 1 : i32
      %mul3A_59 = arith.muli %scan3A_57, %mul3A_58 : i32
      %add3A_60 = arith.constant 0 : i32
      %add3A_61 = arith.addi %add3A_60, %mul3A_59 : i32
      %mul3A_62 = arith.constant 2 : i32
      %mul3A_63 = arith.muli %add3A_61, %mul3A_62 : i32
      %add3A_64 = arith.constant 0 : i32
      %add3A_65 = arith.addi %mul3A_63, %add3A_64 : i32
      %mul3A_66 = arith.constant 80 : i32
      %mul3A_67 = arith.muli %add3A_65, %mul3A_66 : i32
      %dma_wait3A_68 = tpu.memref_slice %arg6[%mul3A_67] : memref<10000xi32, #tpu.memory_space<vmem>> -> memref<80xi32, #tpu.memory_space<vmem>>
      %dma_wait3A_69 = arith.constant 0 : i32
      %dma_wait3A_70 = arith.constant 0 : i32
      %dma_wait3A_71 = tpu.memref_slice %arg2[%dma_wait3A_69, %dma_wait3A_70] : memref<10000x128xf32, #tpu.memory_space<hbm>> -> memref<10000x128xf32, #tpu.memory_space<hbm>>
      tpu.wait_indirect_dma semaphore(%arg11 : memref<!tpu.dma_semaphore, #tpu.memory_space<semaphore_mem>>) src(%dma_wait3A_71 : memref<10000x128xf32, #tpu.memory_space<hbm>>) dst(%arg8 : memref<80x128xf32, #tpu.memory_space<vmem>>)
      %mul3A_72 = arith.constant 80 : i32
      %mul3A_73 = arith.muli %add3A_65, %mul3A_72 : i32
      "tpu.region"() ({
        %run_scoped3A = tpu.sem_alloc : memref<!tpu.dma_semaphore, #tpu.memory_space<semaphore_mem>>
        %dma_start3A_95 = tpu.memref_slice %arg7[%mul3A_73] : memref<10000xi32, #tpu.memory_space<vmem>> -> memref<80xi32, #tpu.memory_space<vmem>>
        %dma_start3A_96 = arith.constant 0 : i32
        %dma_start3A_97 = arith.constant 0 : i32
        %dma_start3A_98 = tpu.memref_slice %arg10[%dma_start3A_96, %dma_start3A_97] : memref<10112x128xf32, #tpu.memory_space<vmem_shared>> -> memref<10112x128xf32, #tpu.memory_space<vmem_shared>>
        tpu.enqueue_indirect_dma source(%arg8 : memref<80x128xf32, #tpu.memory_space<vmem>>) target(%dma_start3A_98 : memref<10112x128xf32, #tpu.memory_space<vmem_shared>>) offsets(%dma_start3A_95 : memref<80xi32, #tpu.memory_space<vmem>>) semaphore(%run_scoped3A : memref<!tpu.dma_semaphore, #tpu.memory_space<semaphore_mem>>) {add = true}
        %dma_wait3A_99 = tpu.memref_slice %arg7[%mul3A_73] : memref<10000xi32, #tpu.memory_space<vmem>> -> memref<80xi32, #tpu.memory_space<vmem>>
        %dma_wait3A_100 = arith.constant 0 : i32
        %dma_wait3A_101 = arith.constant 0 : i32
        %dma_wait3A_102 = tpu.memref_slice %arg10[%dma_wait3A_100, %dma_wait3A_101] : memref<10112x128xf32, #tpu.memory_space<vmem_shared>> -> memref<10112x128xf32, #tpu.memory_space<vmem_shared>>
        tpu.wait_indirect_dma semaphore(%run_scoped3A : memref<!tpu.dma_semaphore, #tpu.memory_space<semaphore_mem>>) src(%arg8 : memref<80x128xf32, #tpu.memory_space<vmem>>) dst(%dma_wait3A_102 : memref<10112x128xf32, #tpu.memory_space<vmem_shared>>)
        tpu.yield
      }) : () -> ()
      %add3A_74 = arith.constant 2 : i32
      %add3A_75 = arith.addi %add3A_65, %add3A_74 : i32
      %lt3A = arith.constant 125 : i32
      %lt3A_76 = arith.cmpi slt, %add3A_75, %lt3A : i32
      %convert_element_type3A = arith.extui %lt3A_76 : i1 to i32
      %cond3A = arith.constant 0 : i32
      %cond3A_77 = arith.cmpi ne, %convert_element_type3A, %cond3A : i32
      scf.if %cond3A_77 {
        %mul3A_95 = arith.constant 80 : i32
        %mul3A_96 = arith.muli %add3A_75, %mul3A_95 : i32
        %dma_start3A_97 = tpu.memref_slice %arg6[%mul3A_96] : memref<10000xi32, #tpu.memory_space<vmem>> -> memref<80xi32, #tpu.memory_space<vmem>>
        %dma_start3A_98 = arith.constant 0 : i32
        %dma_start3A_99 = arith.constant 0 : i32
        %dma_start3A_100 = tpu.memref_slice %arg2[%dma_start3A_98, %dma_start3A_99] : memref<10000x128xf32, #tpu.memory_space<hbm>> -> memref<10000x128xf32, #tpu.memory_space<hbm>>
        tpu.enqueue_indirect_dma source(%dma_start3A_100 : memref<10000x128xf32, #tpu.memory_space<hbm>>) target(%arg8 : memref<80x128xf32, #tpu.memory_space<vmem>>) offsets(%dma_start3A_97 : memref<80xi32, #tpu.memory_space<vmem>>) semaphore(%arg11 : memref<!tpu.dma_semaphore, #tpu.memory_space<semaphore_mem>>)
      } else {
      }
      %add3A_78 = arith.constant 1 : i32
      %add3A_79 = arith.addi %mul3A_63, %add3A_78 : i32
      %mul3A_80 = arith.constant 80 : i32
      %mul3A_81 = arith.muli %add3A_79, %mul3A_80 : i32
      %dma_wait3A_82 = tpu.memref_slice %arg6[%mul3A_81] : memref<10000xi32, #tpu.memory_space<vmem>> -> memref<80xi32, #tpu.memory_space<vmem>>
      %dma_wait3A_83 = arith.constant 0 : i32
      %dma_wait3A_84 = arith.constant 0 : i32
      %dma_wait3A_85 = tpu.memref_slice %arg2[%dma_wait3A_83, %dma_wait3A_84] : memref<10000x128xf32, #tpu.memory_space<hbm>> -> memref<10000x128xf32, #tpu.memory_space<hbm>>
      tpu.wait_indirect_dma semaphore(%arg12 : memref<!tpu.dma_semaphore, #tpu.memory_space<semaphore_mem>>) src(%dma_wait3A_85 : memref<10000x128xf32, #tpu.memory_space<hbm>>) dst(%arg9 : memref<80x128xf32, #tpu.memory_space<vmem>>)
      %mul3A_86 = arith.constant 80 : i32
      %mul3A_87 = arith.muli %add3A_79, %mul3A_86 : i32
      "tpu.region"() ({
        %run_scoped3A = tpu.sem_alloc : memref<!tpu.dma_semaphore, #tpu.memory_space<semaphore_mem>>
        %dma_start3A_95 = tpu.memref_slice %arg7[%mul3A_87] : memref<10000xi32, #tpu.memory_space<vmem>> -> memref<80xi32, #tpu.memory_space<vmem>>
        %dma_start3A_96 = arith.constant 0 : i32
        %dma_start3A_97 = arith.constant 0 : i32
        %dma_start3A_98 = tpu.memref_slice %arg10[%dma_start3A_96, %dma_start3A_97] : memref<10112x128xf32, #tpu.memory_space<vmem_shared>> -> memref<10112x128xf32, #tpu.memory_space<vmem_shared>>
        tpu.enqueue_indirect_dma source(%arg9 : memref<80x128xf32, #tpu.memory_space<vmem>>) target(%dma_start3A_98 : memref<10112x128xf32, #tpu.memory_space<vmem_shared>>) offsets(%dma_start3A_95 : memref<80xi32, #tpu.memory_space<vmem>>) semaphore(%run_scoped3A : memref<!tpu.dma_semaphore, #tpu.memory_space<semaphore_mem>>) {add = true}
        %dma_wait3A_99 = tpu.memref_slice %arg7[%mul3A_87] : memref<10000xi32, #tpu.memory_space<vmem>> -> memref<80xi32, #tpu.memory_space<vmem>>
        %dma_wait3A_100 = arith.constant 0 : i32
        %dma_wait3A_101 = arith.constant 0 : i32
        %dma_wait3A_102 = tpu.memref_slice %arg10[%dma_wait3A_100, %dma_wait3A_101] : memref<10112x128xf32, #tpu.memory_space<vmem_shared>> -> memref<10112x128xf32, #tpu.memory_space<vmem_shared>>
        tpu.wait_indirect_dma semaphore(%run_scoped3A : memref<!tpu.dma_semaphore, #tpu.memory_space<semaphore_mem>>) src(%arg9 : memref<80x128xf32, #tpu.memory_space<vmem>>) dst(%dma_wait3A_102 : memref<10112x128xf32, #tpu.memory_space<vmem_shared>>)
        tpu.yield
      }) : () -> ()
      %add3A_88 = arith.constant 2 : i32
      %add3A_89 = arith.addi %add3A_79, %add3A_88 : i32
      %lt3A_90 = arith.constant 125 : i32
      %lt3A_91 = arith.cmpi slt, %add3A_89, %lt3A_90 : i32
      %convert_element_type3A_92 = arith.extui %lt3A_91 : i1 to i32
      %cond3A_93 = arith.constant 0 : i32
      %cond3A_94 = arith.cmpi ne, %convert_element_type3A_92, %cond3A_93 : i32
      scf.if %cond3A_94 {
        %mul3A_95 = arith.constant 80 : i32
        %mul3A_96 = arith.muli %add3A_89, %mul3A_95 : i32
        %dma_start3A_97 = tpu.memref_slice %arg6[%mul3A_96] : memref<10000xi32, #tpu.memory_space<vmem>> -> memref<80xi32, #tpu.memory_space<vmem>>
        %dma_start3A_98 = arith.constant 0 : i32
        %dma_start3A_99 = arith.constant 0 : i32
        %dma_start3A_100 = tpu.memref_slice %arg2[%dma_start3A_98, %dma_start3A_99] : memref<10000x128xf32, #tpu.memory_space<hbm>> -> memref<10000x128xf32, #tpu.memory_space<hbm>>
        tpu.enqueue_indirect_dma source(%dma_start3A_100 : memref<10000x128xf32, #tpu.memory_space<hbm>>) target(%arg9 : memref<80x128xf32, #tpu.memory_space<vmem>>) offsets(%dma_start3A_97 : memref<80xi32, #tpu.memory_space<vmem>>) semaphore(%arg12 : memref<!tpu.dma_semaphore, #tpu.memory_space<semaphore_mem>>)
      } else {
      }
    }
    %scan3A_50 = arith.constant 62 : i32
    %dma_wait3A_51 = arith.constant 9920 : i32
    %dma_wait3A_52 = tpu.memref_slice %arg6[%dma_wait3A_51] : memref<10000xi32, #tpu.memory_space<vmem>> -> memref<80xi32, #tpu.memory_space<vmem>>
    %dma_wait3A_53 = arith.constant 0 : i32
    %dma_wait3A_54 = arith.constant 0 : i32
    %dma_wait3A_55 = tpu.memref_slice %arg2[%dma_wait3A_53, %dma_wait3A_54] : memref<10000x128xf32, #tpu.memory_space<hbm>> -> memref<10000x128xf32, #tpu.memory_space<hbm>>
    tpu.wait_indirect_dma semaphore(%arg11 : memref<!tpu.dma_semaphore, #tpu.memory_space<semaphore_mem>>) src(%dma_wait3A_55 : memref<10000x128xf32, #tpu.memory_space<hbm>>) dst(%arg8 : memref<80x128xf32, #tpu.memory_space<vmem>>)
    "tpu.region"() ({
      %run_scoped3A = tpu.sem_alloc : memref<!tpu.dma_semaphore, #tpu.memory_space<semaphore_mem>>
      %dma_start3A_57 = arith.constant 9920 : i32
      %dma_start3A_58 = tpu.memref_slice %arg7[%dma_start3A_57] : memref<10000xi32, #tpu.memory_space<vmem>> -> memref<80xi32, #tpu.memory_space<vmem>>
      %dma_start3A_59 = arith.constant 0 : i32
      %dma_start3A_60 = arith.constant 0 : i32
      %dma_start3A_61 = tpu.memref_slice %arg10[%dma_start3A_59, %dma_start3A_60] : memref<10112x128xf32, #tpu.memory_space<vmem_shared>> -> memref<10112x128xf32, #tpu.memory_space<vmem_shared>>
      tpu.enqueue_indirect_dma source(%arg8 : memref<80x128xf32, #tpu.memory_space<vmem>>) target(%dma_start3A_61 : memref<10112x128xf32, #tpu.memory_space<vmem_shared>>) offsets(%dma_start3A_58 : memref<80xi32, #tpu.memory_space<vmem>>) semaphore(%run_scoped3A : memref<!tpu.dma_semaphore, #tpu.memory_space<semaphore_mem>>) {add = true}
      %dma_wait3A_62 = arith.constant 9920 : i32
      %dma_wait3A_63 = tpu.memref_slice %arg7[%dma_wait3A_62] : memref<10000xi32, #tpu.memory_space<vmem>> -> memref<80xi32, #tpu.memory_space<vmem>>
      %dma_wait3A_64 = arith.constant 0 : i32
      %dma_wait3A_65 = arith.constant 0 : i32
      %dma_wait3A_66 = tpu.memref_slice %arg10[%dma_wait3A_64, %dma_wait3A_65] : memref<10112x128xf32, #tpu.memory_space<vmem_shared>> -> memref<10112x128xf32, #tpu.memory_space<vmem_shared>>
      tpu.wait_indirect_dma semaphore(%run_scoped3A : memref<!tpu.dma_semaphore, #tpu.memory_space<semaphore_mem>>) src(%arg8 : memref<80x128xf32, #tpu.memory_space<vmem>>) dst(%dma_wait3A_66 : memref<10112x128xf32, #tpu.memory_space<vmem_shared>>)
      tpu.yield
    }) : () -> ()
    %barrier3A_56 = arith.constant 0 : index
    tpu.barrier barrier_id(%barrier3A_56)
    "tpu.region"() ({
      %run_scoped3A = tpu.sem_alloc : memref<!tpu.dma_semaphore, #tpu.memory_space<semaphore_mem>>
      %dma_start3A_57 = arith.constant 0 : i32
      %dma_start3A_58 = tpu.memref_slice %arg5[%arg0, %mul3A_2, %dma_start3A_57] : memref<2x10112x128xf32, #tpu.memory_space<hbm>> -> memref<1x632x128xf32, #tpu.memory_space<hbm>>
      %dma_start3A_59 = tpu.memref_squeeze %dma_start3A_58 : memref<1x632x128xf32, #tpu.memory_space<hbm>> -> memref<632x128xf32, #tpu.memory_space<hbm>>
      %dma_start3A_60 = arith.constant 0 : i32
      %dma_start3A_61 = tpu.memref_slice %arg10[%mul3A_2, %dma_start3A_60] : memref<10112x128xf32, #tpu.memory_space<vmem_shared>> -> memref<632x128xf32, #tpu.memory_space<vmem_shared>>
      tpu.enqueue_dma source(%dma_start3A_61 : memref<632x128xf32, #tpu.memory_space<vmem_shared>>) target(%dma_start3A_59 : memref<632x128xf32, #tpu.memory_space<hbm>>) target_semaphore(%run_scoped3A : memref<!tpu.dma_semaphore, #tpu.memory_space<semaphore_mem>>)
      %dma_wait3A_62 = arith.constant 0 : i32
      %dma_wait3A_63 = tpu.memref_slice %arg5[%arg0, %mul3A_2, %dma_wait3A_62] : memref<2x10112x128xf32, #tpu.memory_space<hbm>> -> memref<1x632x128xf32, #tpu.memory_space<hbm>>
      %dma_wait3A_64 = tpu.memref_squeeze %dma_wait3A_63 : memref<1x632x128xf32, #tpu.memory_space<hbm>> -> memref<632x128xf32, #tpu.memory_space<hbm>>
      %dma_wait3A_65 = arith.constant 0 : i32
      %dma_wait3A_66 = tpu.memref_slice %arg10[%mul3A_2, %dma_wait3A_65] : memref<10112x128xf32, #tpu.memory_space<vmem_shared>> -> memref<632x128xf32, #tpu.memory_space<vmem_shared>>
      tpu.wait_dma2 semaphore(%run_scoped3A : memref<!tpu.dma_semaphore, #tpu.memory_space<semaphore_mem>>) src(%dma_wait3A_66 : memref<632x128xf32, #tpu.memory_space<vmem_shared>>) dst(%dma_wait3A_64 : memref<632x128xf32, #tpu.memory_space<hbm>>)
      tpu.yield
    }) : () -> ()
    return
  }
}

#map = affine_map<(d0, d1) -> (0, 0)>
#map1 = affine_map<(d0, d1) -> (0, 0, 0)>
module attributes {stable_mosaic.version = 14 : i64} {
  func.func @k(%arg0: i32, %arg1: i32, %arg2: memref<10000x128xf32, #tpu.memory_space<hbm>>, %arg3: memref<32x10000xi32, #tpu.memory_space<hbm>>, %arg4: memref<32x10000xi32, #tpu.memory_space<hbm>>, %arg5: memref<2x10112x128xf32, #tpu.memory_space<hbm>>, %arg6: memref<10000xi32, #tpu.memory_space<vmem>>, %arg7: memref<10000xi32, #tpu.memory_space<vmem>>, %arg8: memref<80x128xf32, #tpu.memory_space<vmem>>, %arg9: memref<80x128xf32, #tpu.memory_space<vmem>>, %arg10: memref<10112x128xf32, #tpu.memory_space<vmem_shared>>, %arg11: memref<!tpu.dma_semaphore, #tpu.memory_space<semaphore_mem>>, %arg12: memref<!tpu.dma_semaphore, #tpu.memory_space<semaphore_mem>>, %arg13: memref<!tpu.dma_semaphore, #tpu.memory_space<semaphore_mem>>) attributes {dimension_semantics = [#tpu.dimension_semantics<core_parallel>, #tpu.dimension_semantics<subcore_parallel>], iteration_bounds = array<i64: 2, 16>, scalar_prefetch = 0 : i64, scratch_operands = 8 : i64, tpu.core_type = #tpu.core_type<sc_vector_subcore>, window_params = [{transform_indices = #map}, {transform_indices = #map}, {transform_indices = #map}, {transform_indices = #map1}]} {
    %mul3A = arith.constant 2 : i32
    %mul3A_0 = arith.muli %arg1, %mul3A : i32
    %add3A = arith.addi %mul3A_0, %arg0 : i32
    %mul3A_1 = arith.constant 632 : i32
    %mul3A_2 = arith.muli %arg1, %mul3A_1 : i32
    %dma_start3A = arith.constant 0 : i32
    %dma_start3A_3 = tpu.memref_slice %arg3[%add3A, %dma_start3A] : memref<32x10000xi32, #tpu.memory_space<hbm>> -> memref<1x10000xi32, #tpu.memory_space<hbm>>
    %dma_start3A_4 = tpu.memref_squeeze %dma_start3A_3 : memref<1x10000xi32, #tpu.memory_space<hbm>> -> memref<10000xi32, #tpu.memory_space<hbm>>
    %dma_start3A_5 = arith.constant 0 : i32
    %dma_start3A_6 = tpu.memref_slice %arg3[%add3A, %dma_start3A_5] : memref<32x10000xi32, #tpu.memory_space<hbm>> -> memref<1x10000xi32, #tpu.memory_space<hbm>>
    %dma_start3A_7 = tpu.memref_squeeze %dma_start3A_6 : memref<1x10000xi32, #tpu.memory_space<hbm>> -> memref<10000xi32, #tpu.memory_space<hbm>>
    tpu.enqueue_dma source(%dma_start3A_7 : memref<10000xi32, #tpu.memory_space<hbm>>) target(%arg6 : memref<10000xi32, #tpu.memory_space<vmem>>) target_semaphore(%arg13 : memref<!tpu.dma_semaphore, #tpu.memory_space<semaphore_mem>>)
    %dma_start3A_8 = arith.constant 0 : i32
    %dma_start3A_9 = tpu.memref_slice %arg4[%add3A, %dma_start3A_8] : memref<32x10000xi32, #tpu.memory_space<hbm>> -> memref<1x10000xi32, #tpu.memory_space<hbm>>
    %dma_start3A_10 = tpu.memref_squeeze %dma_start3A_9 : memref<1x10000xi32, #tpu.memory_space<hbm>> -> memref<10000xi32, #tpu.memory_space<hbm>>
    %dma_start3A_11 = arith.constant 0 : i32
    %dma_start3A_12 = tpu.memref_slice %arg4[%add3A, %dma_start3A_11] : memref<32x10000xi32, #tpu.memory_space<hbm>> -> memref<1x10000xi32, #tpu.memory_space<hbm>>
    %dma_start3A_13 = tpu.memref_squeeze %dma_start3A_12 : memref<1x10000xi32, #tpu.memory_space<hbm>> -> memref<10000xi32, #tpu.memory_space<hbm>>
    tpu.enqueue_dma source(%dma_start3A_13 : memref<10000xi32, #tpu.memory_space<hbm>>) target(%arg7 : memref<10000xi32, #tpu.memory_space<vmem>>) target_semaphore(%arg13 : memref<!tpu.dma_semaphore, #tpu.memory_space<semaphore_mem>>)
    %scan3A = arith.constant 0 : i32
    %scan3A_14 = arith.constant 80 : i32
    %scan3A_15 = arith.addi %scan3A, %scan3A_14 : i32
    %scan3A_16 = arith.constant 1 : i32
    scf.for %scan3A_57 = %scan3A to %scan3A_15 step %scan3A_16  : i32 {
      %mul3A_58 = arith.constant 1 : i32
      %mul3A_59 = arith.muli %scan3A_57, %mul3A_58 : i32
      %add3A_60 = arith.constant 0 : i32
      %add3A_61 = arith.addi %add3A_60, %mul3A_59 : i32
      %scan3A_62 = arith.constant 0 : i32
      %scan3A_63 = arith.constant 8 : i32
      %scan3A_64 = arith.addi %scan3A_62, %scan3A_63 : i32
      %scan3A_65 = arith.constant 1 : i32
      scf.for %scan3A_67 = %scan3A_62 to %scan3A_64 step %scan3A_65  : i32 {
        %mul3A_68 = arith.constant 1 : i32
        %mul3A_69 = arith.muli %scan3A_67, %mul3A_68 : i32
        %add3A_70 = arith.constant 0 : i32
        %add3A_71 = arith.addi %add3A_70, %mul3A_69 : i32
        %broadcast_in_dim3A = arith.constant 0.000000e+00 : f32
        %broadcast_in_dim3A_72 = vector.broadcast %broadcast_in_dim3A : f32 to vector<16xf32>
        %mul3A_73 = arith.constant 16 : i32
        %mul3A_74 = arith.muli %add3A_71, %mul3A_73 : i32
        %swap3A = arith.index_cast %add3A_61 : i32 to index
        %swap3A_75 = arith.index_cast %mul3A_74 : i32 to index
        %swap3A_76 = tpu.vector_load %arg8[%swap3A, %swap3A_75] {strides = array<i32>} : memref<80x128xf32, #tpu.memory_space<vmem>>, vector<1x16xf32>,
        %swap3A_77 = vector.shape_cast %swap3A_76 : vector<1x16xf32> to vector<16xf32>
        %swap3A_78 = vector.shape_cast %broadcast_in_dim3A_72 : vector<16xf32> to vector<1x16xf32>
        tpu.vector_store %arg8[%swap3A, %swap3A_75], %swap3A_78 {strides = array<i32>} : memref<80x128xf32, #tpu.memory_space<vmem>>, vector<1x16xf32>,
      }
      %scan3A_66 = arith.constant 8 : i32
    }
    %scan3A_17 = arith.constant 80 : i32
    %scan3A_18 = arith.constant 0 : i32
    %scan3A_19 = arith.constant 7 : i32
    %scan3A_20 = arith.addi %scan3A_18, %scan3A_19 : i32
    %scan3A_21 = arith.constant 1 : i32
    scf.for %scan3A_57 = %scan3A_18 to %scan3A_20 step %scan3A_21  : i32 {
      %mul3A_58 = arith.constant 1 : i32
      %mul3A_59 = arith.muli %scan3A_57, %mul3A_58 : i32
      %add3A_60 = arith.constant 0 : i32
      %add3A_61 = arith.addi %add3A_60, %mul3A_59 : i32
      %mul3A_62 = arith.constant 80 : i32
      %mul3A_63 = arith.muli %add3A_61, %mul3A_62 : i32
      %add3A_64 = arith.addi %mul3A_2, %mul3A_63 : i32
      "tpu.region"() ({
        %run_scoped3A = tpu.sem_alloc : memref<!tpu.dma_semaphore, #tpu.memory_space<semaphore_mem>>
        %dma_start3A_65 = arith.constant 0 : i32
        %dma_start3A_66 = tpu.memref_slice %arg10[%add3A_64, %dma_start3A_65] : memref<10112x128xf32, #tpu.memory_space<vmem_shared>> -> memref<80x128xf32, #tpu.memory_space<vmem_shared>>
        %dma_start3A_67 = arith.constant 0 : i32
        %dma_start3A_68 = tpu.memref_slice %arg10[%add3A_64, %dma_start3A_67] : memref<10112x128xf32, #tpu.memory_space<vmem_shared>> -> memref<80x128xf32, #tpu.memory_space<vmem_shared>>
        tpu.enqueue_dma source(%arg8 : memref<80x128xf32, #tpu.memory_space<vmem>>) target(%dma_start3A_68 : memref<80x128xf32, #tpu.memory_space<vmem_shared>>) target_semaphore(%run_scoped3A : memref<!tpu.dma_semaphore, #tpu.memory_space<semaphore_mem>>)
        %dma_wait3A_69 = arith.constant 0 : i32
        %dma_wait3A_70 = tpu.memref_slice %arg10[%add3A_64, %dma_wait3A_69] : memref<10112x128xf32, #tpu.memory_space<vmem_shared>> -> memref<80x128xf32, #tpu.memory_space<vmem_shared>>
        %dma_wait3A_71 = arith.constant 0 : i32
        %dma_wait3A_72 = tpu.memref_slice %arg10[%add3A_64, %dma_wait3A_71] : memref<10112x128xf32, #tpu.memory_space<vmem_shared>> -> memref<80x128xf32, #tpu.memory_space<vmem_shared>>
        tpu.wait_dma2 semaphore(%run_scoped3A : memref<!tpu.dma_semaphore, #tpu.memory_space<semaphore_mem>>) src(%arg8 : memref<80x128xf32, #tpu.memory_space<vmem>>) dst(%dma_wait3A_72 : memref<80x128xf32, #tpu.memory_space<vmem_shared>>)
        tpu.yield
      }) : () -> ()
    }
    %scan3A_22 = arith.constant 7 : i32
    %add3A_23 = arith.constant 560 : i32
    %add3A_24 = arith.addi %mul3A_2, %add3A_23 : i32
    "tpu.region"() ({
      %run_scoped3A = tpu.sem_alloc : memref<!tpu.dma_semaphore, #tpu.memory_space<semaphore_mem>>
      %dma_start3A_57 = arith.constant 0 : i32
      %dma_start3A_58 = arith.constant 0 : i32
      %dma_start3A_59 = tpu.memref_slice %arg8[%dma_start3A_57, %dma_start3A_58] : memref<80x128xf32, #tpu.memory_space<vmem>> -> memref<72x128xf32, #tpu.memory_space<vmem>>
      %dma_start3A_60 = arith.constant 0 : i32
      %dma_start3A_61 = tpu.memref_slice %arg10[%add3A_24, %dma_start3A_60] : memref<10112x128xf32, #tpu.memory_space<vmem_shared>> -> memref<72x128xf32, #tpu.memory_space<vmem_shared>>
      %dma_start3A_62 = arith.constant 0 : i32
      %dma_start3A_63 = tpu.memref_slice %arg10[%add3A_24, %dma_start3A_62] : memref<10112x128xf32, #tpu.memory_space<vmem_shared>> -> memref<72x128xf32, #tpu.memory_space<vmem_shared>>
      %dma_start3A_64 = arith.constant 0 : i32
      %dma_start3A_65 = arith.constant 0 : i32
      %dma_start3A_66 = tpu.memref_slice %arg8[%dma_start3A_64, %dma_start3A_65] : memref<80x128xf32, #tpu.memory_space<vmem>> -> memref<72x128xf32, #tpu.memory_space<vmem>>
      tpu.enqueue_dma source(%dma_start3A_66 : memref<72x128xf32, #tpu.memory_space<vmem>>) target(%dma_start3A_63 : memref<72x128xf32, #tpu.memory_space<vmem_shared>>) target_semaphore(%run_scoped3A : memref<!tpu.dma_semaphore, #tpu.memory_space<semaphore_mem>>)
      %dma_wait3A_67 = arith.constant 0 : i32
      %dma_wait3A_68 = arith.constant 0 : i32
      %dma_wait3A_69 = tpu.memref_slice %arg8[%dma_wait3A_67, %dma_wait3A_68] : memref<80x128xf32, #tpu.memory_space<vmem>> -> memref<72x128xf32, #tpu.memory_space<vmem>>
      %dma_wait3A_70 = arith.constant 0 : i32
      %dma_wait3A_71 = tpu.memref_slice %arg10[%add3A_24, %dma_wait3A_70] : memref<10112x128xf32, #tpu.memory_space<vmem_shared>> -> memref<72x128xf32, #tpu.memory_space<vmem_shared>>
      %dma_wait3A_72 = arith.constant 0 : i32
      %dma_wait3A_73 = tpu.memref_slice %arg10[%add3A_24, %dma_wait3A_72] : memref<10112x128xf32, #tpu.memory_space<vmem_shared>> -> memref<72x128xf32, #tpu.memory_space<vmem_shared>>
      %dma_wait3A_74 = arith.constant 0 : i32
      %dma_wait3A_75 = arith.constant 0 : i32
      %dma_wait3A_76 = tpu.memref_slice %arg8[%dma_wait3A_74, %dma_wait3A_75] : memref<80x128xf32, #tpu.memory_space<vmem>> -> memref<72x128xf32, #tpu.memory_space<vmem>>
      tpu.wait_dma2 semaphore(%run_scoped3A : memref<!tpu.dma_semaphore, #tpu.memory_space<semaphore_mem>>) src(%dma_wait3A_76 : memref<72x128xf32, #tpu.memory_space<vmem>>) dst(%dma_wait3A_73 : memref<72x128xf32, #tpu.memory_space<vmem_shared>>)
      tpu.yield
    }) : () -> ()
    %dma_wait3A = arith.constant 0 : i32
    %dma_wait3A_25 = tpu.memref_slice %arg3[%add3A, %dma_wait3A] : memref<32x10000xi32, #tpu.memory_space<hbm>> -> memref<1x10000xi32, #tpu.memory_space<hbm>>
    %dma_wait3A_26 = tpu.memref_squeeze %dma_wait3A_25 : memref<1x10000xi32, #tpu.memory_space<hbm>> -> memref<10000xi32, #tpu.memory_space<hbm>>
    %dma_wait3A_27 = arith.constant 0 : i32
    %dma_wait3A_28 = tpu.memref_slice %arg3[%add3A, %dma_wait3A_27] : memref<32x10000xi32, #tpu.memory_space<hbm>> -> memref<1x10000xi32, #tpu.memory_space<hbm>>
    %dma_wait3A_29 = tpu.memref_squeeze %dma_wait3A_28 : memref<1x10000xi32, #tpu.memory_space<hbm>> -> memref<10000xi32, #tpu.memory_space<hbm>>
    tpu.wait_dma2 semaphore(%arg13 : memref<!tpu.dma_semaphore, #tpu.memory_space<semaphore_mem>>) src(%dma_wait3A_29 : memref<10000xi32, #tpu.memory_space<hbm>>) dst(%arg6 : memref<10000xi32, #tpu.memory_space<vmem>>)
    %dma_wait3A_30 = arith.constant 0 : i32
    %dma_wait3A_31 = tpu.memref_slice %arg4[%add3A, %dma_wait3A_30] : memref<32x10000xi32, #tpu.memory_space<hbm>> -> memref<1x10000xi32, #tpu.memory_space<hbm>>
    %dma_wait3A_32 = tpu.memref_squeeze %dma_wait3A_31 : memref<1x10000xi32, #tpu.memory_space<hbm>> -> memref<10000xi32, #tpu.memory_space<hbm>>
    %dma_wait3A_33 = arith.constant 0 : i32
    %dma_wait3A_34 = tpu.memref_slice %arg4[%add3A, %dma_wait3A_33] : memref<32x10000xi32, #tpu.memory_space<hbm>> -> memref<1x10000xi32, #tpu.memory_space<hbm>>
    %dma_wait3A_35 = tpu.memref_squeeze %dma_wait3A_34 : memref<1x10000xi32, #tpu.memory_space<hbm>> -> memref<10000xi32, #tpu.memory_space<hbm>>
    tpu.wait_dma2 semaphore(%arg13 : memref<!tpu.dma_semaphore, #tpu.memory_space<semaphore_mem>>) src(%dma_wait3A_35 : memref<10000xi32, #tpu.memory_space<hbm>>) dst(%arg7 : memref<10000xi32, #tpu.memory_space<vmem>>)
    %dma_start3A_36 = arith.constant 0 : i32
    %dma_start3A_37 = tpu.memref_slice %arg6[%dma_start3A_36] : memref<10000xi32, #tpu.memory_space<vmem>> -> memref<80xi32, #tpu.memory_space<vmem>>
    %dma_start3A_38 = arith.constant 0 : i32
    %dma_start3A_39 = arith.constant 0 : i32
    %dma_start3A_40 = tpu.memref_slice %arg2[%dma_start3A_38, %dma_start3A_39] : memref<10000x128xf32, #tpu.memory_space<hbm>> -> memref<10000x128xf32, #tpu.memory_space<hbm>>
    tpu.enqueue_indirect_dma source(%dma_start3A_40 : memref<10000x128xf32, #tpu.memory_space<hbm>>) target(%arg8 : memref<80x128xf32, #tpu.memory_space<vmem>>) offsets(%dma_start3A_37 : memref<80xi32, #tpu.memory_space<vmem>>) semaphore(%arg11 : memref<!tpu.dma_semaphore, #tpu.memory_space<semaphore_mem>>)
    %dma_start3A_41 = arith.constant 80 : i32
    %dma_start3A_42 = tpu.memref_slice %arg6[%dma_start3A_41] : memref<10000xi32, #tpu.memory_space<vmem>> -> memref<80xi32, #tpu.memory_space<vmem>>
    %dma_start3A_43 = arith.constant 0 : i32
    %dma_start3A_44 = arith.constant 0 : i32
    %dma_start3A_45 = tpu.memref_slice %arg2[%dma_start3A_43, %dma_start3A_44] : memref<10000x128xf32, #tpu.memory_space<hbm>> -> memref<10000x128xf32, #tpu.memory_space<hbm>>
    tpu.enqueue_indirect_dma source(%dma_start3A_45 : memref<10000x128xf32, #tpu.memory_space<hbm>>) target(%arg9 : memref<80x128xf32, #tpu.memory_space<vmem>>) offsets(%dma_start3A_42 : memref<80xi32, #tpu.memory_space<vmem>>) semaphore(%arg12 : memref<!tpu.dma_semaphore, #tpu.memory_space<semaphore_mem>>)
    %barrier3A = arith.constant 0 : index
    tpu.barrier barrier_id(%barrier3A)
    %scan3A_46 = arith.constant 0 : i32
    %scan3A_47 = arith.constant 62 : i32
    %scan3A_48 = arith.addi %scan3A_46, %scan3A_47 : i32
    %scan3A_49 = arith.constant 1 : i32
    scf.for %scan3A_57 = %scan3A_46 to %scan3A_48 step %scan3A_49  : i32 {
      %mul3A_58 = arith.constant 1 : i32
      %mul3A_59 = arith.muli %scan3A_57, %mul3A_58 : i32
      %add3A_60 = arith.constant 0 : i32
      %add3A_61 = arith.addi %add3A_60, %mul3A_59 : i32
      %mul3A_62 = arith.constant 2 : i32
      %mul3A_63 = arith.muli %add3A_61, %mul3A_62 : i32
      %add3A_64 = arith.constant 0 : i32
      %add3A_65 = arith.addi %mul3A_63, %add3A_64 : i32
      %mul3A_66 = arith.constant 80 : i32
      %mul3A_67 = arith.muli %add3A_65, %mul3A_66 : i32
      %dma_wait3A_68 = tpu.memref_slice %arg6[%mul3A_67] : memref<10000xi32, #tpu.memory_space<vmem>> -> memref<80xi32, #tpu.memory_space<vmem>>
      %dma_wait3A_69 = arith.constant 0 : i32
      %dma_wait3A_70 = arith.constant 0 : i32
      %dma_wait3A_71 = tpu.memref_slice %arg2[%dma_wait3A_69, %dma_wait3A_70] : memref<10000x128xf32, #tpu.memory_space<hbm>> -> memref<10000x128xf32, #tpu.memory_space<hbm>>
      tpu.wait_indirect_dma semaphore(%arg11 : memref<!tpu.dma_semaphore, #tpu.memory_space<semaphore_mem>>) src(%dma_wait3A_71 : memref<10000x128xf32, #tpu.memory_space<hbm>>) dst(%arg8 : memref<80x128xf32, #tpu.memory_space<vmem>>)
      %mul3A_72 = arith.constant 80 : i32
      %mul3A_73 = arith.muli %add3A_65, %mul3A_72 : i32
      "tpu.region"() ({
        %run_scoped3A = tpu.sem_alloc : memref<!tpu.dma_semaphore, #tpu.memory_space<semaphore_mem>>
        %dma_start3A_95 = tpu.memref_slice %arg7[%mul3A_73] : memref<10000xi32, #tpu.memory_space<vmem>> -> memref<80xi32, #tpu.memory_space<vmem>>
        %dma_start3A_96 = arith.constant 0 : i32
        %dma_start3A_97 = arith.constant 0 : i32
        %dma_start3A_98 = tpu.memref_slice %arg10[%dma_start3A_96, %dma_start3A_97] : memref<10112x128xf32, #tpu.memory_space<vmem_shared>> -> memref<10112x128xf32, #tpu.memory_space<vmem_shared>>
        tpu.enqueue_indirect_dma source(%arg8 : memref<80x128xf32, #tpu.memory_space<vmem>>) target(%dma_start3A_98 : memref<10112x128xf32, #tpu.memory_space<vmem_shared>>) offsets(%dma_start3A_95 : memref<80xi32, #tpu.memory_space<vmem>>) semaphore(%run_scoped3A : memref<!tpu.dma_semaphore, #tpu.memory_space<semaphore_mem>>) {add = true}
        %dma_wait3A_99 = tpu.memref_slice %arg7[%mul3A_73] : memref<10000xi32, #tpu.memory_space<vmem>> -> memref<80xi32, #tpu.memory_space<vmem>>
        %dma_wait3A_100 = arith.constant 0 : i32
        %dma_wait3A_101 = arith.constant 0 : i32
        %dma_wait3A_102 = tpu.memref_slice %arg10[%dma_wait3A_100, %dma_wait3A_101] : memref<10112x128xf32, #tpu.memory_space<vmem_shared>> -> memref<10112x128xf32, #tpu.memory_space<vmem_shared>>
        tpu.wait_indirect_dma semaphore(%run_scoped3A : memref<!tpu.dma_semaphore, #tpu.memory_space<semaphore_mem>>) src(%arg8 : memref<80x128xf32, #tpu.memory_space<vmem>>) dst(%dma_wait3A_102 : memref<10112x128xf32, #tpu.memory_space<vmem_shared>>)
        tpu.yield
      }) : () -> ()
      %add3A_74 = arith.constant 2 : i32
      %add3A_75 = arith.addi %add3A_65, %add3A_74 : i32
      %lt3A = arith.constant 125 : i32
      %lt3A_76 = arith.cmpi slt, %add3A_75, %lt3A : i32
      %convert_element_type3A = arith.extui %lt3A_76 : i1 to i32
      %cond3A = arith.constant 0 : i32
      %cond3A_77 = arith.cmpi ne, %convert_element_type3A, %cond3A : i32
      scf.if %cond3A_77 {
        %mul3A_95 = arith.constant 80 : i32
        %mul3A_96 = arith.muli %add3A_75, %mul3A_95 : i32
        %dma_start3A_97 = tpu.memref_slice %arg6[%mul3A_96] : memref<10000xi32, #tpu.memory_space<vmem>> -> memref<80xi32, #tpu.memory_space<vmem>>
        %dma_start3A_98 = arith.constant 0 : i32
        %dma_start3A_99 = arith.constant 0 : i32
        %dma_start3A_100 = tpu.memref_slice %arg2[%dma_start3A_98, %dma_start3A_99] : memref<10000x128xf32, #tpu.memory_space<hbm>> -> memref<10000x128xf32, #tpu.memory_space<hbm>>
        tpu.enqueue_indirect_dma source(%dma_start3A_100 : memref<10000x128xf32, #tpu.memory_space<hbm>>) target(%arg8 : memref<80x128xf32, #tpu.memory_space<vmem>>) offsets(%dma_start3A_97 : memref<80xi32, #tpu.memory_space<vmem>>) semaphore(%arg11 : memref<!tpu.dma_semaphore, #tpu.memory_space<semaphore_mem>>)
      } else {
      }
      %add3A_78 = arith.constant 1 : i32
      %add3A_79 = arith.addi %mul3A_63, %add3A_78 : i32
      %mul3A_80 = arith.constant 80 : i32
      %mul3A_81 = arith.muli %add3A_79, %mul3A_80 : i32
      %dma_wait3A_82 = tpu.memref_slice %arg6[%mul3A_81] : memref<10000xi32, #tpu.memory_space<vmem>> -> memref<80xi32, #tpu.memory_space<vmem>>
      %dma_wait3A_83 = arith.constant 0 : i32
      %dma_wait3A_84 = arith.constant 0 : i32
      %dma_wait3A_85 = tpu.memref_slice %arg2[%dma_wait3A_83, %dma_wait3A_84] : memref<10000x128xf32, #tpu.memory_space<hbm>> -> memref<10000x128xf32, #tpu.memory_space<hbm>>
      tpu.wait_indirect_dma semaphore(%arg12 : memref<!tpu.dma_semaphore, #tpu.memory_space<semaphore_mem>>) src(%dma_wait3A_85 : memref<10000x128xf32, #tpu.memory_space<hbm>>) dst(%arg9 : memref<80x128xf32, #tpu.memory_space<vmem>>)
      %mul3A_86 = arith.constant 80 : i32
      %mul3A_87 = arith.muli %add3A_79, %mul3A_86 : i32
      "tpu.region"() ({
        %run_scoped3A = tpu.sem_alloc : memref<!tpu.dma_semaphore, #tpu.memory_space<semaphore_mem>>
        %dma_start3A_95 = tpu.memref_slice %arg7[%mul3A_87] : memref<10000xi32, #tpu.memory_space<vmem>> -> memref<80xi32, #tpu.memory_space<vmem>>
        %dma_start3A_96 = arith.constant 0 : i32
        %dma_start3A_97 = arith.constant 0 : i32
        %dma_start3A_98 = tpu.memref_slice %arg10[%dma_start3A_96, %dma_start3A_97] : memref<10112x128xf32, #tpu.memory_space<vmem_shared>> -> memref<10112x128xf32, #tpu.memory_space<vmem_shared>>
        tpu.enqueue_indirect_dma source(%arg9 : memref<80x128xf32, #tpu.memory_space<vmem>>) target(%dma_start3A_98 : memref<10112x128xf32, #tpu.memory_space<vmem_shared>>) offsets(%dma_start3A_95 : memref<80xi32, #tpu.memory_space<vmem>>) semaphore(%run_scoped3A : memref<!tpu.dma_semaphore, #tpu.memory_space<semaphore_mem>>) {add = true}
        %dma_wait3A_99 = tpu.memref_slice %arg7[%mul3A_87] : memref<10000xi32, #tpu.memory_space<vmem>> -> memref<80xi32, #tpu.memory_space<vmem>>
        %dma_wait3A_100 = arith.constant 0 : i32
        %dma_wait3A_101 = arith.constant 0 : i32
        %dma_wait3A_102 = tpu.memref_slice %arg10[%dma_wait3A_100, %dma_wait3A_101] : memref<10112x128xf32, #tpu.memory_space<vmem_shared>> -> memref<10112x128xf32, #tpu.memory_space<vmem_shared>>
        tpu.wait_indirect_dma semaphore(%run_scoped3A : memref<!tpu.dma_semaphore, #tpu.memory_space<semaphore_mem>>) src(%arg9 : memref<80x128xf32, #tpu.memory_space<vmem>>) dst(%dma_wait3A_102 : memref<10112x128xf32, #tpu.memory_space<vmem_shared>>)
        tpu.yield
      }) : () -> ()
      %add3A_88 = arith.constant 2 : i32
      %add3A_89 = arith.addi %add3A_79, %add3A_88 : i32
      %lt3A_90 = arith.constant 125 : i32
      %lt3A_91 = arith.cmpi slt, %add3A_89, %lt3A_90 : i32
      %convert_element_type3A_92 = arith.extui %lt3A_91 : i1 to i32
      %cond3A_93 = arith.constant 0 : i32
      %cond3A_94 = arith.cmpi ne, %convert_element_type3A_92, %cond3A_93 : i32
      scf.if %cond3A_94 {
        %mul3A_95 = arith.constant 80 : i32
        %mul3A_96 = arith.muli %add3A_89, %mul3A_95 : i32
        %dma_start3A_97 = tpu.memref_slice %arg6[%mul3A_96] : memref<10000xi32, #tpu.memory_space<vmem>> -> memref<80xi32, #tpu.memory_space<vmem>>
        %dma_start3A_98 = arith.constant 0 : i32
        %dma_start3A_99 = arith.constant 0 : i32
        %dma_start3A_100 = tpu.memref_slice %arg2[%dma_start3A_98, %dma_start3A_99] : memref<10000x128xf32, #tpu.memory_space<hbm>> -> memref<10000x128xf32, #tpu.memory_space<hbm>>
        tpu.enqueue_indirect_dma source(%dma_start3A_100 : memref<10000x128xf32, #tpu.memory_space<hbm>>) target(%arg9 : memref<80x128xf32, #tpu.memory_space<vmem>>) offsets(%dma_start3A_97 : memref<80xi32, #tpu.memory_space<vmem>>) semaphore(%arg12 : memref<!tpu.dma_semaphore, #tpu.memory_space<semaphore_mem>>)
      } else {
      }
    }
    %scan3A_50 = arith.constant 62 : i32
    %dma_wait3A_51 = arith.constant 9920 : i32
    %dma_wait3A_52 = tpu.memref_slice %arg6[%dma_wait3A_51] : memref<10000xi32, #tpu.memory_space<vmem>> -> memref<80xi32, #tpu.memory_space<vmem>>
    %dma_wait3A_53 = arith.constant 0 : i32
    %dma_wait3A_54 = arith.constant 0 : i32
    %dma_wait3A_55 = tpu.memref_slice %arg2[%dma_wait3A_53, %dma_wait3A_54] : memref<10000x128xf32, #tpu.memory_space<hbm>> -> memref<10000x128xf32, #tpu.memory_space<hbm>>
    tpu.wait_indirect_dma semaphore(%arg11 : memref<!tpu.dma_semaphore, #tpu.memory_space<semaphore_mem>>) src(%dma_wait3A_55 : memref<10000x128xf32, #tpu.memory_space<hbm>>) dst(%arg8 : memref<80x128xf32, #tpu.memory_space<vmem>>)
    "tpu.region"() ({
      %run_scoped3A = tpu.sem_alloc : memref<!tpu.dma_semaphore, #tpu.memory_space<semaphore_mem>>
      %dma_start3A_57 = arith.constant 9920 : i32
      %dma_start3A_58 = tpu.memref_slice %arg7[%dma_start3A_57] : memref<10000xi32, #tpu.memory_space<vmem>> -> memref<80xi32, #tpu.memory_space<vmem>>
      %dma_start3A_59 = arith.constant 0 : i32
      %dma_start3A_60 = arith.constant 0 : i32
      %dma_start3A_61 = tpu.memref_slice %arg10[%dma_start3A_59, %dma_start3A_60] : memref<10112x128xf32, #tpu.memory_space<vmem_shared>> -> memref<10112x128xf32, #tpu.memory_space<vmem_shared>>
      tpu.enqueue_indirect_dma source(%arg8 : memref<80x128xf32, #tpu.memory_space<vmem>>) target(%dma_start3A_61 : memref<10112x128xf32, #tpu.memory_space<vmem_shared>>) offsets(%dma_start3A_58 : memref<80xi32, #tpu.memory_space<vmem>>) semaphore(%run_scoped3A : memref<!tpu.dma_semaphore, #tpu.memory_space<semaphore_mem>>) {add = true}
      %dma_wait3A_62 = arith.constant 9920 : i32
      %dma_wait3A_63 = tpu.memref_slice %arg7[%dma_wait3A_62] : memref<10000xi32, #tpu.memory_space<vmem>> -> memref<80xi32, #tpu.memory_space<vmem>>
      %dma_wait3A_64 = arith.constant 0 : i32
      %dma_wait3A_65 = arith.constant 0 : i32
      %dma_wait3A_66 = tpu.memref_slice %arg10[%dma_wait3A_64, %dma_wait3A_65] : memref<10112x128xf32, #tpu.memory_space<vmem_shared>> -> memref<10112x128xf32, #tpu.memory_space<vmem_shared>>
      tpu.wait_indirect_dma semaphore(%run_scoped3A : memref<!tpu.dma_semaphore, #tpu.memory_space<semaphore_mem>>) src(%arg8 : memref<80x128xf32, #tpu.memory_space<vmem>>) dst(%dma_wait3A_66 : memref<10112x128xf32, #tpu.memory_space<vmem_shared>>)
      tpu.yield
    }) : () -> ()
    %barrier3A_56 = arith.constant 0 : index
    tpu.barrier barrier_id(%barrier3A_56)
    "tpu.region"() ({
      %run_scoped3A = tpu.sem_alloc : memref<!tpu.dma_semaphore, #tpu.memory_space<semaphore_mem>>
      %dma_start3A_57 = arith.constant 0 : i32
      %dma_start3A_58 = tpu.memref_slice %arg5[%arg0, %mul3A_2, %dma_start3A_57] : memref<2x10112x128xf32, #tpu.memory_space<hbm>> -> memref<1x632x128xf32, #tpu.memory_space<hbm>>
      %dma_start3A_59 = tpu.memref_squeeze %dma_start3A_58 : memref<1x632x128xf32, #tpu.memory_space<hbm>> -> memref<632x128xf32, #tpu.memory_space<hbm>>
      %dma_start3A_60 = arith.constant 0 : i32
      %dma_start3A_61 = tpu.memref_slice %arg10[%mul3A_2, %dma_start3A_60] : memref<10112x128xf32, #tpu.memory_space<vmem_shared>> -> memref<632x128xf32, #tpu.memory_space<vmem_shared>>
      tpu.enqueue_dma source(%dma_start3A_61 : memref<632x128xf32, #tpu.memory_space<vmem_shared>>) target(%dma_start3A_59 : memref<632x128xf32, #tpu.memory_space<hbm>>) target_semaphore(%run_scoped3A : memref<!tpu.dma_semaphore, #tpu.memory_space<semaphore_mem>>)
      %dma_wait3A_62 = arith.constant 0 : i32
      %dma_wait3A_63 = tpu.memref_slice %arg5[%arg0, %mul3A_2, %dma_wait3A_62] : memref<2x10112x128xf32, #tpu.memory_space<hbm>> -> memref<1x632x128xf32, #tpu.memory_space<hbm>>
      %dma_wait3A_64 = tpu.memref_squeeze %dma_wait3A_63 : memref<1x632x128xf32, #tpu.memory_space<hbm>> -> memref<632x128xf32, #tpu.memory_space<hbm>>
      %dma_wait3A_65 = arith.constant 0 : i32
      %dma_wait3A_66 = tpu.memref_slice %arg10[%mul3A_2, %dma_wait3A_65] : memref<10112x128xf32, #tpu.memory_space<vmem_shared>> -> memref<632x128xf32, #tpu.memory_space<vmem_shared>>
      tpu.wait_dma2 semaphore(%run_scoped3A : memref<!tpu.dma_semaphore, #tpu.memory_space<semaphore_mem>>) src(%dma_wait3A_66 : memref<632x128xf32, #tpu.memory_space<vmem_shared>>) dst(%dma_wait3A_64 : memref<632x128xf32, #tpu.memory_space<hbm>>)
      tpu.yield
    }) : () -> ()
    return
  }
}

module attributes {stable_mosaic.version = 14 : i64} {
  func.func @body(%arg0: i32, %arg1: memref<1000x128xf32, #tpu.memory_space<vmem>>, %arg2: memref<2x1000x128xf32, #tpu.memory_space<vmem>>, %arg3: memref<128x128xf32, #tpu.memory_space<vmem>>, %arg4: memref<1x128xf32, #tpu.memory_space<vmem>>, %arg5: memref<128x128xf32, #tpu.memory_space<vmem>>, %arg6: memref<1x128xf32, #tpu.memory_space<vmem>>, %arg7: memref<1000x128xf32, #tpu.memory_space<vmem>>, %arg8: memref<8x128xf32, #tpu.memory_space<vmem>>) attributes {dimension_semantics = [#tpu.dimension_semantics<arbitrary>], iteration_bounds = array<i64: 10>, scalar_prefetch = 0 : i64, scratch_operands = 0 : i64, tpu.core_type = #tpu.core_type<tc>, window_params = [{transform_indices = @transform_0, window_bounds = array<i64: 1000, 128>}, {transform_indices = @transform_1, window_bounds = array<i64: 2, 1000, 128>}, {pipeline_mode = #tpu.pipeline_mode<synchronous>, transform_indices = @transform_2, window_bounds = array<i64: 128, 128>}, {pipeline_mode = #tpu.pipeline_mode<synchronous>, transform_indices = @transform_3, window_bounds = array<i64: 1, 128>}, {pipeline_mode = #tpu.pipeline_mode<synchronous>, transform_indices = @transform_4, window_bounds = array<i64: 128, 128>}, {pipeline_mode = #tpu.pipeline_mode<synchronous>, transform_indices = @transform_5, window_bounds = array<i64: 1, 128>}, {transform_indices = @transform_6, window_bounds = array<i64: 1000, 128>}, {pipeline_mode = #tpu.pipeline_mode<synchronous>, transform_indices = @transform_7, window_bounds = array<i64: 8, 128>}]} {
    %get3A = arith.constant 0 : index
    %get3A_0 = arith.constant 0 : index
    %get3A_1 = vector.load %arg1[%get3A, %get3A_0] : memref<1000x128xf32, #tpu.memory_space<vmem>>, vector<1000x128xf32>
    %get3A_2 = arith.constant 0 : index
    %get3A_3 = arith.constant 0 : index
    %get3A_4 = arith.constant 0 : index
    %get3A_5 = vector.load %arg2[%get3A_2, %get3A_3, %get3A_4] : memref<2x1000x128xf32, #tpu.memory_space<vmem>>, vector<1x1000x128xf32>
    %get3A_6 = vector.shape_cast %get3A_5 : vector<1x1000x128xf32> to vector<1000x128xf32>
    %add3A = arith.addf %get3A_1, %get3A_6 : vector<1000x128xf32>
    %get3A_7 = arith.constant 1 : index
    %get3A_8 = arith.constant 0 : index
    %get3A_9 = arith.constant 0 : index
    %get3A_10 = vector.load %arg2[%get3A_7, %get3A_8, %get3A_9] : memref<2x1000x128xf32, #tpu.memory_space<vmem>>, vector<1x1000x128xf32>
    %get3A_11 = vector.shape_cast %get3A_10 : vector<1x1000x128xf32> to vector<1000x128xf32>
    %add3A_12 = arith.addf %add3A, %get3A_11 : vector<1000x128xf32>
    %convert_element_type3A = arith.truncf %add3A_12 : vector<1000x128xf32> to vector<1000x128xbf16>
    %get3A_13 = arith.constant 0 : index
    %get3A_14 = arith.constant 0 : index
    %get3A_15 = vector.load %arg3[%get3A_13, %get3A_14] : memref<128x128xf32, #tpu.memory_space<vmem>>, vector<128x128xf32>
    %convert_element_type3A_16 = arith.truncf %get3A_15 : vector<128x128xf32> to vector<128x128xbf16>
    %dot_general3A = arith.constant dense<0.000000e+00> : vector<1000x128xf32>
    %dot_general3A_17 = tpu.matmul %convert_element_type3A, %convert_element_type3A_16, %dot_general3A {dimension_numbers = #tpu.dot_dimension_numbers<[1], [0], [0], [1], [0, 0, 1, 1], [], []>, transpose_lhs_hint = false} : vector<1000x128xbf16>, vector<128x128xbf16>, vector<1000x128xf32> -> vector<1000x128xf32>
    %get3A_18 = arith.constant 0 : index
    %get3A_19 = arith.constant 0 : index
    %get3A_20 = vector.load %arg4[%get3A_18, %get3A_19] : memref<1x128xf32, #tpu.memory_space<vmem>>, vector<1x128xf32>
    %add3A_21 = vector.broadcast %get3A_20 : vector<1x128xf32> to vector<1000x128xf32>
    %add3A_22 = arith.addf %dot_general3A_17, %add3A_21 : vector<1000x128xf32>
    %max3A = arith.constant 0.000000e+00 : f32
    %max3A_23 = vector.broadcast %max3A : f32 to vector<1000x128xf32>
    %max3A_24 = arith.maximumf %add3A_22, %max3A_23 : vector<1000x128xf32>
    %convert_element_type3A_25 = arith.truncf %max3A_24 : vector<1000x128xf32> to vector<1000x128xbf16>
    %get3A_26 = arith.constant 0 : index
    %get3A_27 = arith.constant 0 : index
    %get3A_28 = vector.load %arg5[%get3A_26, %get3A_27] : memref<128x128xf32, #tpu.memory_space<vmem>>, vector<128x128xf32>
    %convert_element_type3A_29 = arith.truncf %get3A_28 : vector<128x128xf32> to vector<128x128xbf16>
    %dot_general3A_30 = arith.constant dense<0.000000e+00> : vector<1000x128xf32>
    %dot_general3A_31 = tpu.matmul %convert_element_type3A_25, %convert_element_type3A_29, %dot_general3A_30 {dimension_numbers = #tpu.dot_dimension_numbers<[1], [0], [0], [1], [0, 0, 1, 1], [], []>, transpose_lhs_hint = false} : vector<1000x128xbf16>, vector<128x128xbf16>, vector<1000x128xf32> -> vector<1000x128xf32>
    %get3A_32 = arith.constant 0 : index
    %get3A_33 = arith.constant 0 : index
    %get3A_34 = vector.load %arg6[%get3A_32, %get3A_33] : memref<1x128xf32, #tpu.memory_space<vmem>>, vector<1x128xf32>
    %add3A_35 = vector.broadcast %get3A_34 : vector<1x128xf32> to vector<1000x128xf32>
    %add3A_36 = arith.addf %dot_general3A_31, %add3A_35 : vector<1000x128xf32>
    %gt3A = arith.constant 0.000000e+00 : f32
    %gt3A_37 = vector.broadcast %gt3A : f32 to vector<1000x128xf32>
    %gt3A_38 = arith.cmpf ogt, %add3A_36, %gt3A_37 : vector<1000x128xf32>
    %min3A = arith.constant 0.000000e+00 : f32
    %min3A_39 = vector.broadcast %min3A : f32 to vector<1000x128xf32>
    %min3A_40 = arith.minimumf %add3A_36, %min3A_39 : vector<1000x128xf32>
    %exp3A = math.exp %min3A_40 : vector<1000x128xf32>
    %sub3A = arith.constant 1.000000e+00 : f32
    %sub3A_41 = vector.broadcast %sub3A : f32 to vector<1000x128xf32>
    %sub3A_42 = arith.subf %exp3A, %sub3A_41 : vector<1000x128xf32>
    %select_n3A = arith.select %gt3A_38, %add3A_36, %sub3A_42 : vector<1000x128xi1>, vector<1000x128xf32>
    %swap3A = arith.constant 0 : index
    %swap3A_43 = arith.constant 0 : index
    %swap3A_44 = vector.load %arg7[%swap3A, %swap3A_43] : memref<1000x128xf32, #tpu.memory_space<vmem>>, vector<1000x128xf32>
    tpu.vector_store %arg7[%swap3A, %swap3A_43], %select_n3A {strides = array<i32>} : memref<1000x128xf32, #tpu.memory_space<vmem>>, vector<1000x128xf32>,
    %reduce_sum3A = arith.constant dense<0.000000e+00> : vector<128xf32>
    %reduce_sum3A_45 = vector.multi_reduction <add>, %select_n3A, %reduce_sum3A [0] : vector<1000x128xf32> to vector<128xf32>
    %broadcast_in_dim3A = vector.shape_cast %reduce_sum3A_45 : vector<128xf32> to vector<1x128xf32>
    %mul3A = arith.mulf %select_n3A, %select_n3A : vector<1000x128xf32>
    %reduce_sum3A_46 = arith.constant dense<0.000000e+00> : vector<128xf32>
    %reduce_sum3A_47 = vector.multi_reduction <add>, %mul3A, %reduce_sum3A_46 [0] : vector<1000x128xf32> to vector<128xf32>
    %broadcast_in_dim3A_48 = vector.shape_cast %reduce_sum3A_47 : vector<128xf32> to vector<1x128xf32>
    %broadcast_in_dim3A_49 = arith.constant 0.000000e+00 : f32
    %broadcast_in_dim3A_50 = vector.broadcast %broadcast_in_dim3A_49 : f32 to vector<6x128xf32>
    %concatenate3A = tpu.concatenate %broadcast_in_dim3A, %broadcast_in_dim3A_48, %broadcast_in_dim3A_50 in 0 : vector<1x128xf32>, vector<1x128xf32>, vector<6x128xf32> -> vector<8x128xf32>
    %eq3A = arith.constant 0 : i32
    %eq3A_51 = arith.cmpi eq, %arg0, %eq3A : i32
    %convert_element_type3A_52 = arith.extui %eq3A_51 : i1 to i32
    %cond3A = arith.constant 0 : i32
    %cond3A_53 = arith.cmpi ne, %convert_element_type3A_52, %cond3A : i32
    scf.if %cond3A_53 {
      %swap3A_58 = arith.constant 0 : index
      %swap3A_59 = arith.constant 0 : index
      %swap3A_60 = vector.load %arg8[%swap3A_58, %swap3A_59] : memref<8x128xf32, #tpu.memory_space<vmem>>, vector<8x128xf32>
      tpu.vector_store %arg8[%swap3A_58, %swap3A_59], %concatenate3A {strides = array<i32>} : memref<8x128xf32, #tpu.memory_space<vmem>>, vector<8x128xf32>,
    } else {
    }
    %ne3A = arith.constant 0 : i32
    %ne3A_54 = arith.cmpi ne, %arg0, %ne3A : i32
    %convert_element_type3A_55 = arith.extui %ne3A_54 : i1 to i32
    %cond3A_56 = arith.constant 0 : i32
    %cond3A_57 = arith.cmpi ne, %convert_element_type3A_55, %cond3A_56 : i32
    scf.if %cond3A_57 {
      %get3A_58 = arith.constant 0 : index
      %get3A_59 = arith.constant 0 : index
      %get3A_60 = vector.load %arg8[%get3A_58, %get3A_59] : memref<8x128xf32, #tpu.memory_space<vmem>>, vector<8x128xf32>
      %add3A_61 = arith.addf %get3A_60, %concatenate3A : vector<8x128xf32>
      %swap3A_62 = arith.constant 0 : index
      %swap3A_63 = arith.constant 0 : index
      %swap3A_64 = vector.load %arg8[%swap3A_62, %swap3A_63] : memref<8x128xf32, #tpu.memory_space<vmem>>, vector<8x128xf32>
      tpu.vector_store %arg8[%swap3A_62, %swap3A_63], %add3A_61 {strides = array<i32>} : memref<8x128xf32, #tpu.memory_space<vmem>>, vector<8x128xf32>,
    } else {
    }
    return
  }
  func.func @transform_0(%arg0: i32) -> (i32, i32) {
    %c0_i32 = arith.constant 0 : i32
    %c0_i32_0 = arith.constant 0 : i32
    return %arg0, %c0_i32 : i32, i32
  }
  func.func @transform_1(%arg0: i32) -> (i32, i32, i32) {
    %c0_i32 = arith.constant 0 : i32
    %c0_i32_0 = arith.constant 0 : i32
    %c0_i32_1 = arith.constant 0 : i32
    return %c0_i32, %arg0, %c0_i32_0 : i32, i32, i32
  }
  func.func @transform_2(%arg0: i32) -> (i32, i32) {
    %c0_i32 = arith.constant 0 : i32
    %c0_i32_0 = arith.constant 0 : i32
    %c0_i32_1 = arith.constant 0 : i32
    return %c0_i32, %c0_i32_0 : i32, i32
  }
  func.func @transform_3(%arg0: i32) -> (i32, i32) {
    %c0_i32 = arith.constant 0 : i32
    %c0_i32_0 = arith.constant 0 : i32
    %c0_i32_1 = arith.constant 0 : i32
    return %c0_i32, %c0_i32_0 : i32, i32
  }
  func.func @transform_4(%arg0: i32) -> (i32, i32) {
    %c0_i32 = arith.constant 0 : i32
    %c0_i32_0 = arith.constant 0 : i32
    %c0_i32_1 = arith.constant 0 : i32
    return %c0_i32, %c0_i32_0 : i32, i32
  }
  func.func @transform_5(%arg0: i32) -> (i32, i32) {
    %c0_i32 = arith.constant 0 : i32
    %c0_i32_0 = arith.constant 0 : i32
    %c0_i32_1 = arith.constant 0 : i32
    return %c0_i32, %c0_i32_0 : i32, i32
  }
  func.func @transform_6(%arg0: i32) -> (i32, i32) {
    %c0_i32 = arith.constant 0 : i32
    %c0_i32_0 = arith.constant 0 : i32
    return %arg0, %c0_i32 : i32, i32
  }
  func.func @transform_7(%arg0: i32) -> (i32, i32) {
    %c0_i32 = arith.constant 0 : i32
    %c0_i32_0 = arith.constant 0 : i32
    %c0_i32_1 = arith.constant 0 : i32
    return %c0_i32, %c0_i32_0 : i32, i32
  }
}

module attributes {stable_mosaic.version = 14 : i64} {
  func.func @body(%arg0: i32, %arg1: memref<1000x128xf32, #tpu.memory_space<vmem>>, %arg2: memref<2x1000x128xf32, #tpu.memory_space<vmem>>, %arg3: memref<8x128xf32, #tpu.memory_space<vmem>>, %arg4: memref<2x1000x128xf32, #tpu.memory_space<vmem>>, %arg5: memref<1x128xf32, #tpu.memory_space<vmem>>, %arg6: memref<1x128xf32, #tpu.memory_space<vmem>>, %arg7: memref<128x128xf32, #tpu.memory_space<vmem>>, %arg8: memref<1x128xf32, #tpu.memory_space<vmem>>, %arg9: memref<128x128xf32, #tpu.memory_space<vmem>>, %arg10: memref<1x128xf32, #tpu.memory_space<vmem>>, %arg11: memref<1000x128xf32, #tpu.memory_space<vmem>>, %arg12: memref<8x128xf32, #tpu.memory_space<vmem>>) attributes {dimension_semantics = [#tpu.dimension_semantics<arbitrary>], iteration_bounds = array<i64: 10>, scalar_prefetch = 0 : i64, scratch_operands = 0 : i64, tpu.core_type = #tpu.core_type<tc>, window_params = [{transform_indices = @transform_0, window_bounds = array<i64: 1000, 128>}, {transform_indices = @transform_1, window_bounds = array<i64: 2, 1000, 128>}, {pipeline_mode = #tpu.pipeline_mode<synchronous>, transform_indices = @transform_2, window_bounds = array<i64: 8, 128>}, {transform_indices = @transform_3, window_bounds = array<i64: 2, 1000, 128>}, {pipeline_mode = #tpu.pipeline_mode<synchronous>, transform_indices = @transform_4, window_bounds = array<i64: 1, 128>}, {pipeline_mode = #tpu.pipeline_mode<synchronous>, transform_indices = @transform_5, window_bounds = array<i64: 1, 128>}, {pipeline_mode = #tpu.pipeline_mode<synchronous>, transform_indices = @transform_6, window_bounds = array<i64: 128, 128>}, {pipeline_mode = #tpu.pipeline_mode<synchronous>, transform_indices = @transform_7, window_bounds = array<i64: 1, 128>}, {pipeline_mode = #tpu.pipeline_mode<synchronous>, transform_indices = @transform_8, window_bounds = array<i64: 128, 128>}, {pipeline_mode = #tpu.pipeline_mode<synchronous>, transform_indices = @transform_9, window_bounds = array<i64: 1, 128>}, {transform_indices = @transform_10, window_bounds = array<i64: 1000, 128>}, {pipeline_mode = #tpu.pipeline_mode<synchronous>, transform_indices = @transform_11, window_bounds = array<i64: 8, 128>}]} {
    %get3A = arith.constant 0 : index
    %get3A_0 = arith.constant 0 : index
    %get3A_1 = vector.load %arg3[%get3A, %get3A_0] : memref<8x128xf32, #tpu.memory_space<vmem>>, vector<1x128xf32>
    %get3A_2 = vector.shape_cast %get3A_1 : vector<1x128xf32> to vector<128xf32>
    %mul3A = arith.constant 9.99999974E-5 : f32
    %mul3A_3 = vector.broadcast %mul3A : f32 to vector<128xf32>
    %mul3A_4 = arith.mulf %get3A_2, %mul3A_3 : vector<128xf32>
    %get3A_5 = arith.constant 1 : index
    %get3A_6 = arith.constant 0 : index
    %get3A_7 = vector.load %arg3[%get3A_5, %get3A_6] : memref<8x128xf32, #tpu.memory_space<vmem>>, vector<1x128xf32>
    %get3A_8 = vector.shape_cast %get3A_7 : vector<1x128xf32> to vector<128xf32>
    %mul3A_9 = arith.constant 9.99999974E-5 : f32
    %mul3A_10 = vector.broadcast %mul3A_9 : f32 to vector<128xf32>
    %mul3A_11 = arith.mulf %get3A_8, %mul3A_10 : vector<128xf32>
    %mul3A_12 = arith.mulf %mul3A_4, %mul3A_4 : vector<128xf32>
    %sub3A = arith.subf %mul3A_11, %mul3A_12 : vector<128xf32>
    %add3A = arith.constant 9.99999974E-6 : f32
    %add3A_13 = vector.broadcast %add3A : f32 to vector<128xf32>
    %add3A_14 = arith.addf %sub3A, %add3A_13 : vector<128xf32>
    %rsqrt3A = math.rsqrt %add3A_14 : vector<128xf32>
    %get3A_15 = arith.constant 0 : index
    %get3A_16 = arith.constant 0 : index
    %get3A_17 = vector.load %arg5[%get3A_15, %get3A_16] : memref<1x128xf32, #tpu.memory_space<vmem>>, vector<1x128xf32>
    %get3A_18 = vector.shape_cast %get3A_17 : vector<1x128xf32> to vector<128xf32>
    %mul3A_19 = arith.mulf %rsqrt3A, %get3A_18 : vector<128xf32>
    %get3A_20 = arith.constant 0 : index
    %get3A_21 = arith.constant 0 : index
    %get3A_22 = vector.load %arg6[%get3A_20, %get3A_21] : memref<1x128xf32, #tpu.memory_space<vmem>>, vector<1x128xf32>
    %get3A_23 = vector.shape_cast %get3A_22 : vector<1x128xf32> to vector<128xf32>
    %mul3A_24 = arith.mulf %mul3A_4, %mul3A_19 : vector<128xf32>
    %sub3A_25 = arith.subf %get3A_23, %mul3A_24 : vector<128xf32>
    %get3A_26 = arith.constant 0 : index
    %get3A_27 = arith.constant 0 : index
    %get3A_28 = arith.constant 0 : index
    %get3A_29 = vector.load %arg4[%get3A_26, %get3A_27, %get3A_28] : memref<2x1000x128xf32, #tpu.memory_space<vmem>>, vector<1x1000x1xf32>
    %get3A_30 = vector.shape_cast %get3A_29 : vector<1x1000x1xf32> to vector<1000xf32>
    %get3A_31 = arith.constant 1 : index
    %get3A_32 = arith.constant 0 : index
    %get3A_33 = arith.constant 0 : index
    %get3A_34 = vector.load %arg4[%get3A_31, %get3A_32, %get3A_33] : memref<2x1000x128xf32, #tpu.memory_space<vmem>>, vector<1x1000x1xf32>
    %get3A_35 = vector.shape_cast %get3A_34 : vector<1x1000x1xf32> to vector<1000xf32>
    %add3A_36 = arith.addf %get3A_30, %get3A_35 : vector<1000xf32>
    %broadcast_in_dim3A = vector.shape_cast %mul3A_19 : vector<128xf32> to vector<1x128xf32>
    %get3A_37 = arith.constant 0 : index
    %get3A_38 = arith.constant 0 : index
    %get3A_39 = vector.load %arg1[%get3A_37, %get3A_38] : memref<1000x128xf32, #tpu.memory_space<vmem>>, vector<1000x128xf32>
    %get3A_40 = arith.constant 0 : index
    %get3A_41 = arith.constant 0 : index
    %get3A_42 = arith.constant 0 : index
    %get3A_43 = vector.load %arg2[%get3A_40, %get3A_41, %get3A_42] : memref<2x1000x128xf32, #tpu.memory_space<vmem>>, vector<1x1000x128xf32>
    %get3A_44 = vector.shape_cast %get3A_43 : vector<1x1000x128xf32> to vector<1000x128xf32>
    %add3A_45 = arith.addf %get3A_39, %get3A_44 : vector<1000x128xf32>
    %get3A_46 = arith.constant 1 : index
    %get3A_47 = arith.constant 0 : index
    %get3A_48 = arith.constant 0 : index
    %get3A_49 = vector.load %arg2[%get3A_46, %get3A_47, %get3A_48] : memref<2x1000x128xf32, #tpu.memory_space<vmem>>, vector<1x1000x128xf32>
    %get3A_50 = vector.shape_cast %get3A_49 : vector<1x1000x128xf32> to vector<1000x128xf32>
    %add3A_51 = arith.addf %add3A_45, %get3A_50 : vector<1000x128xf32>
    %mul3A_52 = vector.broadcast %broadcast_in_dim3A : vector<1x128xf32> to vector<1000x128xf32>
    %mul3A_53 = arith.mulf %mul3A_52, %add3A_51 : vector<1000x128xf32>
    %add3A_54 = arith.constant 1.000000e+00 : f32
    %add3A_55 = vector.broadcast %add3A_54 : f32 to vector<1000xf32>
    %add3A_56 = arith.addf %add3A_55, %add3A_36 : vector<1000xf32>
    %broadcast_in_dim3A_57 = vector.shape_cast %add3A_56 : vector<1000xf32> to vector<1000x1xf32>
    %broadcast_in_dim3A_58 = vector.shape_cast %sub3A_25 : vector<128xf32> to vector<1x128xf32>
    %mul3A_59 = vector.broadcast %broadcast_in_dim3A_57 : vector<1000x1xf32> to vector<1000x128xf32>
    %mul3A_60 = vector.broadcast %broadcast_in_dim3A_58 : vector<1x128xf32> to vector<1000x128xf32>
    %mul3A_61 = arith.mulf %mul3A_59, %mul3A_60 : vector<1000x128xf32>
    %add3A_62 = arith.addf %mul3A_53, %mul3A_61 : vector<1000x128xf32>
    %convert_element_type3A = arith.truncf %add3A_62 : vector<1000x128xf32> to vector<1000x128xbf16>
    %get3A_63 = arith.constant 0 : index
    %get3A_64 = arith.constant 0 : index
    %get3A_65 = vector.load %arg7[%get3A_63, %get3A_64] : memref<128x128xf32, #tpu.memory_space<vmem>>, vector<128x128xf32>
    %convert_element_type3A_66 = arith.truncf %get3A_65 : vector<128x128xf32> to vector<128x128xbf16>
    %dot_general3A = arith.constant dense<0.000000e+00> : vector<1000x128xf32>
    %dot_general3A_67 = tpu.matmul %convert_element_type3A, %convert_element_type3A_66, %dot_general3A {dimension_numbers = #tpu.dot_dimension_numbers<[1], [0], [0], [1], [0, 0, 1, 1], [], []>, transpose_lhs_hint = false} : vector<1000x128xbf16>, vector<128x128xbf16>, vector<1000x128xf32> -> vector<1000x128xf32>
    %get3A_68 = arith.constant 0 : index
    %get3A_69 = arith.constant 0 : index
    %get3A_70 = vector.load %arg8[%get3A_68, %get3A_69] : memref<1x128xf32, #tpu.memory_space<vmem>>, vector<1x128xf32>
    %add3A_71 = vector.broadcast %get3A_70 : vector<1x128xf32> to vector<1000x128xf32>
    %add3A_72 = arith.addf %dot_general3A_67, %add3A_71 : vector<1000x128xf32>
    %max3A = arith.constant 0.000000e+00 : f32
    %max3A_73 = vector.broadcast %max3A : f32 to vector<1000x128xf32>
    %max3A_74 = arith.maximumf %add3A_72, %max3A_73 : vector<1000x128xf32>
    %convert_element_type3A_75 = arith.truncf %max3A_74 : vector<1000x128xf32> to vector<1000x128xbf16>
    %get3A_76 = arith.constant 0 : index
    %get3A_77 = arith.constant 0 : index
    %get3A_78 = vector.load %arg9[%get3A_76, %get3A_77] : memref<128x128xf32, #tpu.memory_space<vmem>>, vector<128x128xf32>
    %convert_element_type3A_79 = arith.truncf %get3A_78 : vector<128x128xf32> to vector<128x128xbf16>
    %dot_general3A_80 = arith.constant dense<0.000000e+00> : vector<1000x128xf32>
    %dot_general3A_81 = tpu.matmul %convert_element_type3A_75, %convert_element_type3A_79, %dot_general3A_80 {dimension_numbers = #tpu.dot_dimension_numbers<[1], [0], [0], [1], [0, 0, 1, 1], [], []>, transpose_lhs_hint = false} : vector<1000x128xbf16>, vector<128x128xbf16>, vector<1000x128xf32> -> vector<1000x128xf32>
    %get3A_82 = arith.constant 0 : index
    %get3A_83 = arith.constant 0 : index
    %get3A_84 = vector.load %arg10[%get3A_82, %get3A_83] : memref<1x128xf32, #tpu.memory_space<vmem>>, vector<1x128xf32>
    %add3A_85 = vector.broadcast %get3A_84 : vector<1x128xf32> to vector<1000x128xf32>
    %add3A_86 = arith.addf %dot_general3A_81, %add3A_85 : vector<1000x128xf32>
    %gt3A = arith.constant 0.000000e+00 : f32
    %gt3A_87 = vector.broadcast %gt3A : f32 to vector<1000x128xf32>
    %gt3A_88 = arith.cmpf ogt, %add3A_86, %gt3A_87 : vector<1000x128xf32>
    %min3A = arith.constant 0.000000e+00 : f32
    %min3A_89 = vector.broadcast %min3A : f32 to vector<1000x128xf32>
    %min3A_90 = arith.minimumf %add3A_86, %min3A_89 : vector<1000x128xf32>
    %exp3A = math.exp %min3A_90 : vector<1000x128xf32>
    %sub3A_91 = arith.constant 1.000000e+00 : f32
    %sub3A_92 = vector.broadcast %sub3A_91 : f32 to vector<1000x128xf32>
    %sub3A_93 = arith.subf %exp3A, %sub3A_92 : vector<1000x128xf32>
    %select_n3A = arith.select %gt3A_88, %add3A_86, %sub3A_93 : vector<1000x128xi1>, vector<1000x128xf32>
    %swap3A = arith.constant 0 : index
    %swap3A_94 = arith.constant 0 : index
    %swap3A_95 = vector.load %arg11[%swap3A, %swap3A_94] : memref<1000x128xf32, #tpu.memory_space<vmem>>, vector<1000x128xf32>
    tpu.vector_store %arg11[%swap3A, %swap3A_94], %select_n3A {strides = array<i32>} : memref<1000x128xf32, #tpu.memory_space<vmem>>, vector<1000x128xf32>,
    %reduce_sum3A = arith.constant dense<0.000000e+00> : vector<128xf32>
    %reduce_sum3A_96 = vector.multi_reduction <add>, %select_n3A, %reduce_sum3A [0] : vector<1000x128xf32> to vector<128xf32>
    %broadcast_in_dim3A_97 = vector.shape_cast %reduce_sum3A_96 : vector<128xf32> to vector<1x128xf32>
    %mul3A_98 = arith.mulf %select_n3A, %select_n3A : vector<1000x128xf32>
    %reduce_sum3A_99 = arith.constant dense<0.000000e+00> : vector<128xf32>
    %reduce_sum3A_100 = vector.multi_reduction <add>, %mul3A_98, %reduce_sum3A_99 [0] : vector<1000x128xf32> to vector<128xf32>
    %broadcast_in_dim3A_101 = vector.shape_cast %reduce_sum3A_100 : vector<128xf32> to vector<1x128xf32>
    %broadcast_in_dim3A_102 = arith.constant 0.000000e+00 : f32
    %broadcast_in_dim3A_103 = vector.broadcast %broadcast_in_dim3A_102 : f32 to vector<6x128xf32>
    %concatenate3A = tpu.concatenate %broadcast_in_dim3A_97, %broadcast_in_dim3A_101, %broadcast_in_dim3A_103 in 0 : vector<1x128xf32>, vector<1x128xf32>, vector<6x128xf32> -> vector<8x128xf32>
    %eq3A = arith.constant 0 : i32
    %eq3A_104 = arith.cmpi eq, %arg0, %eq3A : i32
    %convert_element_type3A_105 = arith.extui %eq3A_104 : i1 to i32
    %cond3A = arith.constant 0 : i32
    %cond3A_106 = arith.cmpi ne, %convert_element_type3A_105, %cond3A : i32
    scf.if %cond3A_106 {
      %swap3A_111 = arith.constant 0 : index
      %swap3A_112 = arith.constant 0 : index
      %swap3A_113 = vector.load %arg12[%swap3A_111, %swap3A_112] : memref<8x128xf32, #tpu.memory_space<vmem>>, vector<8x128xf32>
      tpu.vector_store %arg12[%swap3A_111, %swap3A_112], %concatenate3A {strides = array<i32>} : memref<8x128xf32, #tpu.memory_space<vmem>>, vector<8x128xf32>,
    } else {
    }
    %ne3A = arith.constant 0 : i32
    %ne3A_107 = arith.cmpi ne, %arg0, %ne3A : i32
    %convert_element_type3A_108 = arith.extui %ne3A_107 : i1 to i32
    %cond3A_109 = arith.constant 0 : i32
    %cond3A_110 = arith.cmpi ne, %convert_element_type3A_108, %cond3A_109 : i32
    scf.if %cond3A_110 {
      %get3A_111 = arith.constant 0 : index
      %get3A_112 = arith.constant 0 : index
      %get3A_113 = vector.load %arg12[%get3A_111, %get3A_112] : memref<8x128xf32, #tpu.memory_space<vmem>>, vector<8x128xf32>
      %add3A_114 = arith.addf %get3A_113, %concatenate3A : vector<8x128xf32>
      %swap3A_115 = arith.constant 0 : index
      %swap3A_116 = arith.constant 0 : index
      %swap3A_117 = vector.load %arg12[%swap3A_115, %swap3A_116] : memref<8x128xf32, #tpu.memory_space<vmem>>, vector<8x128xf32>
      tpu.vector_store %arg12[%swap3A_115, %swap3A_116], %add3A_114 {strides = array<i32>} : memref<8x128xf32, #tpu.memory_space<vmem>>, vector<8x128xf32>,
    } else {
    }
    return
  }
  func.func @transform_0(%arg0: i32) -> (i32, i32) {
    %c0_i32 = arith.constant 0 : i32
    %c0_i32_0 = arith.constant 0 : i32
    return %arg0, %c0_i32 : i32, i32
  }
  func.func @transform_1(%arg0: i32) -> (i32, i32, i32) {
    %c0_i32 = arith.constant 0 : i32
    %c0_i32_0 = arith.constant 0 : i32
    %c0_i32_1 = arith.constant 0 : i32
    return %c0_i32, %arg0, %c0_i32_0 : i32, i32, i32
  }
  func.func @transform_2(%arg0: i32) -> (i32, i32) {
    %c0_i32 = arith.constant 0 : i32
    %c0_i32_0 = arith.constant 0 : i32
    %c0_i32_1 = arith.constant 0 : i32
    return %c0_i32, %c0_i32_0 : i32, i32
  }
  func.func @transform_3(%arg0: i32) -> (i32, i32, i32) {
    %c0_i32 = arith.constant 0 : i32
    %c0_i32_0 = arith.constant 0 : i32
    %c0_i32_1 = arith.constant 0 : i32
    return %c0_i32, %arg0, %c0_i32_0 : i32, i32, i32
  }
  func.func @transform_4(%arg0: i32) -> (i32, i32) {
    %c0_i32 = arith.constant 0 : i32
    %c0_i32_0 = arith.constant 0 : i32
    %c0_i32_1 = arith.constant 0 : i32
    return %c0_i32, %c0_i32_0 : i32, i32
  }
  func.func @transform_5(%arg0: i32) -> (i32, i32) {
    %c0_i32 = arith.constant 0 : i32
    %c0_i32_0 = arith.constant 0 : i32
    %c0_i32_1 = arith.constant 0 : i32
    return %c0_i32, %c0_i32_0 : i32, i32
  }
  func.func @transform_6(%arg0: i32) -> (i32, i32) {
    %c0_i32 = arith.constant 0 : i32
    %c0_i32_0 = arith.constant 0 : i32
    %c0_i32_1 = arith.constant 0 : i32
    return %c0_i32, %c0_i32_0 : i32, i32
  }
  func.func @transform_7(%arg0: i32) -> (i32, i32) {
    %c0_i32 = arith.constant 0 : i32
    %c0_i32_0 = arith.constant 0 : i32
    %c0_i32_1 = arith.constant 0 : i32
    return %c0_i32, %c0_i32_0 : i32, i32
  }
  func.func @transform_8(%arg0: i32) -> (i32, i32) {
    %c0_i32 = arith.constant 0 : i32
    %c0_i32_0 = arith.constant 0 : i32
    %c0_i32_1 = arith.constant 0 : i32
    return %c0_i32, %c0_i32_0 : i32, i32
  }
  func.func @transform_9(%arg0: i32) -> (i32, i32) {
    %c0_i32 = arith.constant 0 : i32
    %c0_i32_0 = arith.constant 0 : i32
    %c0_i32_1 = arith.constant 0 : i32
    return %c0_i32, %c0_i32_0 : i32, i32
  }
  func.func @transform_10(%arg0: i32) -> (i32, i32) {
    %c0_i32 = arith.constant 0 : i32
    %c0_i32_0 = arith.constant 0 : i32
    return %arg0, %c0_i32 : i32, i32
  }
  func.func @transform_11(%arg0: i32) -> (i32, i32) {
    %c0_i32 = arith.constant 0 : i32
    %c0_i32_0 = arith.constant 0 : i32
    %c0_i32_1 = arith.constant 0 : i32
    return %c0_i32, %c0_i32_0 : i32, i32
  }
}

module attributes {stable_mosaic.version = 14 : i64} {
  func.func @_lambda_(%arg0: i32, %arg1: memref<1000x128xf32, #tpu.memory_space<vmem>>, %arg2: memref<8x128xf32, #tpu.memory_space<vmem>>, %arg3: memref<1x128xf32, #tpu.memory_space<vmem>>, %arg4: memref<1x128xf32, #tpu.memory_space<vmem>>, %arg5: memref<1x1x1000xi32, #tpu.memory_space<vmem>>, %arg6: memref<1000x128xf32, #tpu.memory_space<vmem>>, %arg7: memref<1000x128xf32, #tpu.memory_space<vmem>>, %arg8: memref<64x128xf32, #tpu.memory_space<vmem>>) attributes {dimension_semantics = [#tpu.dimension_semantics<arbitrary>], iteration_bounds = array<i64: 10>, scalar_prefetch = 0 : i64, scratch_operands = 0 : i64, tpu.core_type = #tpu.core_type<tc>, window_params = [{transform_indices = @transform_0, window_bounds = array<i64: 1000, 128>}, {pipeline_mode = #tpu.pipeline_mode<synchronous>, transform_indices = @transform_1, window_bounds = array<i64: 8, 128>}, {pipeline_mode = #tpu.pipeline_mode<synchronous>, transform_indices = @transform_2, window_bounds = array<i64: 1, 128>}, {pipeline_mode = #tpu.pipeline_mode<synchronous>, transform_indices = @transform_3, window_bounds = array<i64: 1, 128>}, {transform_indices = @transform_4, window_bounds = array<i64: 1, 1, 1000>}, {transform_indices = @transform_5, window_bounds = array<i64: 1000, 128>}, {transform_indices = @transform_6, window_bounds = array<i64: 1000, 128>}, {pipeline_mode = #tpu.pipeline_mode<synchronous>, transform_indices = @transform_7, window_bounds = array<i64: 64, 128>}]} {
    %get3A = arith.constant 0 : index
    %get3A_0 = arith.constant 0 : index
    %get3A_1 = vector.load %arg2[%get3A, %get3A_0] : memref<8x128xf32, #tpu.memory_space<vmem>>, vector<1x128xf32>
    %get3A_2 = vector.shape_cast %get3A_1 : vector<1x128xf32> to vector<128xf32>
    %mul3A = arith.constant 9.99999974E-5 : f32
    %mul3A_3 = vector.broadcast %mul3A : f32 to vector<128xf32>
    %mul3A_4 = arith.mulf %get3A_2, %mul3A_3 : vector<128xf32>
    %get3A_5 = arith.constant 1 : index
    %get3A_6 = arith.constant 0 : index
    %get3A_7 = vector.load %arg2[%get3A_5, %get3A_6] : memref<8x128xf32, #tpu.memory_space<vmem>>, vector<1x128xf32>
    %get3A_8 = vector.shape_cast %get3A_7 : vector<1x128xf32> to vector<128xf32>
    %mul3A_9 = arith.constant 9.99999974E-5 : f32
    %mul3A_10 = vector.broadcast %mul3A_9 : f32 to vector<128xf32>
    %mul3A_11 = arith.mulf %get3A_8, %mul3A_10 : vector<128xf32>
    %mul3A_12 = arith.mulf %mul3A_4, %mul3A_4 : vector<128xf32>
    %sub3A = arith.subf %mul3A_11, %mul3A_12 : vector<128xf32>
    %add3A = arith.constant 9.99999974E-6 : f32
    %add3A_13 = vector.broadcast %add3A : f32 to vector<128xf32>
    %add3A_14 = arith.addf %sub3A, %add3A_13 : vector<128xf32>
    %rsqrt3A = math.rsqrt %add3A_14 : vector<128xf32>
    %get3A_15 = arith.constant 0 : index
    %get3A_16 = arith.constant 0 : index
    %get3A_17 = vector.load %arg3[%get3A_15, %get3A_16] : memref<1x128xf32, #tpu.memory_space<vmem>>, vector<1x128xf32>
    %get3A_18 = vector.shape_cast %get3A_17 : vector<1x128xf32> to vector<128xf32>
    %mul3A_19 = arith.mulf %rsqrt3A, %get3A_18 : vector<128xf32>
    %get3A_20 = arith.constant 0 : index
    %get3A_21 = arith.constant 0 : index
    %get3A_22 = vector.load %arg4[%get3A_20, %get3A_21] : memref<1x128xf32, #tpu.memory_space<vmem>>, vector<1x128xf32>
    %get3A_23 = vector.shape_cast %get3A_22 : vector<1x128xf32> to vector<128xf32>
    %mul3A_24 = arith.mulf %mul3A_4, %mul3A_19 : vector<128xf32>
    %sub3A_25 = arith.subf %get3A_23, %mul3A_24 : vector<128xf32>
    %get3A_26 = arith.constant 0 : index
    %get3A_27 = arith.constant 0 : index
    %get3A_28 = vector.load %arg1[%get3A_26, %get3A_27] : memref<1000x128xf32, #tpu.memory_space<vmem>>, vector<1000x128xf32>
    %broadcast_in_dim3A = vector.shape_cast %mul3A_19 : vector<128xf32> to vector<1x128xf32>
    %mul3A_29 = vector.broadcast %broadcast_in_dim3A : vector<1x128xf32> to vector<1000x128xf32>
    %mul3A_30 = arith.mulf %get3A_28, %mul3A_29 : vector<1000x128xf32>
    %broadcast_in_dim3A_31 = vector.shape_cast %sub3A_25 : vector<128xf32> to vector<1x128xf32>
    %add3A_32 = vector.broadcast %broadcast_in_dim3A_31 : vector<1x128xf32> to vector<1000x128xf32>
    %add3A_33 = arith.addf %mul3A_30, %add3A_32 : vector<1000x128xf32>
    %swap3A = arith.constant 0 : index
    %swap3A_34 = arith.constant 0 : index
    %swap3A_35 = vector.load %arg7[%swap3A, %swap3A_34] : memref<1000x128xf32, #tpu.memory_space<vmem>>, vector<1000x128xf32>
    tpu.vector_store %arg7[%swap3A, %swap3A_34], %add3A_33 {strides = array<i32>} : memref<1000x128xf32, #tpu.memory_space<vmem>>, vector<1000x128xf32>,
    %get3A_36 = arith.constant 0 : index
    %get3A_37 = arith.constant 0 : index
    %get3A_38 = arith.constant 0 : index
    %get3A_39 = vector.load %arg5[%get3A_36, %get3A_37, %get3A_38] : memref<1x1x1000xi32, #tpu.memory_space<vmem>>, vector<1x1x1000xi32>
    %get3A_40 = vector.shape_cast %get3A_39 : vector<1x1x1000xi32> to vector<1000xi32>
    %broadcast_in_dim3A_41 = vector.shape_cast %get3A_40 : vector<1000xi32> to vector<1000x1xi32>
    %iota3A = tpu.iota {dimensions = array<i32: 1>} : vector<1000x64xi32>
    %eq3A = vector.broadcast %broadcast_in_dim3A_41 : vector<1000x1xi32> to vector<1000x64xi32>
    %eq3A_42 = arith.cmpi eq, %eq3A, %iota3A : vector<1000x64xi32>
    %convert_element_type3A = arith.extui %eq3A_42 : vector<1000x64xi1> to vector<1000x64xi32>
    %convert_element_type3A_43 = arith.sitofp %convert_element_type3A : vector<1000x64xi32> to vector<1000x64xf32>
    %dot_general3A = arith.constant dense<0.000000e+00> : vector<64x128xf32>
    %dot_general3A_44 = tpu.matmul %convert_element_type3A_43, %add3A_33, %dot_general3A {dimension_numbers = #tpu.dot_dimension_numbers<[0], [0], [1], [1], [0, 1, 1, 1], [], []>, transpose_lhs_hint = false} : vector<1000x64xf32>, vector<1000x128xf32>, vector<64x128xf32> -> vector<64x128xf32>
    %eq3A_45 = arith.constant 0 : i32
    %eq3A_46 = arith.cmpi eq, %arg0, %eq3A_45 : i32
    %convert_element_type3A_47 = arith.extui %eq3A_46 : i1 to i32
    %cond3A = arith.constant 0 : i32
    %cond3A_48 = arith.cmpi ne, %convert_element_type3A_47, %cond3A : i32
    scf.if %cond3A_48 {
      %swap3A_53 = arith.constant 0 : index
      %swap3A_54 = arith.constant 0 : index
      %swap3A_55 = vector.load %arg8[%swap3A_53, %swap3A_54] : memref<64x128xf32, #tpu.memory_space<vmem>>, vector<64x128xf32>
      tpu.vector_store %arg8[%swap3A_53, %swap3A_54], %dot_general3A_44 {strides = array<i32>} : memref<64x128xf32, #tpu.memory_space<vmem>>, vector<64x128xf32>,
    } else {
    }
    %ne3A = arith.constant 0 : i32
    %ne3A_49 = arith.cmpi ne, %arg0, %ne3A : i32
    %convert_element_type3A_50 = arith.extui %ne3A_49 : i1 to i32
    %cond3A_51 = arith.constant 0 : i32
    %cond3A_52 = arith.cmpi ne, %convert_element_type3A_50, %cond3A_51 : i32
    scf.if %cond3A_52 {
      %get3A_53 = arith.constant 0 : index
      %get3A_54 = arith.constant 0 : index
      %get3A_55 = vector.load %arg8[%get3A_53, %get3A_54] : memref<64x128xf32, #tpu.memory_space<vmem>>, vector<64x128xf32>
      %add3A_56 = arith.addf %get3A_55, %dot_general3A_44 : vector<64x128xf32>
      %swap3A_57 = arith.constant 0 : index
      %swap3A_58 = arith.constant 0 : index
      %swap3A_59 = vector.load %arg8[%swap3A_57, %swap3A_58] : memref<64x128xf32, #tpu.memory_space<vmem>>, vector<64x128xf32>
      tpu.vector_store %arg8[%swap3A_57, %swap3A_58], %add3A_56 {strides = array<i32>} : memref<64x128xf32, #tpu.memory_space<vmem>>, vector<64x128xf32>,
    } else {
    }
    return
  }
  func.func @transform_0(%arg0: i32) -> (i32, i32) {
    %c0_i32 = arith.constant 0 : i32
    %c0_i32_0 = arith.constant 0 : i32
    return %arg0, %c0_i32 : i32, i32
  }
  func.func @transform_1(%arg0: i32) -> (i32, i32) {
    %c0_i32 = arith.constant 0 : i32
    %c0_i32_0 = arith.constant 0 : i32
    %c0_i32_1 = arith.constant 0 : i32
    return %c0_i32, %c0_i32_0 : i32, i32
  }
  func.func @transform_2(%arg0: i32) -> (i32, i32) {
    %c0_i32 = arith.constant 0 : i32
    %c0_i32_0 = arith.constant 0 : i32
    %c0_i32_1 = arith.constant 0 : i32
    return %c0_i32, %c0_i32_0 : i32, i32
  }
  func.func @transform_3(%arg0: i32) -> (i32, i32) {
    %c0_i32 = arith.constant 0 : i32
    %c0_i32_0 = arith.constant 0 : i32
    %c0_i32_1 = arith.constant 0 : i32
    return %c0_i32, %c0_i32_0 : i32, i32
  }
  func.func @transform_4(%arg0: i32) -> (i32, i32, i32) {
    %c0_i32 = arith.constant 0 : i32
    %c0_i32_0 = arith.constant 0 : i32
    %c0_i32_1 = arith.constant 0 : i32
    return %arg0, %c0_i32, %c0_i32_0 : i32, i32, i32
  }
  func.func @transform_5(%arg0: i32) -> (i32, i32) {
    %c0_i32 = arith.constant 0 : i32
    %c0_i32_0 = arith.constant 0 : i32
    %c0_i32_1 = arith.constant 0 : i32
    return %c0_i32, %c0_i32_0 : i32, i32
  }
  func.func @transform_6(%arg0: i32) -> (i32, i32) {
    %c1_i32 = arith.constant 1 : i32
    %c0_i32 = arith.constant 0 : i32
    return %arg0, %c1_i32 : i32, i32
  }
  func.func @transform_7(%arg0: i32) -> (i32, i32) {
    %c0_i32 = arith.constant 0 : i32
    %c0_i32_0 = arith.constant 0 : i32
    %c0_i32_1 = arith.constant 0 : i32
    return %c0_i32, %c0_i32_0 : i32, i32
  }
}

module attributes {stable_mosaic.version = 14 : i64} {
  func.func @body(%arg0: i32, %arg1: memref<1000x128xf32, #tpu.memory_space<vmem>>, %arg2: memref<8x128xf32, #tpu.memory_space<vmem>>, %arg3: memref<1x128xf32, #tpu.memory_space<vmem>>, %arg4: memref<1x128xf32, #tpu.memory_space<vmem>>, %arg5: memref<1x1x1000xi32, #tpu.memory_space<vmem>>, %arg6: memref<1000x128xf32, #tpu.memory_space<vmem>>, %arg7: memref<64x128xf32, #tpu.memory_space<vmem>>) attributes {dimension_semantics = [#tpu.dimension_semantics<arbitrary>], iteration_bounds = array<i64: 10>, scalar_prefetch = 0 : i64, scratch_operands = 0 : i64, tpu.core_type = #tpu.core_type<tc>, window_params = [{transform_indices = @transform_0, window_bounds = array<i64: 1000, 128>}, {pipeline_mode = #tpu.pipeline_mode<synchronous>, transform_indices = @transform_1, window_bounds = array<i64: 8, 128>}, {pipeline_mode = #tpu.pipeline_mode<synchronous>, transform_indices = @transform_2, window_bounds = array<i64: 1, 128>}, {pipeline_mode = #tpu.pipeline_mode<synchronous>, transform_indices = @transform_3, window_bounds = array<i64: 1, 128>}, {transform_indices = @transform_4, window_bounds = array<i64: 1, 1, 1000>}, {transform_indices = @transform_5, window_bounds = array<i64: 1000, 128>}, {pipeline_mode = #tpu.pipeline_mode<synchronous>, transform_indices = @transform_6, window_bounds = array<i64: 64, 128>}]} {
    %get3A = arith.constant 0 : index
    %get3A_0 = arith.constant 0 : index
    %get3A_1 = vector.load %arg2[%get3A, %get3A_0] : memref<8x128xf32, #tpu.memory_space<vmem>>, vector<1x128xf32>
    %get3A_2 = vector.shape_cast %get3A_1 : vector<1x128xf32> to vector<128xf32>
    %mul3A = arith.constant 9.99999974E-5 : f32
    %mul3A_3 = vector.broadcast %mul3A : f32 to vector<128xf32>
    %mul3A_4 = arith.mulf %get3A_2, %mul3A_3 : vector<128xf32>
    %get3A_5 = arith.constant 1 : index
    %get3A_6 = arith.constant 0 : index
    %get3A_7 = vector.load %arg2[%get3A_5, %get3A_6] : memref<8x128xf32, #tpu.memory_space<vmem>>, vector<1x128xf32>
    %get3A_8 = vector.shape_cast %get3A_7 : vector<1x128xf32> to vector<128xf32>
    %mul3A_9 = arith.constant 9.99999974E-5 : f32
    %mul3A_10 = vector.broadcast %mul3A_9 : f32 to vector<128xf32>
    %mul3A_11 = arith.mulf %get3A_8, %mul3A_10 : vector<128xf32>
    %mul3A_12 = arith.mulf %mul3A_4, %mul3A_4 : vector<128xf32>
    %sub3A = arith.subf %mul3A_11, %mul3A_12 : vector<128xf32>
    %add3A = arith.constant 9.99999974E-6 : f32
    %add3A_13 = vector.broadcast %add3A : f32 to vector<128xf32>
    %add3A_14 = arith.addf %sub3A, %add3A_13 : vector<128xf32>
    %rsqrt3A = math.rsqrt %add3A_14 : vector<128xf32>
    %get3A_15 = arith.constant 0 : index
    %get3A_16 = arith.constant 0 : index
    %get3A_17 = vector.load %arg3[%get3A_15, %get3A_16] : memref<1x128xf32, #tpu.memory_space<vmem>>, vector<1x128xf32>
    %get3A_18 = vector.shape_cast %get3A_17 : vector<1x128xf32> to vector<128xf32>
    %mul3A_19 = arith.mulf %rsqrt3A, %get3A_18 : vector<128xf32>
    %get3A_20 = arith.constant 0 : index
    %get3A_21 = arith.constant 0 : index
    %get3A_22 = vector.load %arg4[%get3A_20, %get3A_21] : memref<1x128xf32, #tpu.memory_space<vmem>>, vector<1x128xf32>
    %get3A_23 = vector.shape_cast %get3A_22 : vector<1x128xf32> to vector<128xf32>
    %mul3A_24 = arith.mulf %mul3A_4, %mul3A_19 : vector<128xf32>
    %sub3A_25 = arith.subf %get3A_23, %mul3A_24 : vector<128xf32>
    %get3A_26 = arith.constant 0 : index
    %get3A_27 = arith.constant 0 : index
    %get3A_28 = vector.load %arg1[%get3A_26, %get3A_27] : memref<1000x128xf32, #tpu.memory_space<vmem>>, vector<1000x128xf32>
    %broadcast_in_dim3A = vector.shape_cast %mul3A_19 : vector<128xf32> to vector<1x128xf32>
    %mul3A_29 = vector.broadcast %broadcast_in_dim3A : vector<1x128xf32> to vector<1000x128xf32>
    %mul3A_30 = arith.mulf %get3A_28, %mul3A_29 : vector<1000x128xf32>
    %broadcast_in_dim3A_31 = vector.shape_cast %sub3A_25 : vector<128xf32> to vector<1x128xf32>
    %add3A_32 = vector.broadcast %broadcast_in_dim3A_31 : vector<1x128xf32> to vector<1000x128xf32>
    %add3A_33 = arith.addf %mul3A_30, %add3A_32 : vector<1000x128xf32>
    %swap3A = arith.constant 0 : index
    %swap3A_34 = arith.constant 0 : index
    %swap3A_35 = vector.load %arg6[%swap3A, %swap3A_34] : memref<1000x128xf32, #tpu.memory_space<vmem>>, vector<1000x128xf32>
    tpu.vector_store %arg6[%swap3A, %swap3A_34], %add3A_33 {strides = array<i32>} : memref<1000x128xf32, #tpu.memory_space<vmem>>, vector<1000x128xf32>,
    %get3A_36 = arith.constant 0 : index
    %get3A_37 = arith.constant 0 : index
    %get3A_38 = arith.constant 0 : index
    %get3A_39 = vector.load %arg5[%get3A_36, %get3A_37, %get3A_38] : memref<1x1x1000xi32, #tpu.memory_space<vmem>>, vector<1x1x1000xi32>
    %get3A_40 = vector.shape_cast %get3A_39 : vector<1x1x1000xi32> to vector<1000xi32>
    %broadcast_in_dim3A_41 = vector.shape_cast %get3A_40 : vector<1000xi32> to vector<1000x1xi32>
    %iota3A = tpu.iota {dimensions = array<i32: 1>} : vector<1000x64xi32>
    %eq3A = vector.broadcast %broadcast_in_dim3A_41 : vector<1000x1xi32> to vector<1000x64xi32>
    %eq3A_42 = arith.cmpi eq, %eq3A, %iota3A : vector<1000x64xi32>
    %convert_element_type3A = arith.extui %eq3A_42 : vector<1000x64xi1> to vector<1000x64xi32>
    %convert_element_type3A_43 = arith.sitofp %convert_element_type3A : vector<1000x64xi32> to vector<1000x64xf32>
    %dot_general3A = arith.constant dense<0.000000e+00> : vector<64x128xf32>
    %dot_general3A_44 = tpu.matmul %convert_element_type3A_43, %add3A_33, %dot_general3A {dimension_numbers = #tpu.dot_dimension_numbers<[0], [0], [1], [1], [0, 1, 1, 1], [], []>, transpose_lhs_hint = false} : vector<1000x64xf32>, vector<1000x128xf32>, vector<64x128xf32> -> vector<64x128xf32>
    %eq3A_45 = arith.constant 0 : i32
    %eq3A_46 = arith.cmpi eq, %arg0, %eq3A_45 : i32
    %convert_element_type3A_47 = arith.extui %eq3A_46 : i1 to i32
    %cond3A = arith.constant 0 : i32
    %cond3A_48 = arith.cmpi ne, %convert_element_type3A_47, %cond3A : i32
    scf.if %cond3A_48 {
      %swap3A_53 = arith.constant 0 : index
      %swap3A_54 = arith.constant 0 : index
      %swap3A_55 = vector.load %arg7[%swap3A_53, %swap3A_54] : memref<64x128xf32, #tpu.memory_space<vmem>>, vector<64x128xf32>
      tpu.vector_store %arg7[%swap3A_53, %swap3A_54], %dot_general3A_44 {strides = array<i32>} : memref<64x128xf32, #tpu.memory_space<vmem>>, vector<64x128xf32>,
    } else {
    }
    %ne3A = arith.constant 0 : i32
    %ne3A_49 = arith.cmpi ne, %arg0, %ne3A : i32
    %convert_element_type3A_50 = arith.extui %ne3A_49 : i1 to i32
    %cond3A_51 = arith.constant 0 : i32
    %cond3A_52 = arith.cmpi ne, %convert_element_type3A_50, %cond3A_51 : i32
    scf.if %cond3A_52 {
      %get3A_53 = arith.constant 0 : index
      %get3A_54 = arith.constant 0 : index
      %get3A_55 = vector.load %arg7[%get3A_53, %get3A_54] : memref<64x128xf32, #tpu.memory_space<vmem>>, vector<64x128xf32>
      %add3A_56 = arith.addf %get3A_55, %dot_general3A_44 : vector<64x128xf32>
      %swap3A_57 = arith.constant 0 : index
      %swap3A_58 = arith.constant 0 : index
      %swap3A_59 = vector.load %arg7[%swap3A_57, %swap3A_58] : memref<64x128xf32, #tpu.memory_space<vmem>>, vector<64x128xf32>
      tpu.vector_store %arg7[%swap3A_57, %swap3A_58], %add3A_56 {strides = array<i32>} : memref<64x128xf32, #tpu.memory_space<vmem>>, vector<64x128xf32>,
    } else {
    }
    return
  }
  func.func @transform_0(%arg0: i32) -> (i32, i32) {
    %c0_i32 = arith.constant 0 : i32
    %c0_i32_0 = arith.constant 0 : i32
    return %arg0, %c0_i32 : i32, i32
  }
  func.func @transform_1(%arg0: i32) -> (i32, i32) {
    %c0_i32 = arith.constant 0 : i32
    %c0_i32_0 = arith.constant 0 : i32
    %c0_i32_1 = arith.constant 0 : i32
    return %c0_i32, %c0_i32_0 : i32, i32
  }
  func.func @transform_2(%arg0: i32) -> (i32, i32) {
    %c0_i32 = arith.constant 0 : i32
    %c0_i32_0 = arith.constant 0 : i32
    %c0_i32_1 = arith.constant 0 : i32
    return %c0_i32, %c0_i32_0 : i32, i32
  }
  func.func @transform_3(%arg0: i32) -> (i32, i32) {
    %c0_i32 = arith.constant 0 : i32
    %c0_i32_0 = arith.constant 0 : i32
    %c0_i32_1 = arith.constant 0 : i32
    return %c0_i32, %c0_i32_0 : i32, i32
  }
  func.func @transform_4(%arg0: i32) -> (i32, i32, i32) {
    %c0_i32 = arith.constant 0 : i32
    %c0_i32_0 = arith.constant 0 : i32
    %c0_i32_1 = arith.constant 0 : i32
    return %arg0, %c0_i32, %c0_i32_0 : i32, i32, i32
  }
  func.func @transform_5(%arg0: i32) -> (i32, i32) {
    %c0_i32 = arith.constant 0 : i32
    %c0_i32_0 = arith.constant 0 : i32
    return %arg0, %c0_i32 : i32, i32
  }
  func.func @transform_6(%arg0: i32) -> (i32, i32) {
    %c0_i32 = arith.constant 0 : i32
    %c0_i32_0 = arith.constant 0 : i32
    %c0_i32_1 = arith.constant 0 : i32
    return %c0_i32, %c0_i32_0 : i32, i32
  }
}

module attributes {stable_mosaic.version = 14 : i64} {
  func.func @_lambda_(%arg0: i32, %arg1: memref<1000x128xf32, #tpu.memory_space<vmem>>, %arg2: memref<8x128xf32, #tpu.memory_space<vmem>>, %arg3: memref<1x128xf32, #tpu.memory_space<vmem>>, %arg4: memref<1x128xf32, #tpu.memory_space<vmem>>, %arg5: memref<1x1x1000xi32, #tpu.memory_space<vmem>>, %arg6: memref<1000x128xf32, #tpu.memory_space<vmem>>, %arg7: memref<1000x128xf32, #tpu.memory_space<vmem>>, %arg8: memref<64x128xf32, #tpu.memory_space<vmem>>) attributes {dimension_semantics = [#tpu.dimension_semantics<arbitrary>], iteration_bounds = array<i64: 10>, scalar_prefetch = 0 : i64, scratch_operands = 0 : i64, tpu.core_type = #tpu.core_type<tc>, window_params = [{transform_indices = @transform_0, window_bounds = array<i64: 1000, 128>}, {pipeline_mode = #tpu.pipeline_mode<synchronous>, transform_indices = @transform_1, window_bounds = array<i64: 8, 128>}, {pipeline_mode = #tpu.pipeline_mode<synchronous>, transform_indices = @transform_2, window_bounds = array<i64: 1, 128>}, {pipeline_mode = #tpu.pipeline_mode<synchronous>, transform_indices = @transform_3, window_bounds = array<i64: 1, 128>}, {transform_indices = @transform_4, window_bounds = array<i64: 1, 1, 1000>}, {transform_indices = @transform_5, window_bounds = array<i64: 1000, 128>}, {transform_indices = @transform_6, window_bounds = array<i64: 1000, 128>}, {pipeline_mode = #tpu.pipeline_mode<synchronous>, transform_indices = @transform_7, window_bounds = array<i64: 64, 128>}]} {
    %get3A = arith.constant 0 : index
    %get3A_0 = arith.constant 0 : index
    %get3A_1 = vector.load %arg2[%get3A, %get3A_0] : memref<8x128xf32, #tpu.memory_space<vmem>>, vector<1x128xf32>
    %get3A_2 = vector.shape_cast %get3A_1 : vector<1x128xf32> to vector<128xf32>
    %mul3A = arith.constant 9.99999974E-5 : f32
    %mul3A_3 = vector.broadcast %mul3A : f32 to vector<128xf32>
    %mul3A_4 = arith.mulf %get3A_2, %mul3A_3 : vector<128xf32>
    %get3A_5 = arith.constant 1 : index
    %get3A_6 = arith.constant 0 : index
    %get3A_7 = vector.load %arg2[%get3A_5, %get3A_6] : memref<8x128xf32, #tpu.memory_space<vmem>>, vector<1x128xf32>
    %get3A_8 = vector.shape_cast %get3A_7 : vector<1x128xf32> to vector<128xf32>
    %mul3A_9 = arith.constant 9.99999974E-5 : f32
    %mul3A_10 = vector.broadcast %mul3A_9 : f32 to vector<128xf32>
    %mul3A_11 = arith.mulf %get3A_8, %mul3A_10 : vector<128xf32>
    %mul3A_12 = arith.mulf %mul3A_4, %mul3A_4 : vector<128xf32>
    %sub3A = arith.subf %mul3A_11, %mul3A_12 : vector<128xf32>
    %add3A = arith.constant 9.99999974E-6 : f32
    %add3A_13 = vector.broadcast %add3A : f32 to vector<128xf32>
    %add3A_14 = arith.addf %sub3A, %add3A_13 : vector<128xf32>
    %rsqrt3A = math.rsqrt %add3A_14 : vector<128xf32>
    %get3A_15 = arith.constant 0 : index
    %get3A_16 = arith.constant 0 : index
    %get3A_17 = vector.load %arg3[%get3A_15, %get3A_16] : memref<1x128xf32, #tpu.memory_space<vmem>>, vector<1x128xf32>
    %get3A_18 = vector.shape_cast %get3A_17 : vector<1x128xf32> to vector<128xf32>
    %mul3A_19 = arith.mulf %rsqrt3A, %get3A_18 : vector<128xf32>
    %get3A_20 = arith.constant 0 : index
    %get3A_21 = arith.constant 0 : index
    %get3A_22 = vector.load %arg4[%get3A_20, %get3A_21] : memref<1x128xf32, #tpu.memory_space<vmem>>, vector<1x128xf32>
    %get3A_23 = vector.shape_cast %get3A_22 : vector<1x128xf32> to vector<128xf32>
    %mul3A_24 = arith.mulf %mul3A_4, %mul3A_19 : vector<128xf32>
    %sub3A_25 = arith.subf %get3A_23, %mul3A_24 : vector<128xf32>
    %get3A_26 = arith.constant 0 : index
    %get3A_27 = arith.constant 0 : index
    %get3A_28 = vector.load %arg1[%get3A_26, %get3A_27] : memref<1000x128xf32, #tpu.memory_space<vmem>>, vector<1000x128xf32>
    %broadcast_in_dim3A = vector.shape_cast %mul3A_19 : vector<128xf32> to vector<1x128xf32>
    %mul3A_29 = vector.broadcast %broadcast_in_dim3A : vector<1x128xf32> to vector<1000x128xf32>
    %mul3A_30 = arith.mulf %get3A_28, %mul3A_29 : vector<1000x128xf32>
    %broadcast_in_dim3A_31 = vector.shape_cast %sub3A_25 : vector<128xf32> to vector<1x128xf32>
    %add3A_32 = vector.broadcast %broadcast_in_dim3A_31 : vector<1x128xf32> to vector<1000x128xf32>
    %add3A_33 = arith.addf %mul3A_30, %add3A_32 : vector<1000x128xf32>
    %swap3A = arith.constant 0 : index
    %swap3A_34 = arith.constant 0 : index
    %swap3A_35 = vector.load %arg7[%swap3A, %swap3A_34] : memref<1000x128xf32, #tpu.memory_space<vmem>>, vector<1000x128xf32>
    tpu.vector_store %arg7[%swap3A, %swap3A_34], %add3A_33 {strides = array<i32>} : memref<1000x128xf32, #tpu.memory_space<vmem>>, vector<1000x128xf32>,
    %get3A_36 = arith.constant 0 : index
    %get3A_37 = arith.constant 0 : index
    %get3A_38 = arith.constant 0 : index
    %get3A_39 = vector.load %arg5[%get3A_36, %get3A_37, %get3A_38] : memref<1x1x1000xi32, #tpu.memory_space<vmem>>, vector<1x1x1000xi32>
    %get3A_40 = vector.shape_cast %get3A_39 : vector<1x1x1000xi32> to vector<1000xi32>
    %broadcast_in_dim3A_41 = vector.shape_cast %get3A_40 : vector<1000xi32> to vector<1000x1xi32>
    %iota3A = tpu.iota {dimensions = array<i32: 1>} : vector<1000x64xi32>
    %eq3A = vector.broadcast %broadcast_in_dim3A_41 : vector<1000x1xi32> to vector<1000x64xi32>
    %eq3A_42 = arith.cmpi eq, %eq3A, %iota3A : vector<1000x64xi32>
    %convert_element_type3A = arith.extui %eq3A_42 : vector<1000x64xi1> to vector<1000x64xi32>
    %convert_element_type3A_43 = arith.sitofp %convert_element_type3A : vector<1000x64xi32> to vector<1000x64xf32>
    %dot_general3A = arith.constant dense<0.000000e+00> : vector<64x128xf32>
    %dot_general3A_44 = tpu.matmul %convert_element_type3A_43, %add3A_33, %dot_general3A {dimension_numbers = #tpu.dot_dimension_numbers<[0], [0], [1], [1], [0, 1, 1, 1], [], []>, transpose_lhs_hint = false} : vector<1000x64xf32>, vector<1000x128xf32>, vector<64x128xf32> -> vector<64x128xf32>
    %eq3A_45 = arith.constant 0 : i32
    %eq3A_46 = arith.cmpi eq, %arg0, %eq3A_45 : i32
    %convert_element_type3A_47 = arith.extui %eq3A_46 : i1 to i32
    %cond3A = arith.constant 0 : i32
    %cond3A_48 = arith.cmpi ne, %convert_element_type3A_47, %cond3A : i32
    scf.if %cond3A_48 {
      %swap3A_53 = arith.constant 0 : index
      %swap3A_54 = arith.constant 0 : index
      %swap3A_55 = vector.load %arg8[%swap3A_53, %swap3A_54] : memref<64x128xf32, #tpu.memory_space<vmem>>, vector<64x128xf32>
      tpu.vector_store %arg8[%swap3A_53, %swap3A_54], %dot_general3A_44 {strides = array<i32>} : memref<64x128xf32, #tpu.memory_space<vmem>>, vector<64x128xf32>,
    } else {
    }
    %ne3A = arith.constant 0 : i32
    %ne3A_49 = arith.cmpi ne, %arg0, %ne3A : i32
    %convert_element_type3A_50 = arith.extui %ne3A_49 : i1 to i32
    %cond3A_51 = arith.constant 0 : i32
    %cond3A_52 = arith.cmpi ne, %convert_element_type3A_50, %cond3A_51 : i32
    scf.if %cond3A_52 {
      %get3A_53 = arith.constant 0 : index
      %get3A_54 = arith.constant 0 : index
      %get3A_55 = vector.load %arg8[%get3A_53, %get3A_54] : memref<64x128xf32, #tpu.memory_space<vmem>>, vector<64x128xf32>
      %add3A_56 = arith.addf %get3A_55, %dot_general3A_44 : vector<64x128xf32>
      %swap3A_57 = arith.constant 0 : index
      %swap3A_58 = arith.constant 0 : index
      %swap3A_59 = vector.load %arg8[%swap3A_57, %swap3A_58] : memref<64x128xf32, #tpu.memory_space<vmem>>, vector<64x128xf32>
      tpu.vector_store %arg8[%swap3A_57, %swap3A_58], %add3A_56 {strides = array<i32>} : memref<64x128xf32, #tpu.memory_space<vmem>>, vector<64x128xf32>,
    } else {
    }
    return
  }
  func.func @transform_0(%arg0: i32) -> (i32, i32) {
    %c0_i32 = arith.constant 0 : i32
    %c0_i32_0 = arith.constant 0 : i32
    return %arg0, %c0_i32 : i32, i32
  }
  func.func @transform_1(%arg0: i32) -> (i32, i32) {
    %c0_i32 = arith.constant 0 : i32
    %c0_i32_0 = arith.constant 0 : i32
    %c0_i32_1 = arith.constant 0 : i32
    return %c0_i32, %c0_i32_0 : i32, i32
  }
  func.func @transform_2(%arg0: i32) -> (i32, i32) {
    %c0_i32 = arith.constant 0 : i32
    %c0_i32_0 = arith.constant 0 : i32
    %c0_i32_1 = arith.constant 0 : i32
    return %c0_i32, %c0_i32_0 : i32, i32
  }
  func.func @transform_3(%arg0: i32) -> (i32, i32) {
    %c0_i32 = arith.constant 0 : i32
    %c0_i32_0 = arith.constant 0 : i32
    %c0_i32_1 = arith.constant 0 : i32
    return %c0_i32, %c0_i32_0 : i32, i32
  }
  func.func @transform_4(%arg0: i32) -> (i32, i32, i32) {
    %c0_i32 = arith.constant 0 : i32
    %c0_i32_0 = arith.constant 0 : i32
    %c0_i32_1 = arith.constant 0 : i32
    return %arg0, %c0_i32, %c0_i32_0 : i32, i32, i32
  }
  func.func @transform_5(%arg0: i32) -> (i32, i32) {
    %c0_i32 = arith.constant 0 : i32
    %c0_i32_0 = arith.constant 0 : i32
    %c0_i32_1 = arith.constant 0 : i32
    return %c0_i32, %c0_i32_0 : i32, i32
  }
  func.func @transform_6(%arg0: i32) -> (i32, i32) {
    %c2_i32 = arith.constant 2 : i32
    %c0_i32 = arith.constant 0 : i32
    return %arg0, %c2_i32 : i32, i32
  }
  func.func @transform_7(%arg0: i32) -> (i32, i32) {
    %c0_i32 = arith.constant 0 : i32
    %c0_i32_0 = arith.constant 0 : i32
    %c0_i32_1 = arith.constant 0 : i32
    return %c0_i32, %c0_i32_0 : i32, i32
  }
}

</mosaic_0001>

<sc_bundles>
// kernel: kernel.12.cloned.1.call-start
scs
__scs_entry_jumppad:
0x0: {  	(pc) =	sbr.rel $0x88, $3  }
0x1: {  	(tag) =	ssettag $0x0;
	lr =	simm.s32 $0x1  }
0x2: {  	[smem:$0x3F8C] =	sst lr;
	_ =	strace $0xD0000000  }
0x3: {  	_ = 	snop  }
0x4: {  	_ = 	snop  }
0x5: {  	_ = 	snop  }
0x6: {  	_ = 	snop  }
0x7: {  	_ = 	snop  }
__scs_overlays_trampoline_lowered:
0x8: {  	[smem:$0x3F9B] =	sst s0  }
0x9: {  	[smem:$0x3F9C] =	sst s1  }
0xa: {  	[smem:$0x3F9D] =	sst s2  }
0xb: {  	[smem:$0x3F9E] =	sst s3  }
0xc: {  	[smem:$0x3F9F] =	sst s4  }
0xd: {  	[smem:$0x3FA0] =	sst s5  }
0xe: {  	[smem:$0x3FA1] =	sst s6  }
0xf: {  	[smem:$0x3FA2] =	sst s7  }
0x10: {  	[smem:$0x3FA3] =	sst s8  }
0x11: {  	[smem:$0x3FA4] =	sst s9;
	s0 =	simm.s32 @!p0 $0x0  }
0x12: {  	s1 =	sld [smem:$0x3F8A];
	s0 =	simm.s32 @p0 $0x1  }
0x13: {  	[smem:$0x3FA5] =	sst s0;
	s0 =	simm.s32 @!p1 $0x0  }
0x14: {  	s2 =	sld [smem:$0x3F89];
	s0 =	simm.s32 @p1 $0x1  }
0x15: {  	[smem:$0x3FA6] =	sst s0;
	s0 =	simm.s32 @!p2 $0x0  }
0x16: {  	s3 =	sld [smem:$0x3FDB];
	s0 =	simm.s32 @p2 $0x1  }
0x17: {  	s4 =	simm.s32 $0x1BF5;
	[smem:$0x3FA8] =	sst s0  }
0x18: {  	s0 =	sld [smem:$0x3F8B];
	_ =	swait.ge [sflag:s4], $0x0  }
0x19: {  	s7 =	sld [smem:$0x3F8C]  }
0x1a: {  	s8 =	sadd.s32 $0xFFFFE003, lr  }
0x1b: {  	s9 =	sadd.s32 $0xFFFFFEF7, lr;
	s5 =	simm.s32 $0xFFFFFFFF;
	p2 =	slt.u32 s8, $0xFFFFF086  }
0x1c: {  	p1 =	slt.u32 s9, $0xF7A;
	s5 =	simm.s32 @!p2 $0x0  }
0x1d: {  	s5 =	simm.s32 @p1 $0x1;
	p0 =	seq.s32 s7, s2  }
0x1e: {  	s7 =	smul.u32 @!p0 $0xF7A, s2;
	p2 =	seq.s32 @!p0 s5, $0x0  }
0x1f: {  	s9 =	smul.u32 $0xF7A, s1;
	s8 =	simm.s32 @!p0 $0x1BF5;
	p2 =	por !p2, p0  }
0x20: {  	[sflag:s8] =	ssyncset.s32 @!p0 $0xFFFFF086;
	s6 =	sadd.s32 @!p0 s3, s7;
	s7 =	simm.s32 @!p0 $0x108  }
0x21: {  	s3 =	sadd.s32 s3, s9;
	s6 =	sadd.s32 @!p0 $0x88, s6;
	s7 =	simm.s32 @p2 $0x1082  }
0x22: {  	[simem:s7], [sflag:s8] =	dma.local @!p0 [hbm:s6], $0xF7A  }
0x23: {  	s9 =	sor.u32 $0xD0000000, s2;
	s6 =	simm.s32 $0x108;
	_ =	swait.ge @!p0 [sflag:s8], $0x0  }
0x24: {  	s3 =	sadd.s32 $0x88, s3;
	s6 =	simm.s32 @!p1 $0x1082;
	[sflag:s4] =	ssyncset.s32 $0xFFFFF086  }
0x25: {  	[simem:s6], [sflag:s4] =	dma.local [hbm:s3], $0xF7A  }
0x26: {  	[smem:$0x3F8C] =	sst s1;
	(tag) =	ssettag s2;
	_ =	strace s9  }
0x27: {  	s1 =	sld [smem:$0x3F9C]  }
0x28: {  	s2 =	sld [smem:$0x3F9D]  }
0x29: {  	s4 =	sld [smem:$0x3F9F]  }
0x2a: {  	p0 =	seq.s32 s5, $0x0;
	s5 =	sld [smem:$0x3FA0]  }
0x2b: {  	s6 =	sld [smem:$0x3FA1]  }
0x2c: {  	s7 =	sld [smem:$0x3FA2]  }
0x2d: {  	s3 =	simm.s32 $0x108;
	s8 =	sld [smem:$0x3FA3]  }
0x2e: {  	s3 =	simm.s32 @!p0 $0x1082;
	s9 =	sld [smem:$0x3FA4]  }
0x2f: {  	lr =	sadd.s32 s0, s3;
	s0 =	sld [smem:$0x3F9B]  }
0x30: {  	s3 =	sld [smem:$0x3F9E]  }
0x31: {  	[smem:$0x3FA7] =	sst s10  }
0x32: {  	s10 =	sld [smem:$0x3FA5];
	_ =	sdelay $0x3  }
0x33: {  	p0 =	seq.s32 s10, $0x1;
	s10 =	sld [smem:$0x3FA7];
	_ =	sdelay $0x3  }
0x34: {  	[smem:$0x3FA7] =	sst s10  }
0x35: {  	s10 =	sld [smem:$0x3FA6];
	_ =	sdelay $0x3  }
0x36: {  	p1 =	seq.s32 s10, $0x1;
	s10 =	sld [smem:$0x3FA7];
	_ =	sdelay $0x3  }
0x37: {  	[smem:$0x3FA7] =	sst s10  }
0x38: {  	s10 =	sld [smem:$0x3FA8]  }
0x39: {  	_ = 	snop;
	(pc) =	sbr.ind lr, $3  }
0x3a: {  	_ = 	snop  }
0x3b: {  	_ = 	snop  }
0x3c: {  	p2 =	seq.s32 s10, $0x1;
	s10 =	sld [smem:$0x3FA7]  }
0x3d: {  	_ =	shalt  }
0x3e: {  	_ =	shalt  }
0x3f: {  	_ =	shalt  }
0x40: {  	_ =	shalt  }
0x41: {  	_ =	shalt  }
0x42: {  	_ =	shalt  }
0x43: {  	_ =	shalt  }
0x44: {  	_ =	shalt  }
0x45: {  	_ =	shalt  }
0x46: {  	_ =	shalt  }
0x47: {  	_ =	shalt  }
0x48: {  	_ =	shalt  }
0x49: {  	_ =	shalt  }
0x4a: {  	_ =	shalt  }
0x4b: {  	_ =	shalt  }
0x4c: {  	_ =	shalt  }
0x4d: {  	_ =	shalt  }
0x4e: {  	_ =	shalt  }
0x4f: {  	_ =	shalt  }
0x50: {  	_ =	shalt  }
0x51: {  	_ =	shalt  }
0x52: {  	_ =	shalt  }
0x53: {  	_ =	shalt  }
0x54: {  	_ =	shalt  }
0x55: {  	_ =	shalt  }
0x56: {  	_ =	shalt  }
0x57: {  	_ =	shalt  }
0x58: {  	_ =	shalt  }
0x59: {  	_ =	shalt  }
0x5a: {  	_ =	shalt  }
0x5b: {  	_ =	shalt  }
0x5c: {  	_ =	shalt  }
0x5d: {  	_ =	shalt  }
0x5e: {  	_ =	shalt  }
0x5f: {  	_ =	shalt  }
0x60: {  	_ =	shalt  }
0x61: {  	_ =	shalt  }
0x62: {  	_ =	shalt  }
0x63: {  	_ =	shalt  }
0x64: {  	_ =	shalt  }
0x65: {  	_ =	shalt  }
0x66: {  	_ =	shalt  }
0x67: {  	_ =	shalt  }
0x68: {  	_ =	shalt  }
0x69: {  	_ =	shalt  }
0x6a: {  	_ =	shalt  }
0x6b: {  	_ =	shalt  }
0x6c: {  	_ =	shalt  }
0x6d: {  	_ =	shalt  }
0x6e: {  	_ =	shalt  }
0x6f: {  	_ =	shalt  }
0x70: {  	_ =	shalt  }
0x71: {  	_ =	shalt  }
0x72: {  	_ =	shalt  }
0x73: {  	_ =	shalt  }
0x74: {  	_ =	shalt  }
0x75: {  	_ =	shalt  }
0x76: {  	_ =	shalt  }
0x77: {  	_ =	shalt  }
0x78: {  	_ =	shalt  }
0x79: {  	_ =	shalt  }
0x7a: {  	_ =	shalt  }
0x7b: {  	_ =	shalt  }
0x7c: {  	_ =	shalt  }
0x7d: {  	_ =	shalt  }
0x7e: {  	_ =	shalt  }
0x7f: {  	_ =	shalt  }
0x80: {  	_ =	shalt  }
0x81: {  	_ =	shalt  }
0x82: {  	_ =	shalt  }
0x83: {  	_ =	shalt  }
0x84: {  	_ =	shalt  }
0x85: {  	_ =	shalt  }
0x86: {  	_ =	shalt  }
0x87: {  	_ =	shalt  }
.Lfunc_end0:
.L_simem_size_0:
called_computation_lowered:
.L_overlay_start_0:
0x88: {  	s2 =	sld [smem:$0x3FD9]  }
0x89: {  	s3 =	sld [smem:$0x3FFE];
	_ =	sdelay $0x1  }
0x8a: {  	s1 =	srdreg.scid  }
0x8b: {  	s0 =	sand.u32 $0x1, s1  }
0x8c: {  	s14 =	sshll.u32 s0, $0xA;
	s2 =	sadd.s32 s3, s2  }
0x8d: {  	s2 =	sadd.s32 s2, s14  }
0x8e: {  	[smem:$0x3FB3] =	sst s2  }
0x8f: {  	_ = 	snop  }
0x90: {  	s2 =	sld [smem:$0x3FD0];
	_ =	sdelay $0x2  }
0x91: {  	s4 =	simm.s32 $0xB;
	s5 =	simm.s32 $0x10;
	s15 =	sld [smem:$0x3FC9]  }
0x92: {  	[smem:s5], [sflag:s4] =	dma.local [hbm:s2], $0x1  }
0x93: {  	_ =	swait.eq [sflag:s4], $0x1  }
0x94: {  	[sflag:s4] =	ssyncset.done $0x0  }
0x95: {  	[sflag:s4] =	ssyncadd.s32 $0xFFFFFFFF  }
0x96: {  	s16 =	sld [smem:$0x11];
	(tm) =	ssettm $0x1  }
0x97: {  	s17 =	sld [smem:$0x3FFB];
	_ =	sdelay $0x3  }
0x98: {  	_ =	strace s17  }
0x99: {  	s4 =	sld [smem:$0x3FFC];
	_ =	sdelay $0x3  }
0x9a: {  	_ =	strace s4  }
0x9b: {  	s4 =	sld [smem:$0x3FFD];
	_ =	sdelay $0x3  }
0x9c: {  	_ =	strace s4  }
0x9d: {  	_ =	strace $0x8FFFFFFF  }
0x9e: {  	s18 =	sld [smem:$0x3FDB];
	_ =	sdelay $0x1  }
0x9f: {  	s19 =	simm.s32 $_scs_section_size  }
0xa0: {  	s6 =	simm.s32 $_size__tile_overlayer_lowered;
	s7 =	simm.s32 $_tile_overlayer_lowered  }
0xa1: {  	s22 =	simm.s32 $0x1BFF;
	s21 =	sshll.u32 s7, $0x1;
	s4 =	sadd.s32 s19, s18  }
0xa2: {  	s8 =	simm.s32 $0x0;
	s20 =	sshll.u32 s6, $0x1;
	s6 =	sadd.s32 s21, s4  }
0xa3: {  	[timem:s8], [sflag:s22] =	dma.local [hbm:s6], s20  }
0xa4: {  	_ =	swait.ge [sflag:s22], s20  }
0xa5: {  	s5 =	ssub.s32 $0x0, s20;
	[sflag:s22] =	ssyncset.done $0x0  }
0xa6: {  	[sflag:s22] =	ssyncadd.s32 s5;
	_ =	sdelay $0x1  }
0xa7: {  	s23 =	simm.s32 $0x1B8B  }
0xa8: {  	_ =	swait.ge [sflag:s23], $0x1  }
0xa9: {  	[sflag:s23] =	ssyncset.done $0x0  }
0xaa: {  	s25 =	simm.s32 $0x1B8E;
	s24 =	sld [smem:$0x3FFE];
	[sflag:s23] =	ssyncadd.s32 $0xFFFFFFFF  }
0xab: {  	s26 =	simm.s32 $execute0_lowered;
	[smem:$0x3FD2] =	sst s25  }
0xac: {  	s6 =	sshll.u32 s26, $0x1;
	_ =	strace $0x80000046;
	[dreg:$0x1] =	wrdreg $0xFFFFFFFF  }
0xad: {  	s28 =	simm.s32 $_size_execute0_lowered;
	s4 =	sadd.s32 s4, s6;
	[dreg:$0x0] =	wrdreg $0x0  }
0xae: {  	s6 =	sshll.u32 s28, $0x1;
	[dreg:$0x2] =	wrdreg s4  }
0xaf: {  	[dreg:$0x3] =	wrdreg s6  }
0xb0: {  	[dreg:$0x4] =	wrdreg $0xC0  }
0xb1: {  	_ =	task [dreg:s8], $0x5FFFF  }
0xb2: {  	[dreg:$0x1] =	wrdreg $0xFFFFFFFF  }
0xb3: {  	[dreg:$0x0] =	wrdreg $0x60  }
0xb4: {  	[dreg:$0x2] =	wrdreg s15  }
0xb5: {  	[dreg:$0x3] =	wrdreg s24  }
0xb6: {  	[dreg:$0x4] =	wrdreg s16  }
0xb7: {  	[dreg:$0x5] =	wrdreg $0x9F000  }
0xb8: {  	[dreg:$0x6] =	wrdreg $0xA  }
0xb9: {  	_ =	task.clear_ibuf [dreg:s8], $0x7FFFF;
	_ =	strace $0x90000046  }
0xba: {  	s29 =	simm.s32 $0xA;
	_ =	strace $0x80000048  }
0xbb: {  	_ =	swait.ge [sflag:s29], $0x1  }
0xbc: {  	[sflag:s29] =	ssyncadd.s32 $0xFFFFFFFF  }
0xbd: {  	_ =	strace $0x90000048  }
0xbe: {  	_ =	sfence  }
0xbf: {  	s30 =	sld [smem:$0x0];
	_ =	sdelay $0x2  }
0xc0: {  	s31 =	sshll.u32 s1, $0xD;
	s1 =	sshrl.u32 s1, $0x2  }
0xc1: {  	s3 =	sand.u32 $0x4000, s31;
	s1 =	sadd.s32 s1, s30  }
0xc2: {  	s0 =	sor.u32 s3, s0;
	s1 =	sshll.u32 s1, $0x11  }
0xc3: {  	s0 =	sor.u32 s1, s0  }
0xc4: {  	s0 =	sadd.s32 $0x8F2B, s0  }
0xc5: {  	[sflag:s0] =	ssyncadd.remote.s32 $0x1  }
0xc6: {  	_ =	sfence.sel $0xFFFF  }
0xc7: {  	[dreg:$0x0] =	wrdreg $0xFFFFFFFF;
	(pc) =	sbr.abs _section_cstart, $3  }
0xc8: {  	[dreg:$0x1] =	wrdreg $0xFFFFFFFF  }
0xc9: {  	_ =	task.clear_ibuf [dreg:s8], $0x2FFFF;
	_ =	strace $0x9FFFFFFF  }
0xca: {  	(tm) =	ssettm $0x7FFFFFFF  }
0xcb: {  	_ =	shalt  }
tec
execute0_lowered:
.L_overlay_start_1:
0x0: {  	(tag) =	ssettag $0x1  }
0x1: {  	s1 =	rddreg [dreg:$0x0]  }
0x2: {  	s0 =	rddreg [dreg:$0x1]  }
0x3: {  	s2 =	rddreg [dreg:$0x2]  }
0x4: {  	s3 =	rddreg [dreg:$0x3];
	s8 =	simm.s32 $0x0;
	s4 =	srdreg.scid  }
0x5: {  	s9 =	stileid.u32;
	s17 =	simm.s32 $0x80;
	s18 =	simm.s32 $0x400  }
0x6: {  	s20 =	simm.s32 $0x4F00;
	s21 =	simm.s32 $0x4;
	s22 =	simm.s32 $0x3  }
0x7: {  	s28 =	simm.s32 $0x4DA0;
	s29 =	simm.s32 $0x26C0;
	s30 =	simm.s32 $0x4DF0  }
0x8: {  	s31 =	simm.s32 $0x4E40;
	s4 =	sand.u32 $0x1, s4;
	s23 =	smul.u32 $0x4F000, s9  }
0x9: {  	s5 =	sshrl.u32 s9, $0x2;
	s6 =	sshll.u32 s9, $0x8;
	s9 =	smul.u32 $0x13C00, s9  }
0xa: {  	[smem:$0x7FF] =	sst s8;
	s5 =	smul.u32 $0x13C00, s5;
	s7 =	sshll.u32 s4, $0x7  }
0xb: {  	s6 =	sand.u32 $0x300, s6;
	s24 =	ssub.s32 $0x2, s4;
	s4 =	smul.u32 $0x13C000, s4  }
0xc: {  	_ =	strace $0x80000047;
	s6 =	sor.u32 s7, s6;
	s25 =	sshrl.u32 s24, $0x1  }
0xd: {  	s7 =	sshrl.u32 s23, $0x2;
	s23 =	simm.s32 $0x50;
	s5 =	sor.u32 s5, s6  }
0xe: {  	s10 =	ssub.s32 s24, s25;
	s4 =	sadd.s32 s9, s4;
	s7 =	sadd.s32 s7, s3  }
0xf: {  	s24 =	simm.s32 $0x7700;
	s25 =	simm.s32 $0x1;
	s5 =	sshrl.u32 s5, $0x3  }
0x10: {  	s26 =	sshrl.u32 s4, $0x3;
	s8 =	sadd.s32 $0x11800, s7;
	s10 =	smax.u32 s10, $0x1  }
0x11: {  	s11 =	sadd.s32 $0x2800, s7;
	s12 =	sadd.s32 $0x5000, s7;
	s13 =	sadd.s32 $0x7800, s7  }
0x12: {  	s14 =	sadd.s32 $0xA000, s7;
	s15 =	sadd.s32 $0xC800, s7;
	s16 =	sadd.s32 $0xF000, s7  }
0x13: {  	s0 =	sadd.s32 s5, s0;
	s9 =	sadd.s32 s2, s26;
	s26 =	simm.s32 $0x2  }
0x14: {  	v0 =	vimm.f32 $0.0e+00;
	s5 =	sadd.s32 $0x5000, s0;
	s6 =	sadd.s32 $0xEE00, s0;
	s0 =	simm.s32 $0x0  }
.LBB2_1:
0x15: {  	s2 =	simm.s32 $0x0  }
0x16: {  	[tilespmem:s2], [sflag:$0x3] =	stream.strided.gather [hbm4b:s5+s17], $0x2780, s18, s17, $0x38;
	[tilespmem:$0x1DB00] =	vst v63  }
0x17: {  	s19 =	simm.s32 $0x2780;
	s4 =	simm.s32 $0x70;
	s2 =	simm.s32 $0x3C0  }
0x18: {  	[tilespmem:s19], [sflag:$0x3] =	stream.strided.gather [hbm4b:s6+s17], $0x2780, s18, s17, $0x38;
	[tilespmem:$0x1DB00] =	vst v63  }
.LBB2_2:
0x19: {  	p0 =	sne.s32 s2, $0x9FC0;
	[tilespmem:s4+$0x4F00] =	vst v0  }
0x1a: {  	[tilespmem:s4+$0x4E90] =	vst v0  }
0x1b: {  	[tilespmem:s4+$0x4EA0] =	vst v0  }
.Ltmp0:
0x1c: {  	[tilespmem:s4+$0x4EB0] =	vst v0;
	(pc) =	sbr.rel @p0 .LBB2_2-.Ltmp0, $4  }
0x1d: {  	[tilespmem:s4+$0x4EC0] =	vst v0  }
0x1e: {  	[tilespmem:s4+$0x4ED0] =	vst v0  }
0x1f: {  	[tilespmem:s4+$0x4EE0] =	vst v0  }
0x20: {  	[tilespmem:s4+$0x4EF0] =	vst v0;
	s4 =	sshra.s32 s2, $0x2;
	s2 =	sadd.s32 $0x200, s2  }
0x21: {  	[tilespmem:s4+$0x4F00] =	vst v0  }
0x22: {  	[tilespmem:s4+$0x4E90] =	vst v0  }
0x23: {  	[tilespmem:s4+$0x4EA0] =	vst v0  }
0x24: {  	[tilespmem:s4+$0x4EB0] =	vst v0  }
0x25: {  	[tilespmem:s4+$0x4EC0] =	vst v0  }
0x26: {  	[tilespmem:s4+$0x4ED0] =	vst v0  }
0x27: {  	[tilespmem:s4+$0x4EE0] =	vst v0  }
0x28: {  	[tilespmem:s4+$0x4EF0] =	vst v0  }
0x29: {  	[spmem:s7] =	stream.linear.scatter [tilespmem:s20], [sflag:$0x4], $0x2800, $0x38;
	[tilespmem:$0x1DB00] =	vst v63  }
0x2a: {  	_ =	swait.ge [sflag:s21], $0x2800  }
0x2b: {  	[sflag:s21] =	ssyncset.done $0x0  }
0x2c: {  	[sflag:s21] =	ssyncadd.s32 $0xFFFFD800  }
0x2d: {  	[spmem:s11] =	stream.linear.scatter [tilespmem:s20], [sflag:$0x4], $0x2800, $0x38;
	[tilespmem:$0x1DB00] =	vst v63  }
0x2e: {  	_ =	swait.ge [sflag:s21], $0x2800  }
0x2f: {  	[sflag:s21] =	ssyncset.done $0x0  }
0x30: {  	[sflag:s21] =	ssyncadd.s32 $0xFFFFD800  }
0x31: {  	[spmem:s12] =	stream.linear.scatter [tilespmem:s20], [sflag:$0x4], $0x2800, $0x38;
	[tilespmem:$0x1DB00] =	vst v63  }
0x32: {  	_ =	swait.ge [sflag:s21], $0x2800  }
0x33: {  	[sflag:s21] =	ssyncset.done $0x0  }
0x34: {  	[sflag:s21] =	ssyncadd.s32 $0xFFFFD800  }
0x35: {  	[spmem:s13] =	stream.linear.scatter [tilespmem:s20], [sflag:$0x4], $0x2800, $0x38;
	[tilespmem:$0x1DB00] =	vst v63  }
0x36: {  	_ =	swait.ge [sflag:s21], $0x2800  }
0x37: {  	[sflag:s21] =	ssyncset.done $0x0  }
0x38: {  	[sflag:s21] =	ssyncadd.s32 $0xFFFFD800  }
0x39: {  	[spmem:s14] =	stream.linear.scatter [tilespmem:s20], [sflag:$0x4], $0x2800, $0x38;
	[tilespmem:$0x1DB00] =	vst v63  }
0x3a: {  	_ =	swait.ge [sflag:s21], $0x2800  }
0x3b: {  	[sflag:s21] =	ssyncset.done $0x0  }
0x3c: {  	[sflag:s21] =	ssyncadd.s32 $0xFFFFD800  }
0x3d: {  	[spmem:s15] =	stream.linear.scatter [tilespmem:s20], [sflag:$0x4], $0x2800, $0x38;
	[tilespmem:$0x1DB00] =	vst v63  }
0x3e: {  	_ =	swait.ge [sflag:s21], $0x2800  }
0x3f: {  	[sflag:s21] =	ssyncset.done $0x0  }
0x40: {  	[sflag:s21] =	ssyncadd.s32 $0xFFFFD800  }
0x41: {  	[spmem:s16] =	stream.linear.scatter [tilespmem:s20], [sflag:$0x4], $0x2800, $0x38;
	[tilespmem:$0x1DB00] =	vst v63  }
0x42: {  	_ =	swait.ge [sflag:s21], $0x2800  }
0x43: {  	[sflag:s21] =	ssyncset.done $0x0  }
0x44: {  	[sflag:s21] =	ssyncadd.s32 $0xFFFFD800  }
0x45: {  	[spmem:s8] =	stream.linear.scatter [tilespmem:s20], [sflag:$0x4], $0x2400, $0x38;
	[tilespmem:$0x1DB00] =	vst v63  }
0x46: {  	_ =	swait.ge [sflag:s21], $0x2400  }
0x47: {  	[sflag:s21] =	ssyncset.done $0x0  }
0x48: {  	[sflag:s21] =	ssyncadd.s32 $0xFFFFDC00  }
0x49: {  	_ =	swait.ge [sflag:s22], $0x2780  }
0x4a: {  	[sflag:s22] =	ssyncset.done $0x0  }
0x4b: {  	[sflag:s22] =	ssyncadd.s32 $0xFFFFD880  }
0x4c: {  	_ =	swait.ge [sflag:s22], $0x2780  }
0x4d: {  	[sflag:s22] =	ssyncset.done $0x0  }
0x4e: {  	s2 =	simm.s32 $0x0;
	[sflag:s22] =	ssyncadd.s32 $0xFFFFD880  }
0x4f: {  	[tilespmem:s20], [sflag:$0x1] =	stream.indirect.gather [hbm4b:s1+s23], $0x80, s2, s23, $0xb8;
	[tilespmem:$0x1DB00] =	vst v63  }
0x50: {  	_ = 	snop  }
0x51: {  	[tilespmem:s24], [sflag:$0x2] =	stream.indirect.gather [hbm4b:s1+s23], $0x80, s23, s23, $0xb8;
	[tilespmem:$0x1DB00] =	vst v63  }
0x52: {  	[bflag:$0x0] =	sbarrier.arrive $0xFFFF  }
0x53: {  	_ =	swait.ge [sflag:s25], $0x2800  }
0x54: {  	[sflag:s25] =	ssyncset.done $0x0  }
0x55: {  	s19 =	simm.s32 $0x2780;
	[sflag:s25] =	ssyncadd.s32 $0xFFFFD800  }
0x56: {  	[spmem:s3] =	stream.indirect.scatter.add.f32 [tilespmem:s20], [sflag:$0x4], $0x80, s19, s23, $0xb8;
	[tilespmem:$0x1DB00] =	vst v63  }
0x57: {  	_ =	swait.ge [sflag:s21], $0x2800  }
0x58: {  	[sflag:s21] =	ssyncset.done $0x0  }
0x59: {  	s4 =	simm.s32 $0xA0;
	[sflag:s21] =	ssyncadd.s32 $0xFFFFD800  }
0x5a: {  	[tilespmem:s20], [sflag:$0x1] =	stream.indirect.gather [hbm4b:s1+s23], $0x80, s4, s23, $0xb8;
	[tilespmem:$0x1DB00] =	vst v63  }
0x5b: {  	_ =	swait.ge [sflag:s26], $0x2800  }
0x5c: {  	[sflag:s26] =	ssyncset.done $0x0  }
0x5d: {  	s19 =	simm.s32 $0x27D0;
	[sflag:s26] =	ssyncadd.s32 $0xFFFFD800  }
0x5e: {  	[spmem:s3] =	stream.indirect.scatter.add.f32 [tilespmem:s24], [sflag:$0x4], $0x80, s19, s23, $0xb8;
	[tilespmem:$0x1DB00] =	vst v63  }
0x5f: {  	_ =	swait.ge [sflag:s21], $0x2800  }
0x60: {  	[sflag:s21] =	ssyncset.done $0x0  }
0x61: {  	s2 =	simm.s32 $0xF0;
	s4 =	simm.s32 $0x280;
	[sflag:s21] =	ssyncadd.s32 $0xFFFFD800  }
.LBB2_4:
0x62: {  	[tilespmem:s24], [sflag:$0x2] =	stream.indirect.gather [hbm4b:s1+s23], $0x80, s2, s23, $0xb8;
	[tilespmem:$0x1DB00] =	vst v63  }
0x63: {  	s2 =	smov.u32 s4  }
0x64: {  	p0 =	sne.s32 s4, $0x9600;
	s4 =	sadd.s32 $0x280, s4;
	_ =	swait.ge [sflag:s25], $0x2800  }
0x65: {  	s2 =	sshra.s32 s2, $0x2;
	[sflag:s25] =	ssyncset.done $0x0  }
0x66: {  	s19 =	sadd.s32 $0x2780, s2;
	[sflag:s25] =	ssyncadd.s32 $0xFFFFD800  }
0x67: {  	[spmem:s3] =	stream.indirect.scatter.add.f32 [tilespmem:s20], [sflag:$0x4], $0x80, s19, s23, $0xb8;
	[tilespmem:$0x1DB00] =	vst v63  }
0x68: {  	_ =	swait.ge [sflag:s21], $0x2800  }
0x69: {  	[sflag:s21] =	ssyncset.done $0x0  }
0x6a: {  	s19 =	sadd.s32 $0xA0, s2;
	[sflag:s21] =	ssyncadd.s32 $0xFFFFD800  }
0x6b: {  	[tilespmem:s20], [sflag:$0x1] =	stream.indirect.gather [hbm4b:s1+s23], $0x80, s19, s23, $0xb8;
	[tilespmem:$0x1DB00] =	vst v63  }
0x6c: {  	_ =	swait.ge [sflag:s26], $0x2800  }
0x6d: {  	[sflag:s26] =	ssyncset.done $0x0  }
.Ltmp1:
0x6e: {  	s19 =	sadd.s32 $0x27D0, s2;
	[sflag:s26] =	ssyncadd.s32 $0xFFFFD800;
	(pc) =	sbr.rel @p0 .LBB2_4-.Ltmp1, $4  }
0x6f: {  	[spmem:s3] =	stream.indirect.scatter.add.f32 [tilespmem:s24], [sflag:$0x4], $0x80, s19, s23, $0xb8;
	[tilespmem:$0x1DB00] =	vst v63  }
0x70: {  	_ =	swait.ge [sflag:s21], $0x2800  }
0x71: {  	[sflag:s21] =	ssyncset.done $0x0  }
0x72: {  	s2 =	sadd.s32 $0xF0, s2;
	[sflag:s21] =	ssyncadd.s32 $0xFFFFD800  }
0x73: {  	[tilespmem:s24], [sflag:$0x2] =	stream.indirect.gather [hbm4b:s1+s23], $0x80, s2, s23, $0xb8;
	[tilespmem:$0x1DB00] =	vst v63  }
0x74: {  	_ =	swait.ge [sflag:s25], $0x2800  }
0x75: {  	[sflag:s25] =	ssyncset.done $0x0  }
0x76: {  	[sflag:s25] =	ssyncadd.s32 $0xFFFFD800  }
0x77: {  	[spmem:s3] =	stream.indirect.scatter.add.f32 [tilespmem:s20], [sflag:$0x4], $0x80, s28, s23, $0xb8;
	[tilespmem:$0x1DB00] =	vst v63  }
0x78: {  	_ =	swait.ge [sflag:s21], $0x2800  }
0x79: {  	[sflag:s21] =	ssyncset.done $0x0  }
0x7a: {  	[sflag:s21] =	ssyncadd.s32 $0xFFFFD800  }
0x7b: {  	[tilespmem:s20], [sflag:$0x1] =	stream.indirect.gather [hbm4b:s1+s23], $0x80, s29, s23, $0xb8;
	[tilespmem:$0x1DB00] =	vst v63  }
0x7c: {  	_ =	swait.ge [sflag:s26], $0x2800  }
0x7d: {  	[sflag:s26] =	ssyncset.done $0x0  }
0x7e: {  	[sflag:s26] =	ssyncadd.s32 $0xFFFFD800  }
0x7f: {  	[spmem:s3] =	stream.indirect.scatter.add.f32 [tilespmem:s24], [sflag:$0x4], $0x80, s30, s23, $0xb8;
	[tilespmem:$0x1DB00] =	vst v63  }
0x80: {  	_ =	swait.ge [sflag:s21], $0x2800  }
0x81: {  	[sflag:s21] =	ssyncset.done $0x0  }
0x82: {  	[sflag:s21] =	ssyncadd.s32 $0xFFFFD800  }
0x83: {  	_ =	swait.ge [sflag:s25], $0x2800  }
0x84: {  	[sflag:s25] =	ssyncset.done $0x0  }
0x85: {  	[sflag:s25] =	ssyncadd.s32 $0xFFFFD800  }
0x86: {  	[spmem:s3] =	stream.indirect.scatter.add.f32 [tilespmem:s20], [sflag:$0x4], $0x80, s31, s23, $0xb8;
	[tilespmem:$0x1DB00] =	vst v63  }
0x87: {  	s19 =	stileid.u32;
	_ =	swait.ge [sflag:s21], $0x2800  }
0x88: {  	s4 =	sshrl.u32 s7, $0x3;
	s0 =	sadd.s32 $0x1, s0;
	[sflag:s21] =	ssyncset.done $0x0  }
0x89: {  	s2 =	sshll.u32 s19, $0x6;
	p0 =	sne.s32 s0, s10;
	[sflag:s21] =	ssyncadd.s32 $0xFFFFD800  }
.Ltmp2:
0x8a: {  	s2 =	sor.u32 $0x1C04, s2;
	[bflag:$0x0] =	sbarrier.arrive $0xFFFF;
	(pc) =	sbr.rel @p0 .LBB2_1-.Ltmp2, $4  }
0x8b: {  	[hbm:s9], [sflag:s2] =	dma.local [spmem:s4], $0x2780  }
0x8c: {  	_ =	swait.ge [sflag:s21], $0x2780  }
0x8d: {  	[sflag:s21] =	ssyncset.done $0x0  }
0x8e: {  	[sflag:s21] =	ssyncadd.s32 $0xFFFFD880  }
0x8f: {  	_ =	sfence.sel $0x180000  }
0x90: {  	[bflag:$0x0] =	sbarrier.arrive $0xFFFF  }
0x91: {  	_ =	strace $0x90000047  }
0x92: {  	s0 =	stileid.u32;
	[bflag:$0x2] =	sbarrier.arrive $0xFFFF  }
0x93: {  	p0 =	sne.s32 s0, $0x0;
	s0 =	rddreg [dreg:$0x4]  }
0x94: {  	s0 =	sadd.s32 @!p0 $0x100000, s0  }
0x95: {  	[sflag:s0] =	ssyncadd.tile.s32 @!p0 $0x1;
	_ =	shalt  }
.Lfunc_end2:
_tile_overlayer_lowered:
.L_overlay_start_2:
0x96: {  	(tag) =	ssettag $0x2  }
0x97: {  	s0 =	rddreg [dreg:$0x0];
	s2 =	stileid.u32  }
0x98: {  	s1 =	rddreg [dreg:$0x1];
	p0 =	sne.s32 s2, $0x0  }
0x99: {  	s3 =	rddreg [dreg:$0x2];
	[bflag:$0x3] =	sbarrier.arrive $0xFFFF;
	s2 =	simm.s32 @!p0 $0x1C04  }
0x9a: {  	[timem:s3], [sflag:s2] =	dma.local @!p0 [hbm:s0], s1  }
0x9b: {  	s0 =	simm.s32 @!p0 $0x4  }
0x9c: {  	_ =	swait.ge @!p0 [sflag:s0], s1  }
0x9d: {  	s1 =	ssub.s32 @!p0 $0x0, s1;
	[sflag:s0] =	ssyncset.done @!p0 $0x0  }
0x9e: {  	[sflag:s0] =	ssyncadd.s32 @!p0 s1  }
0x9f: {  	[bflag:$0x3] =	sbarrier.arrive $0xFFFF  }
0xa0: {  	_ =	shalt  }

// kernel: kernel.15.cloned.1.call-start
scs
__scs_entry_jumppad:
0x0: {  	(pc) =	sbr.rel $0x88, $3  }
0x1: {  	(tag) =	ssettag $0x0;
	lr =	simm.s32 $0x1  }
0x2: {  	[smem:$0x3F8C] =	sst lr;
	_ =	strace $0xD0000000  }
0x3: {  	_ = 	snop  }
0x4: {  	_ = 	snop  }
0x5: {  	_ = 	snop  }
0x6: {  	_ = 	snop  }
0x7: {  	_ = 	snop  }
__scs_overlays_trampoline_lowered:
0x8: {  	[smem:$0x3F9B] =	sst s0  }
0x9: {  	[smem:$0x3F9C] =	sst s1  }
0xa: {  	[smem:$0x3F9D] =	sst s2  }
0xb: {  	[smem:$0x3F9E] =	sst s3  }
0xc: {  	[smem:$0x3F9F] =	sst s4  }
0xd: {  	[smem:$0x3FA0] =	sst s5  }
0xe: {  	[smem:$0x3FA1] =	sst s6  }
0xf: {  	[smem:$0x3FA2] =	sst s7  }
0x10: {  	[smem:$0x3FA3] =	sst s8  }
0x11: {  	[smem:$0x3FA4] =	sst s9;
	s0 =	simm.s32 @!p0 $0x0  }
0x12: {  	s1 =	sld [smem:$0x3F8A];
	s0 =	simm.s32 @p0 $0x1  }
0x13: {  	[smem:$0x3FA5] =	sst s0;
	s0 =	simm.s32 @!p1 $0x0  }
0x14: {  	s2 =	sld [smem:$0x3F89];
	s0 =	simm.s32 @p1 $0x1  }
0x15: {  	[smem:$0x3FA6] =	sst s0;
	s0 =	simm.s32 @!p2 $0x0  }
0x16: {  	s3 =	sld [smem:$0x3FDB];
	s0 =	simm.s32 @p2 $0x1  }
0x17: {  	s4 =	simm.s32 $0x1BF5;
	[smem:$0x3FA8] =	sst s0  }
0x18: {  	s0 =	sld [smem:$0x3F8B];
	_ =	swait.ge [sflag:s4], $0x0  }
0x19: {  	s7 =	sld [smem:$0x3F8C]  }
0x1a: {  	s8 =	sadd.s32 $0xFFFFE003, lr  }
0x1b: {  	s9 =	sadd.s32 $0xFFFFFEF7, lr;
	s5 =	simm.s32 $0xFFFFFFFF;
	p2 =	slt.u32 s8, $0xFFFFF086  }
0x1c: {  	p1 =	slt.u32 s9, $0xF7A;
	s5 =	simm.s32 @!p2 $0x0  }
0x1d: {  	s5 =	simm.s32 @p1 $0x1;
	p0 =	seq.s32 s7, s2  }
0x1e: {  	s7 =	smul.u32 @!p0 $0xF7A, s2;
	p2 =	seq.s32 @!p0 s5, $0x0  }
0x1f: {  	s9 =	smul.u32 $0xF7A, s1;
	s8 =	simm.s32 @!p0 $0x1BF5;
	p2 =	por !p2, p0  }
0x20: {  	[sflag:s8] =	ssyncset.s32 @!p0 $0xFFFFF086;
	s6 =	sadd.s32 @!p0 s3, s7;
	s7 =	simm.s32 @!p0 $0x108  }
0x21: {  	s3 =	sadd.s32 s3, s9;
	s6 =	sadd.s32 @!p0 $0x88, s6;
	s7 =	simm.s32 @p2 $0x1082  }
0x22: {  	[simem:s7], [sflag:s8] =	dma.local @!p0 [hbm:s6], $0xF7A  }
0x23: {  	s9 =	sor.u32 $0xD0000000, s2;
	s6 =	simm.s32 $0x108;
	_ =	swait.ge @!p0 [sflag:s8], $0x0  }
0x24: {  	s3 =	sadd.s32 $0x88, s3;
	s6 =	simm.s32 @!p1 $0x1082;
	[sflag:s4] =	ssyncset.s32 $0xFFFFF086  }
0x25: {  	[simem:s6], [sflag:s4] =	dma.local [hbm:s3], $0xF7A  }
0x26: {  	[smem:$0x3F8C] =	sst s1;
	(tag) =	ssettag s2;
	_ =	strace s9  }
0x27: {  	s1 =	sld [smem:$0x3F9C]  }
0x28: {  	s2 =	sld [smem:$0x3F9D]  }
0x29: {  	s4 =	sld [smem:$0x3F9F]  }
0x2a: {  	p0 =	seq.s32 s5, $0x0;
	s5 =	sld [smem:$0x3FA0]  }
0x2b: {  	s6 =	sld [smem:$0x3FA1]  }
0x2c: {  	s7 =	sld [smem:$0x3FA2]  }
0x2d: {  	s3 =	simm.s32 $0x108;
	s8 =	sld [smem:$0x3FA3]  }
0x2e: {  	s3 =	simm.s32 @!p0 $0x1082;
	s9 =	sld [smem:$0x3FA4]  }
0x2f: {  	lr =	sadd.s32 s0, s3;
	s0 =	sld [smem:$0x3F9B]  }
0x30: {  	s3 =	sld [smem:$0x3F9E]  }
0x31: {  	[smem:$0x3FA7] =	sst s10  }
0x32: {  	s10 =	sld [smem:$0x3FA5];
	_ =	sdelay $0x3  }
0x33: {  	p0 =	seq.s32 s10, $0x1;
	s10 =	sld [smem:$0x3FA7];
	_ =	sdelay $0x3  }
0x34: {  	[smem:$0x3FA7] =	sst s10  }
0x35: {  	s10 =	sld [smem:$0x3FA6];
	_ =	sdelay $0x3  }
0x36: {  	p1 =	seq.s32 s10, $0x1;
	s10 =	sld [smem:$0x3FA7];
	_ =	sdelay $0x3  }
0x37: {  	[smem:$0x3FA7] =	sst s10  }
0x38: {  	s10 =	sld [smem:$0x3FA8]  }
0x39: {  	_ = 	snop;
	(pc) =	sbr.ind lr, $3  }
0x3a: {  	_ = 	snop  }
0x3b: {  	_ = 	snop  }
0x3c: {  	p2 =	seq.s32 s10, $0x1;
	s10 =	sld [smem:$0x3FA7]  }
0x3d: {  	_ =	shalt  }
0x3e: {  	_ =	shalt  }
0x3f: {  	_ =	shalt  }
0x40: {  	_ =	shalt  }
0x41: {  	_ =	shalt  }
0x42: {  	_ =	shalt  }
0x43: {  	_ =	shalt  }
0x44: {  	_ =	shalt  }
0x45: {  	_ =	shalt  }
0x46: {  	_ =	shalt  }
0x47: {  	_ =	shalt  }
0x48: {  	_ =	shalt  }
0x49: {  	_ =	shalt  }
0x4a: {  	_ =	shalt  }
0x4b: {  	_ =	shalt  }
0x4c: {  	_ =	shalt  }
0x4d: {  	_ =	shalt  }
0x4e: {  	_ =	shalt  }
0x4f: {  	_ =	shalt  }
0x50: {  	_ =	shalt  }
0x51: {  	_ =	shalt  }
0x52: {  	_ =	shalt  }
0x53: {  	_ =	shalt  }
0x54: {  	_ =	shalt  }
0x55: {  	_ =	shalt  }
0x56: {  	_ =	shalt  }
0x57: {  	_ =	shalt  }
0x58: {  	_ =	shalt  }
0x59: {  	_ =	shalt  }
0x5a: {  	_ =	shalt  }
0x5b: {  	_ =	shalt  }
0x5c: {  	_ =	shalt  }
0x5d: {  	_ =	shalt  }
0x5e: {  	_ =	shalt  }
0x5f: {  	_ =	shalt  }
0x60: {  	_ =	shalt  }
0x61: {  	_ =	shalt  }
0x62: {  	_ =	shalt  }
0x63: {  	_ =	shalt  }
0x64: {  	_ =	shalt  }
0x65: {  	_ =	shalt  }
0x66: {  	_ =	shalt  }
0x67: {  	_ =	shalt  }
0x68: {  	_ =	shalt  }
0x69: {  	_ =	shalt  }
0x6a: {  	_ =	shalt  }
0x6b: {  	_ =	shalt  }
0x6c: {  	_ =	shalt  }
0x6d: {  	_ =	shalt  }
0x6e: {  	_ =	shalt  }
0x6f: {  	_ =	shalt  }
0x70: {  	_ =	shalt  }
0x71: {  	_ =	shalt  }
0x72: {  	_ =	shalt  }
0x73: {  	_ =	shalt  }
0x74: {  	_ =	shalt  }
0x75: {  	_ =	shalt  }
0x76: {  	_ =	shalt  }
0x77: {  	_ =	shalt  }
0x78: {  	_ =	shalt  }
0x79: {  	_ =	shalt  }
0x7a: {  	_ =	shalt  }
0x7b: {  	_ =	shalt  }
0x7c: {  	_ =	shalt  }
0x7d: {  	_ =	shalt  }
0x7e: {  	_ =	shalt  }
0x7f: {  	_ =	shalt  }
0x80: {  	_ =	shalt  }
0x81: {  	_ =	shalt  }
0x82: {  	_ =	shalt  }
0x83: {  	_ =	shalt  }
0x84: {  	_ =	shalt  }
0x85: {  	_ =	shalt  }
0x86: {  	_ =	shalt  }
0x87: {  	_ =	shalt  }
.Lfunc_end0:
.L_simem_size_0:
called_computation.1_lowered:
.L_overlay_start_0:
0x88: {  	s2 =	sld [smem:$0x3FD9]  }
0x89: {  	s3 =	sld [smem:$0x3FFE];
	_ =	sdelay $0x1  }
0x8a: {  	s1 =	srdreg.scid  }
0x8b: {  	s0 =	sand.u32 $0x1, s1  }
0x8c: {  	s17 =	sshll.u32 s0, $0xA;
	s2 =	sadd.s32 s3, s2  }
0x8d: {  	s2 =	sadd.s32 s2, s17  }
0x8e: {  	[smem:$0x3FB3] =	sst s2  }
0x8f: {  	_ = 	snop  }
0x90: {  	(tm) =	ssettm $0x1  }
0x91: {  	s18 =	sld [smem:$0x3FFB];
	_ =	sdelay $0x3  }
0x92: {  	_ =	strace s18  }
0x93: {  	s2 =	sld [smem:$0x3FFC];
	_ =	sdelay $0x3  }
0x94: {  	_ =	strace s2  }
0x95: {  	s2 =	sld [smem:$0x3FFD];
	_ =	sdelay $0x3  }
0x96: {  	_ =	strace s2  }
0x97: {  	_ =	strace $0x8FFFFFFF  }
0x98: {  	s19 =	sld [smem:$0x3FDB];
	_ =	sdelay $0x1  }
0x99: {  	s20 =	simm.s32 $_scs_section_size  }
0x9a: {  	s4 =	simm.s32 $_size__tile_overlayer_lowered;
	s5 =	simm.s32 $_tile_overlayer_lowered  }
0x9b: {  	s6 =	simm.s32 $0x1BFF;
	s21 =	sshll.u32 s5, $0x1;
	s3 =	sadd.s32 s20, s19  }
0x9c: {  	s22 =	simm.s32 $0x0;
	s4 =	sshll.u32 s4, $0x1;
	s5 =	sadd.s32 s21, s3  }
0x9d: {  	[timem:s22], [sflag:s6] =	dma.local [hbm:s5], s4  }
0x9e: {  	_ =	swait.ge [sflag:s6], s4  }
0x9f: {  	s4 =	ssub.s32 $0x0, s4;
	[sflag:s6] =	ssyncset.done $0x0  }
0xa0: {  	[sflag:s6] =	ssyncadd.s32 s4;
	_ =	sdelay $0x1  }
0xa1: {  	s23 =	simm.s32 $0x1B8B  }
0xa2: {  	_ =	swait.ge [sflag:s23], $0x1  }
0xa3: {  	[sflag:s23] =	ssyncset.done $0x0  }
0xa4: {  	[sflag:s23] =	ssyncadd.s32 $0xFFFFFFFF  }
0xa5: {  	s4 =	sld [smem:$0x0]  }
0xa6: {  	s5 =	sand.u32 $0xFFFFFFFE, s1  }
0xa7: {  	p0 =	sne.s32 s1, s5  }
0xa8: {  	s5 =	sshll.u32 @p0 s5, $0xE  }
0xa9: {  	s5 =	sadd.s32 @p0 $0x11B8D, s5;
	s6 =	sshll.u32 @p0 s4, $0x11  }
0xaa: {  	s5 =	sor.u32 @p0 s6, s5  }
0xab: {  	[sflag:s5] =	ssyncadd.remote.s32 @p0 $0x1;
	_ =	sdelay $0x1  }
0xac: {  	s5 =	simm.s32 @p0 $0x1B8D  }
0xad: {  	_ =	swait.eq @p0 [sflag:s5], $0x1  }
0xae: {  	[sflag:s5] =	ssyncadd.s32 @p0 $0xFFFFFFFF  }
0xaf: {  	s6 =	sshll.u32 @!p0 s1, $0xE  }
0xb0: {  	s6 =	sor.u32 @!p0 $0x4000, s6;
	s5 =	simm.s32 @!p0 $0x1B8D  }
0xb1: {  	s4 =	sshll.u32 @!p0 s4, $0x11;
	s6 =	sadd.s32 @!p0 $0x11B8D, s6;
	_ =	swait.eq @!p0 [sflag:s5], $0x1  }
0xb2: {  	s4 =	sor.u32 @!p0 s4, s6;
	[sflag:s5] =	ssyncadd.s32 @!p0 $0xFFFFFFFF  }
0xb3: {  	s25 =	simm.s32 $0x1B8E;
	s24 =	sld [smem:$0x3FFE];
	[sflag:s4] =	ssyncadd.remote.s32 @!p0 $0x1  }
0xb4: {  	s26 =	simm.s32 $execute0_lowered;
	[smem:$0x3FD2] =	sst s25  }
0xb5: {  	s5 =	sshll.u32 s26, $0x1;
	_ =	strace $0x80000049;
	[dreg:$0x1] =	wrdreg $0xFFFFFFFF  }
0xb6: {  	s28 =	simm.s32 $_size_execute0_lowered;
	s3 =	sadd.s32 s3, s5;
	[dreg:$0x0] =	wrdreg $0x0  }
0xb7: {  	s5 =	sshll.u32 s28, $0x1;
	[dreg:$0x2] =	wrdreg s3  }
0xb8: {  	[dreg:$0x3] =	wrdreg s5  }
0xb9: {  	[dreg:$0x4] =	wrdreg $0xC0  }
0xba: {  	_ =	task [dreg:s22], $0x5FFFF  }
0xbb: {  	[dreg:$0x1] =	wrdreg $0xFFFFFFFF  }
0xbc: {  	[dreg:$0x0] =	wrdreg $0x60  }
0xbd: {  	[dreg:$0x2] =	wrdreg s24  }
0xbe: {  	[dreg:$0x3] =	wrdreg $0x9F000  }
0xbf: {  	[dreg:$0x4] =	wrdreg $0x9  }
0xc0: {  	_ =	task.clear_ibuf [dreg:s22], $0x5FFFF;
	_ =	strace $0x90000049  }
0xc1: {  	s29 =	simm.s32 $0x9;
	_ =	strace $0x8000004B  }
0xc2: {  	_ =	swait.ge [sflag:s29], $0x1  }
0xc3: {  	[sflag:s29] =	ssyncadd.s32 $0xFFFFFFFF  }
0xc4: {  	_ =	strace $0x9000004B  }
0xc5: {  	_ =	sfence  }
0xc6: {  	s30 =	sld [smem:$0x0];
	_ =	sdelay $0x2  }
0xc7: {  	s31 =	sshll.u32 s1, $0xD;
	s1 =	sshrl.u32 s1, $0x2  }
0xc8: {  	s4 =	sand.u32 $0x4000, s31;
	s1 =	sadd.s32 s1, s30  }
0xc9: {  	s0 =	sor.u32 s4, s0;
	s1 =	sshll.u32 s1, $0x11  }
0xca: {  	s0 =	sor.u32 s1, s0  }
0xcb: {  	s0 =	sadd.s32 $0x8F2B, s0  }
0xcc: {  	[sflag:s0] =	ssyncadd.remote.s32 $0x1  }
0xcd: {  	_ =	sfence.sel $0xFFFF  }
0xce: {  	[dreg:$0x0] =	wrdreg $0xFFFFFFFF;
	(pc) =	sbr.abs _section_cstart, $3  }
0xcf: {  	[dreg:$0x1] =	wrdreg $0xFFFFFFFF  }
0xd0: {  	_ =	task.clear_ibuf [dreg:s22], $0x2FFFF;
	_ =	strace $0x9FFFFFFF  }
0xd1: {  	(tm) =	ssettm $0x7FFFFFFF  }
tec
execute0_lowered:
.L_overlay_start_1:
0x0: {  	(tag) =	ssettag $0x1  }
0x1: {  	s0 =	rddreg [dreg:$0x0]  }
0x2: {  	s2 =	rddreg [dreg:$0x1];
	s1 =	srdreg.scid  }
0x3: {  	s7 =	stileid.u32;
	s6 =	simm.s32 $0x0;
	s17 =	simm.s32 $0x80  }
0x4: {  	s18 =	simm.s32 $0x400;
	s20 =	simm.s32 $0x4F00;
	s21 =	simm.s32 $0x4  }
0x5: {  	s28 =	simm.s32 $0x4DA0;
	s29 =	simm.s32 $0x26C0;
	s30 =	simm.s32 $0x4DF0  }
0x6: {  	s31 =	simm.s32 $0x4E40;
	s1 =	sand.u32 $0x1, s1;
	s23 =	smul.u32 $0x13C00, s7  }
0x7: {  	s3 =	sshrl.u32 s7, $0x2;
	s4 =	sshll.u32 s7, $0x8;
	s24 =	smul.u32 $0x4F000, s7  }
0x8: {  	[smem:$0x7FF] =	sst s6;
	s3 =	smul.u32 $0x13C00, s3;
	s5 =	sshll.u32 s1, $0x7  }
0x9: {  	s4 =	sand.u32 $0x300, s4;
	s22 =	smul.u32 $0x13C000, s1;
	s1 =	ssub.s32 $0x2, s1  }
0xa: {  	_ =	strace $0x8000004A;
	s4 =	sor.u32 s5, s4;
	s25 =	sshrl.u32 s1, $0x1  }
0xb: {  	s26 =	sshrl.u32 s24, $0x2;
	s24 =	simm.s32 $0x7700;
	s3 =	sor.u32 s3, s4  }
0xc: {  	s4 =	sadd.s32 $0x18C00, s0;
	s5 =	sadd.s32 s23, s22;
	s1 =	ssub.s32 s1, s25  }
0xd: {  	s7 =	sadd.s32 s26, s2;
	s22 =	simm.s32 $0x3;
	s23 =	simm.s32 $0x50  }
0xe: {  	s25 =	simm.s32 $0x1;
	s26 =	simm.s32 $0x2;
	s3 =	sshrl.u32 s3, $0x3  }
0xf: {  	s5 =	sshrl.u32 s5, $0x3;
	s8 =	sadd.s32 $0x11800, s7;
	s10 =	smax.u32 s1, $0x1  }
0x10: {  	s11 =	sadd.s32 $0x2800, s7;
	s12 =	sadd.s32 $0x5000, s7;
	s13 =	sadd.s32 $0x7800, s7  }
0x11: {  	s14 =	sadd.s32 $0xA000, s7;
	s15 =	sadd.s32 $0xC800, s7;
	s3 =	sadd.s32 s3, s0  }
0x12: {  	s16 =	sadd.s32 $0xF000, s7;
	s0 =	sadd.s32 s5, s0;
	s5 =	sadd.s32 $0x5000, s3  }
0x13: {  	v0 =	vimm.f32 $0.0e+00;
	s6 =	sadd.s32 $0xEE00, s3;
	s9 =	sadd.s32 $0x3FE00, s0;
	s0 =	simm.s32 $0x0  }
.LBB2_1:
0x14: {  	s1 =	simm.s32 $0x0  }
0x15: {  	[tilespmem:s1], [sflag:$0x3] =	stream.strided.gather [hbm4b:s5+s17], $0x2780, s18, s17, $0x38;
	[tilespmem:$0x1DB00] =	vst v63  }
0x16: {  	s19 =	simm.s32 $0x2780;
	s3 =	simm.s32 $0x70;
	s1 =	simm.s32 $0x3C0  }
0x17: {  	[tilespmem:s19], [sflag:$0x3] =	stream.strided.gather [hbm4b:s6+s17], $0x2780, s18, s17, $0x38;
	[tilespmem:$0x1DB00] =	vst v63  }
.LBB2_2:
0x18: {  	p0 =	sne.s32 s1, $0x9FC0;
	[tilespmem:s3+$0x4F00] =	vst v0  }
0x19: {  	[tilespmem:s3+$0x4E90] =	vst v0  }
0x1a: {  	[tilespmem:s3+$0x4EA0] =	vst v0  }
.Ltmp0:
0x1b: {  	[tilespmem:s3+$0x4EB0] =	vst v0;
	(pc) =	sbr.rel @p0 .LBB2_2-.Ltmp0, $4  }
0x1c: {  	[tilespmem:s3+$0x4EC0] =	vst v0  }
0x1d: {  	[tilespmem:s3+$0x4ED0] =	vst v0  }
0x1e: {  	[tilespmem:s3+$0x4EE0] =	vst v0  }
0x1f: {  	[tilespmem:s3+$0x4EF0] =	vst v0;
	s3 =	sshra.s32 s1, $0x2;
	s1 =	sadd.s32 $0x200, s1  }
0x20: {  	[tilespmem:s3+$0x4F00] =	vst v0  }
0x21: {  	[tilespmem:s3+$0x4E90] =	vst v0  }
0x22: {  	[tilespmem:s3+$0x4EA0] =	vst v0  }
0x23: {  	[tilespmem:s3+$0x4EB0] =	vst v0  }
0x24: {  	[tilespmem:s3+$0x4EC0] =	vst v0  }
0x25: {  	[tilespmem:s3+$0x4ED0] =	vst v0  }
0x26: {  	[tilespmem:s3+$0x4EE0] =	vst v0  }
0x27: {  	[tilespmem:s3+$0x4EF0] =	vst v0  }
0x28: {  	[spmem:s7] =	stream.linear.scatter [tilespmem:s20], [sflag:$0x4], $0x2800, $0x38;
	[tilespmem:$0x1DB00] =	vst v63  }
0x29: {  	_ =	swait.ge [sflag:s21], $0x2800  }
0x2a: {  	[sflag:s21] =	ssyncset.done $0x0  }
0x2b: {  	[sflag:s21] =	ssyncadd.s32 $0xFFFFD800  }
0x2c: {  	[spmem:s11] =	stream.linear.scatter [tilespmem:s20], [sflag:$0x4], $0x2800, $0x38;
	[tilespmem:$0x1DB00] =	vst v63  }
0x2d: {  	_ =	swait.ge [sflag:s21], $0x2800  }
0x2e: {  	[sflag:s21] =	ssyncset.done $0x0  }
0x2f: {  	[sflag:s21] =	ssyncadd.s32 $0xFFFFD800  }
0x30: {  	[spmem:s12] =	stream.linear.scatter [tilespmem:s20], [sflag:$0x4], $0x2800, $0x38;
	[tilespmem:$0x1DB00] =	vst v63  }
0x31: {  	_ =	swait.ge [sflag:s21], $0x2800  }
0x32: {  	[sflag:s21] =	ssyncset.done $0x0  }
0x33: {  	[sflag:s21] =	ssyncadd.s32 $0xFFFFD800  }
0x34: {  	[spmem:s13] =	stream.linear.scatter [tilespmem:s20], [sflag:$0x4], $0x2800, $0x38;
	[tilespmem:$0x1DB00] =	vst v63  }
0x35: {  	_ =	swait.ge [sflag:s21], $0x2800  }
0x36: {  	[sflag:s21] =	ssyncset.done $0x0  }
0x37: {  	[sflag:s21] =	ssyncadd.s32 $0xFFFFD800  }
0x38: {  	[spmem:s14] =	stream.linear.scatter [tilespmem:s20], [sflag:$0x4], $0x2800, $0x38;
	[tilespmem:$0x1DB00] =	vst v63  }
0x39: {  	_ =	swait.ge [sflag:s21], $0x2800  }
0x3a: {  	[sflag:s21] =	ssyncset.done $0x0  }
0x3b: {  	[sflag:s21] =	ssyncadd.s32 $0xFFFFD800  }
0x3c: {  	[spmem:s15] =	stream.linear.scatter [tilespmem:s20], [sflag:$0x4], $0x2800, $0x38;
	[tilespmem:$0x1DB00] =	vst v63  }
0x3d: {  	_ =	swait.ge [sflag:s21], $0x2800  }
0x3e: {  	[sflag:s21] =	ssyncset.done $0x0  }
0x3f: {  	[sflag:s21] =	ssyncadd.s32 $0xFFFFD800  }
0x40: {  	[spmem:s16] =	stream.linear.scatter [tilespmem:s20], [sflag:$0x4], $0x2800, $0x38;
	[tilespmem:$0x1DB00] =	vst v63  }
0x41: {  	_ =	swait.ge [sflag:s21], $0x2800  }
0x42: {  	[sflag:s21] =	ssyncset.done $0x0  }
0x43: {  	[sflag:s21] =	ssyncadd.s32 $0xFFFFD800  }
0x44: {  	[spmem:s8] =	stream.linear.scatter [tilespmem:s20], [sflag:$0x4], $0x2400, $0x38;
	[tilespmem:$0x1DB00] =	vst v63  }
0x45: {  	_ =	swait.ge [sflag:s21], $0x2400  }
0x46: {  	[sflag:s21] =	ssyncset.done $0x0  }
0x47: {  	[sflag:s21] =	ssyncadd.s32 $0xFFFFDC00  }
0x48: {  	_ =	swait.ge [sflag:s22], $0x2780  }
0x49: {  	[sflag:s22] =	ssyncset.done $0x0  }
0x4a: {  	[sflag:s22] =	ssyncadd.s32 $0xFFFFD880  }
0x4b: {  	_ =	swait.ge [sflag:s22], $0x2780  }
0x4c: {  	[sflag:s22] =	ssyncset.done $0x0  }
0x4d: {  	s1 =	simm.s32 $0x0;
	[sflag:s22] =	ssyncadd.s32 $0xFFFFD880  }
0x4e: {  	[tilespmem:s20], [sflag:$0x1] =	stream.indirect.gather [hbm4b:s4+s23], $0x80, s1, s23, $0xb8;
	[tilespmem:$0x1DB00] =	vst v63  }
0x4f: {  	_ = 	snop  }
0x50: {  	[tilespmem:s24], [sflag:$0x2] =	stream.indirect.gather [hbm4b:s4+s23], $0x80, s23, s23, $0xb8;
	[tilespmem:$0x1DB00] =	vst v63  }
0x51: {  	[bflag:$0x0] =	sbarrier.arrive $0xFFFF  }
0x52: {  	_ =	swait.ge [sflag:s25], $0x2800  }
0x53: {  	[sflag:s25] =	ssyncset.done $0x0  }
0x54: {  	s19 =	simm.s32 $0x2780;
	[sflag:s25] =	ssyncadd.s32 $0xFFFFD800  }
0x55: {  	[spmem:s2] =	stream.indirect.scatter.add.f32 [tilespmem:s20], [sflag:$0x4], $0x80, s19, s23, $0xb8;
	[tilespmem:$0x1DB00] =	vst v63  }
0x56: {  	_ =	swait.ge [sflag:s21], $0x2800  }
0x57: {  	[sflag:s21] =	ssyncset.done $0x0  }
0x58: {  	s3 =	simm.s32 $0xA0;
	[sflag:s21] =	ssyncadd.s32 $0xFFFFD800  }
0x59: {  	[tilespmem:s20], [sflag:$0x1] =	stream.indirect.gather [hbm4b:s4+s23], $0x80, s3, s23, $0xb8;
	[tilespmem:$0x1DB00] =	vst v63  }
0x5a: {  	_ =	swait.ge [sflag:s26], $0x2800  }
0x5b: {  	[sflag:s26] =	ssyncset.done $0x0  }
0x5c: {  	s19 =	simm.s32 $0x27D0;
	[sflag:s26] =	ssyncadd.s32 $0xFFFFD800  }
0x5d: {  	[spmem:s2] =	stream.indirect.scatter.add.f32 [tilespmem:s24], [sflag:$0x4], $0x80, s19, s23, $0xb8;
	[tilespmem:$0x1DB00] =	vst v63  }
0x5e: {  	_ =	swait.ge [sflag:s21], $0x2800  }
0x5f: {  	[sflag:s21] =	ssyncset.done $0x0  }
0x60: {  	s1 =	simm.s32 $0xF0;
	s3 =	simm.s32 $0x280;
	[sflag:s21] =	ssyncadd.s32 $0xFFFFD800  }
.LBB2_4:
0x61: {  	[tilespmem:s24], [sflag:$0x2] =	stream.indirect.gather [hbm4b:s4+s23], $0x80, s1, s23, $0xb8;
	[tilespmem:$0x1DB00] =	vst v63  }
0x62: {  	s1 =	smov.u32 s3  }
0x63: {  	p0 =	sne.s32 s3, $0x9600;
	s3 =	sadd.s32 $0x280, s3;
	_ =	swait.ge [sflag:s25], $0x2800  }
0x64: {  	s1 =	sshra.s32 s1, $0x2;
	[sflag:s25] =	ssyncset.done $0x0  }
0x65: {  	s19 =	sadd.s32 $0x2780, s1;
	[sflag:s25] =	ssyncadd.s32 $0xFFFFD800  }
0x66: {  	[spmem:s2] =	stream.indirect.scatter.add.f32 [tilespmem:s20], [sflag:$0x4], $0x80, s19, s23, $0xb8;
	[tilespmem:$0x1DB00] =	vst v63  }
0x67: {  	_ =	swait.ge [sflag:s21], $0x2800  }
0x68: {  	[sflag:s21] =	ssyncset.done $0x0  }
0x69: {  	s19 =	sadd.s32 $0xA0, s1;
	[sflag:s21] =	ssyncadd.s32 $0xFFFFD800  }
0x6a: {  	[tilespmem:s20], [sflag:$0x1] =	stream.indirect.gather [hbm4b:s4+s23], $0x80, s19, s23, $0xb8;
	[tilespmem:$0x1DB00] =	vst v63  }
0x6b: {  	_ =	swait.ge [sflag:s26], $0x2800  }
0x6c: {  	[sflag:s26] =	ssyncset.done $0x0  }
.Ltmp1:
0x6d: {  	s19 =	sadd.s32 $0x27D0, s1;
	[sflag:s26] =	ssyncadd.s32 $0xFFFFD800;
	(pc) =	sbr.rel @p0 .LBB2_4-.Ltmp1, $4  }
0x6e: {  	[spmem:s2] =	stream.indirect.scatter.add.f32 [tilespmem:s24], [sflag:$0x4], $0x80, s19, s23, $0xb8;
	[tilespmem:$0x1DB00] =	vst v63  }
0x6f: {  	_ =	swait.ge [sflag:s21], $0x2800  }
0x70: {  	[sflag:s21] =	ssyncset.done $0x0  }
0x71: {  	s1 =	sadd.s32 $0xF0, s1;
	[sflag:s21] =	ssyncadd.s32 $0xFFFFD800  }
0x72: {  	[tilespmem:s24], [sflag:$0x2] =	stream.indirect.gather [hbm4b:s4+s23], $0x80, s1, s23, $0xb8;
	[tilespmem:$0x1DB00] =	vst v63  }
0x73: {  	_ =	swait.ge [sflag:s25], $0x2800  }
0x74: {  	[sflag:s25] =	ssyncset.done $0x0  }
0x75: {  	[sflag:s25] =	ssyncadd.s32 $0xFFFFD800  }
0x76: {  	[spmem:s2] =	stream.indirect.scatter.add.f32 [tilespmem:s20], [sflag:$0x4], $0x80, s28, s23, $0xb8;
	[tilespmem:$0x1DB00] =	vst v63  }
0x77: {  	_ =	swait.ge [sflag:s21], $0x2800  }
0x78: {  	[sflag:s21] =	ssyncset.done $0x0  }
0x79: {  	[sflag:s21] =	ssyncadd.s32 $0xFFFFD800  }
0x7a: {  	[tilespmem:s20], [sflag:$0x1] =	stream.indirect.gather [hbm4b:s4+s23], $0x80, s29, s23, $0xb8;
	[tilespmem:$0x1DB00] =	vst v63  }
0x7b: {  	_ =	swait.ge [sflag:s26], $0x2800  }
0x7c: {  	[sflag:s26] =	ssyncset.done $0x0  }
0x7d: {  	[sflag:s26] =	ssyncadd.s32 $0xFFFFD800  }
0x7e: {  	[spmem:s2] =	stream.indirect.scatter.add.f32 [tilespmem:s24], [sflag:$0x4], $0x80, s30, s23, $0xb8;
	[tilespmem:$0x1DB00] =	vst v63  }
0x7f: {  	_ =	swait.ge [sflag:s21], $0x2800  }
0x80: {  	[sflag:s21] =	ssyncset.done $0x0  }
0x81: {  	[sflag:s21] =	ssyncadd.s32 $0xFFFFD800  }
0x82: {  	_ =	swait.ge [sflag:s25], $0x2800  }
0x83: {  	[sflag:s25] =	ssyncset.done $0x0  }
0x84: {  	[sflag:s25] =	ssyncadd.s32 $0xFFFFD800  }
0x85: {  	[spmem:s2] =	stream.indirect.scatter.add.f32 [tilespmem:s20], [sflag:$0x4], $0x80, s31, s23, $0xb8;
	[tilespmem:$0x1DB00] =	vst v63  }
0x86: {  	s19 =	stileid.u32;
	_ =	swait.ge [sflag:s21], $0x2800  }
0x87: {  	s3 =	sshrl.u32 s7, $0x3;
	s0 =	sadd.s32 $0x1, s0;
	[sflag:s21] =	ssyncset.done $0x0  }
0x88: {  	s1 =	sshll.u32 s19, $0x6;
	p0 =	sne.s32 s0, s10;
	[sflag:s21] =	ssyncadd.s32 $0xFFFFD800  }
.Ltmp2:
0x89: {  	s1 =	sor.u32 $0x1C04, s1;
	[bflag:$0x0] =	sbarrier.arrive $0xFFFF;
	(pc) =	sbr.rel @p0 .LBB2_1-.Ltmp2, $4  }
0x8a: {  	[hbm:s9], [sflag:s1] =	dma.local [spmem:s3], $0x2780  }
0x8b: {  	_ =	swait.ge [sflag:s21], $0x2780  }
0x8c: {  	[sflag:s21] =	ssyncset.done $0x0  }
0x8d: {  	[sflag:s21] =	ssyncadd.s32 $0xFFFFD880  }
0x8e: {  	_ =	sfence.sel $0x180000  }
0x8f: {  	[bflag:$0x0] =	sbarrier.arrive $0xFFFF  }
0x90: {  	_ =	strace $0x9000004A  }
0x91: {  	s0 =	stileid.u32;
	[bflag:$0x2] =	sbarrier.arrive $0xFFFF  }
0x92: {  	p0 =	sne.s32 s0, $0x0;
	s0 =	rddreg [dreg:$0x2]  }
0x93: {  	s0 =	sadd.s32 @!p0 $0x100000, s0  }
0x94: {  	[sflag:s0] =	ssyncadd.tile.s32 @!p0 $0x1;
	_ =	shalt  }
.Lfunc_end2:
_tile_overlayer_lowered:
.L_overlay_start_2:
0x95: {  	(tag) =	ssettag $0x2  }
0x96: {  	s0 =	rddreg [dreg:$0x0];
	s2 =	stileid.u32  }
0x97: {  	s1 =	rddreg [dreg:$0x1];
	p0 =	sne.s32 s2, $0x0  }
0x98: {  	s3 =	rddreg [dreg:$0x2];
	[bflag:$0x3] =	sbarrier.arrive $0xFFFF;
	s2 =	simm.s32 @!p0 $0x1C04  }
0x99: {  	[timem:s3], [sflag:s2] =	dma.local @!p0 [hbm:s0], s1  }
0x9a: {  	s0 =	simm.s32 @!p0 $0x4  }
0x9b: {  	_ =	swait.ge @!p0 [sflag:s0], s1  }
0x9c: {  	s1 =	ssub.s32 @!p0 $0x0, s1;
	[sflag:s0] =	ssyncset.done @!p0 $0x0  }
0x9d: {  	[sflag:s0] =	ssyncadd.s32 @!p0 s1  }
0x9e: {  	[bflag:$0x3] =	sbarrier.arrive $0xFFFF  }
0x9f: {  	_ =	shalt  }

// kernel: kernel.18.cloned.1.call-start
scs
__scs_entry_jumppad:
0x0: {  	(pc) =	sbr.rel $0x88, $3  }
0x1: {  	(tag) =	ssettag $0x0;
	lr =	simm.s32 $0x1  }
0x2: {  	[smem:$0x3F8C] =	sst lr;
	_ =	strace $0xD0000000  }
0x3: {  	_ = 	snop  }
0x4: {  	_ = 	snop  }
0x5: {  	_ = 	snop  }
0x6: {  	_ = 	snop  }
0x7: {  	_ = 	snop  }
__scs_overlays_trampoline_lowered:
0x8: {  	[smem:$0x3F9B] =	sst s0  }
0x9: {  	[smem:$0x3F9C] =	sst s1  }
0xa: {  	[smem:$0x3F9D] =	sst s2  }
0xb: {  	[smem:$0x3F9E] =	sst s3  }
0xc: {  	[smem:$0x3F9F] =	sst s4  }
0xd: {  	[smem:$0x3FA0] =	sst s5  }
0xe: {  	[smem:$0x3FA1] =	sst s6  }
0xf: {  	[smem:$0x3FA2] =	sst s7  }
0x10: {  	[smem:$0x3FA3] =	sst s8  }
0x11: {  	[smem:$0x3FA4] =	sst s9;
	s0 =	simm.s32 @!p0 $0x0  }
0x12: {  	s1 =	sld [smem:$0x3F8A];
	s0 =	simm.s32 @p0 $0x1  }
0x13: {  	[smem:$0x3FA5] =	sst s0;
	s0 =	simm.s32 @!p1 $0x0  }
0x14: {  	s2 =	sld [smem:$0x3F89];
	s0 =	simm.s32 @p1 $0x1  }
0x15: {  	[smem:$0x3FA6] =	sst s0;
	s0 =	simm.s32 @!p2 $0x0  }
0x16: {  	s3 =	sld [smem:$0x3FDB];
	s0 =	simm.s32 @p2 $0x1  }
0x17: {  	s4 =	simm.s32 $0x1BF5;
	[smem:$0x3FA8] =	sst s0  }
0x18: {  	s0 =	sld [smem:$0x3F8B];
	_ =	swait.ge [sflag:s4], $0x0  }
0x19: {  	s7 =	sld [smem:$0x3F8C]  }
0x1a: {  	s8 =	sadd.s32 $0xFFFFE003, lr  }
0x1b: {  	s9 =	sadd.s32 $0xFFFFFEF7, lr;
	s5 =	simm.s32 $0xFFFFFFFF;
	p2 =	slt.u32 s8, $0xFFFFF086  }
0x1c: {  	p1 =	slt.u32 s9, $0xF7A;
	s5 =	simm.s32 @!p2 $0x0  }
0x1d: {  	s5 =	simm.s32 @p1 $0x1;
	p0 =	seq.s32 s7, s2  }
0x1e: {  	s7 =	smul.u32 @!p0 $0xF7A, s2;
	p2 =	seq.s32 @!p0 s5, $0x0  }
0x1f: {  	s9 =	smul.u32 $0xF7A, s1;
	s8 =	simm.s32 @!p0 $0x1BF5;
	p2 =	por !p2, p0  }
0x20: {  	[sflag:s8] =	ssyncset.s32 @!p0 $0xFFFFF086;
	s6 =	sadd.s32 @!p0 s3, s7;
	s7 =	simm.s32 @!p0 $0x108  }
0x21: {  	s3 =	sadd.s32 s3, s9;
	s6 =	sadd.s32 @!p0 $0x88, s6;
	s7 =	simm.s32 @p2 $0x1082  }
0x22: {  	[simem:s7], [sflag:s8] =	dma.local @!p0 [hbm:s6], $0xF7A  }
0x23: {  	s9 =	sor.u32 $0xD0000000, s2;
	s6 =	simm.s32 $0x108;
	_ =	swait.ge @!p0 [sflag:s8], $0x0  }
0x24: {  	s3 =	sadd.s32 $0x88, s3;
	s6 =	simm.s32 @!p1 $0x1082;
	[sflag:s4] =	ssyncset.s32 $0xFFFFF086  }
0x25: {  	[simem:s6], [sflag:s4] =	dma.local [hbm:s3], $0xF7A  }
0x26: {  	[smem:$0x3F8C] =	sst s1;
	(tag) =	ssettag s2;
	_ =	strace s9  }
0x27: {  	s1 =	sld [smem:$0x3F9C]  }
0x28: {  	s2 =	sld [smem:$0x3F9D]  }
0x29: {  	s4 =	sld [smem:$0x3F9F]  }
0x2a: {  	p0 =	seq.s32 s5, $0x0;
	s5 =	sld [smem:$0x3FA0]  }
0x2b: {  	s6 =	sld [smem:$0x3FA1]  }
0x2c: {  	s7 =	sld [smem:$0x3FA2]  }
0x2d: {  	s3 =	simm.s32 $0x108;
	s8 =	sld [smem:$0x3FA3]  }
0x2e: {  	s3 =	simm.s32 @!p0 $0x1082;
	s9 =	sld [smem:$0x3FA4]  }
0x2f: {  	lr =	sadd.s32 s0, s3;
	s0 =	sld [smem:$0x3F9B]  }
0x30: {  	s3 =	sld [smem:$0x3F9E]  }
0x31: {  	[smem:$0x3FA7] =	sst s10  }
0x32: {  	s10 =	sld [smem:$0x3FA5];
	_ =	sdelay $0x3  }
0x33: {  	p0 =	seq.s32 s10, $0x1;
	s10 =	sld [smem:$0x3FA7];
	_ =	sdelay $0x3  }
0x34: {  	[smem:$0x3FA7] =	sst s10  }
0x35: {  	s10 =	sld [smem:$0x3FA6];
	_ =	sdelay $0x3  }
0x36: {  	p1 =	seq.s32 s10, $0x1;
	s10 =	sld [smem:$0x3FA7];
	_ =	sdelay $0x3  }
0x37: {  	[smem:$0x3FA7] =	sst s10  }
0x38: {  	s10 =	sld [smem:$0x3FA8]  }
0x39: {  	_ = 	snop;
	(pc) =	sbr.ind lr, $3  }
0x3a: {  	_ = 	snop  }
0x3b: {  	_ = 	snop  }
0x3c: {  	p2 =	seq.s32 s10, $0x1;
	s10 =	sld [smem:$0x3FA7]  }
0x3d: {  	_ =	shalt  }
0x3e: {  	_ =	shalt  }
0x3f: {  	_ =	shalt  }
0x40: {  	_ =	shalt  }
0x41: {  	_ =	shalt  }
0x42: {  	_ =	shalt  }
0x43: {  	_ =	shalt  }
0x44: {  	_ =	shalt  }
0x45: {  	_ =	shalt  }
0x46: {  	_ =	shalt  }
0x47: {  	_ =	shalt  }
0x48: {  	_ =	shalt  }
0x49: {  	_ =	shalt  }
0x4a: {  	_ =	shalt  }
0x4b: {  	_ =	shalt  }
0x4c: {  	_ =	shalt  }
0x4d: {  	_ =	shalt  }
0x4e: {  	_ =	shalt  }
0x4f: {  	_ =	shalt  }
0x50: {  	_ =	shalt  }
0x51: {  	_ =	shalt  }
0x52: {  	_ =	shalt  }
0x53: {  	_ =	shalt  }
0x54: {  	_ =	shalt  }
0x55: {  	_ =	shalt  }
0x56: {  	_ =	shalt  }
0x57: {  	_ =	shalt  }
0x58: {  	_ =	shalt  }
0x59: {  	_ =	shalt  }
0x5a: {  	_ =	shalt  }
0x5b: {  	_ =	shalt  }
0x5c: {  	_ =	shalt  }
0x5d: {  	_ =	shalt  }
0x5e: {  	_ =	shalt  }
0x5f: {  	_ =	shalt  }
0x60: {  	_ =	shalt  }
0x61: {  	_ =	shalt  }
0x62: {  	_ =	shalt  }
0x63: {  	_ =	shalt  }
0x64: {  	_ =	shalt  }
0x65: {  	_ =	shalt  }
0x66: {  	_ =	shalt  }
0x67: {  	_ =	shalt  }
0x68: {  	_ =	shalt  }
0x69: {  	_ =	shalt  }
0x6a: {  	_ =	shalt  }
0x6b: {  	_ =	shalt  }
0x6c: {  	_ =	shalt  }
0x6d: {  	_ =	shalt  }
0x6e: {  	_ =	shalt  }
0x6f: {  	_ =	shalt  }
0x70: {  	_ =	shalt  }
0x71: {  	_ =	shalt  }
0x72: {  	_ =	shalt  }
0x73: {  	_ =	shalt  }
0x74: {  	_ =	shalt  }
0x75: {  	_ =	shalt  }
0x76: {  	_ =	shalt  }
0x77: {  	_ =	shalt  }
0x78: {  	_ =	shalt  }
0x79: {  	_ =	shalt  }
0x7a: {  	_ =	shalt  }
0x7b: {  	_ =	shalt  }
0x7c: {  	_ =	shalt  }
0x7d: {  	_ =	shalt  }
0x7e: {  	_ =	shalt  }
0x7f: {  	_ =	shalt  }
0x80: {  	_ =	shalt  }
0x81: {  	_ =	shalt  }
0x82: {  	_ =	shalt  }
0x83: {  	_ =	shalt  }
0x84: {  	_ =	shalt  }
0x85: {  	_ =	shalt  }
0x86: {  	_ =	shalt  }
0x87: {  	_ =	shalt  }
.Lfunc_end0:
.L_simem_size_0:
called_computation.2_lowered:
.L_overlay_start_0:
0x88: {  	s2 =	sld [smem:$0x3FD9]  }
0x89: {  	s3 =	sld [smem:$0x3FFE];
	_ =	sdelay $0x1  }
0x8a: {  	s1 =	srdreg.scid  }
0x8b: {  	s0 =	sand.u32 $0x1, s1  }
0x8c: {  	s15 =	sshll.u32 s0, $0xA;
	s2 =	sadd.s32 s3, s2  }
0x8d: {  	s2 =	sadd.s32 s2, s15  }
0x8e: {  	[smem:$0x3FB3] =	sst s2  }
0x8f: {  	_ = 	snop  }
0x90: {  	s2 =	sld [smem:$0x3FD0];
	_ =	sdelay $0x2  }
0x91: {  	s16 =	simm.s32 $0xB;
	s4 =	simm.s32 $0x10  }
0x92: {  	[smem:s4], [sflag:s16] =	dma.local [hbm:s2], $0x1  }
0x93: {  	_ =	swait.eq [sflag:s16], $0x1  }
0x94: {  	[sflag:s16] =	ssyncset.done $0x0  }
0x95: {  	[sflag:s16] =	ssyncadd.s32 $0xFFFFFFFF  }
0x96: {  	s17 =	sld [smem:$0x11];
	(tm) =	ssettm $0x1  }
0x97: {  	s18 =	sld [smem:$0x3FFB];
	_ =	sdelay $0x3  }
0x98: {  	_ =	strace s18  }
0x99: {  	s2 =	sld [smem:$0x3FFC];
	_ =	sdelay $0x3  }
0x9a: {  	_ =	strace s2  }
0x9b: {  	s2 =	sld [smem:$0x3FFD];
	_ =	sdelay $0x3  }
0x9c: {  	_ =	strace s2  }
0x9d: {  	_ =	strace $0x8FFFFFFF  }
0x9e: {  	s19 =	sld [smem:$0x3FDB];
	_ =	sdelay $0x1  }
0x9f: {  	s20 =	simm.s32 $_scs_section_size  }
0xa0: {  	s5 =	simm.s32 $_size__tile_overlayer_lowered;
	s6 =	simm.s32 $_tile_overlayer_lowered  }
0xa1: {  	s7 =	simm.s32 $0x1BFF;
	s21 =	sshll.u32 s6, $0x1;
	s4 =	sadd.s32 s20, s19  }
0xa2: {  	s22 =	simm.s32 $0x0;
	s5 =	sshll.u32 s5, $0x1;
	s6 =	sadd.s32 s21, s4  }
0xa3: {  	[timem:s22], [sflag:s7] =	dma.local [hbm:s6], s5  }
0xa4: {  	_ =	swait.ge [sflag:s7], s5  }
0xa5: {  	s5 =	ssub.s32 $0x0, s5;
	[sflag:s7] =	ssyncset.done $0x0  }
0xa6: {  	[sflag:s7] =	ssyncadd.s32 s5;
	_ =	sdelay $0x1  }
0xa7: {  	s23 =	simm.s32 $0x1B8B  }
0xa8: {  	_ =	swait.ge [sflag:s23], $0x1  }
0xa9: {  	[sflag:s23] =	ssyncset.done $0x0  }
0xaa: {  	[sflag:s23] =	ssyncadd.s32 $0xFFFFFFFF  }
0xab: {  	s5 =	sld [smem:$0x0]  }
0xac: {  	s6 =	sand.u32 $0xFFFFFFFE, s1  }
0xad: {  	p0 =	sne.s32 s1, s6  }
0xae: {  	s6 =	sshll.u32 @p0 s6, $0xE  }
0xaf: {  	s6 =	sadd.s32 @p0 $0x11B8D, s6;
	s7 =	sshll.u32 @p0 s5, $0x11  }
0xb0: {  	s6 =	sor.u32 @p0 s7, s6  }
0xb1: {  	[sflag:s6] =	ssyncadd.remote.s32 @p0 $0x1;
	_ =	sdelay $0x1  }
0xb2: {  	s6 =	simm.s32 @p0 $0x1B8D  }
0xb3: {  	_ =	swait.eq @p0 [sflag:s6], $0x1  }
0xb4: {  	[sflag:s6] =	ssyncadd.s32 @p0 $0xFFFFFFFF  }
0xb5: {  	s7 =	sshll.u32 @!p0 s1, $0xE  }
0xb6: {  	s7 =	sor.u32 @!p0 $0x4000, s7;
	s6 =	simm.s32 @!p0 $0x1B8D  }
0xb7: {  	s5 =	sshll.u32 @!p0 s5, $0x11;
	s7 =	sadd.s32 @!p0 $0x11B8D, s7;
	_ =	swait.eq @!p0 [sflag:s6], $0x1  }
0xb8: {  	s5 =	sor.u32 @!p0 s5, s7;
	[sflag:s6] =	ssyncadd.s32 @!p0 $0xFFFFFFFF  }
0xb9: {  	s25 =	simm.s32 $0x1B8E;
	s24 =	sld [smem:$0x3FFE];
	[sflag:s5] =	ssyncadd.remote.s32 @!p0 $0x1  }
0xba: {  	s26 =	simm.s32 $execute0_lowered;
	[smem:$0x3FD2] =	sst s25  }
0xbb: {  	s6 =	sshll.u32 s26, $0x1;
	_ =	strace $0x8000004C;
	[dreg:$0x1] =	wrdreg $0xFFFFFFFF  }
0xbc: {  	s28 =	simm.s32 $_size_execute0_lowered;
	s4 =	sadd.s32 s4, s6;
	[dreg:$0x0] =	wrdreg $0x0  }
0xbd: {  	s6 =	sshll.u32 s28, $0x1;
	[dreg:$0x2] =	wrdreg s4  }
0xbe: {  	[dreg:$0x3] =	wrdreg s6  }
0xbf: {  	[dreg:$0x4] =	wrdreg $0xC0  }
0xc0: {  	_ =	task [dreg:s22], $0x5FFFF  }
0xc1: {  	[dreg:$0x1] =	wrdreg $0xFFFFFFFF  }
0xc2: {  	[dreg:$0x0] =	wrdreg $0x60  }
0xc3: {  	[dreg:$0x2] =	wrdreg s24  }
0xc4: {  	[dreg:$0x3] =	wrdreg s17  }
0xc5: {  	[dreg:$0x4] =	wrdreg $0x9F000  }
0xc6: {  	[dreg:$0x5] =	wrdreg $0xA  }
0xc7: {  	_ =	task.clear_ibuf [dreg:s22], $0x6FFFF;
	_ =	strace $0x9000004C  }
0xc8: {  	s29 =	simm.s32 $0xA;
	_ =	strace $0x8000004E  }
0xc9: {  	_ =	swait.ge [sflag:s29], $0x1  }
0xca: {  	[sflag:s29] =	ssyncadd.s32 $0xFFFFFFFF  }
0xcb: {  	_ =	strace $0x9000004E  }
0xcc: {  	_ =	sfence  }
0xcd: {  	s30 =	sld [smem:$0x0];
	_ =	sdelay $0x2  }
0xce: {  	s31 =	sshll.u32 s1, $0xD;
	s1 =	sshrl.u32 s1, $0x2  }
0xcf: {  	s4 =	sand.u32 $0x4000, s31;
	s1 =	sadd.s32 s1, s30  }
0xd0: {  	s0 =	sor.u32 s4, s0;
	s1 =	sshll.u32 s1, $0x11  }
0xd1: {  	s0 =	sor.u32 s1, s0  }
0xd2: {  	s0 =	sadd.s32 $0x8F2B, s0  }
0xd3: {  	[sflag:s0] =	ssyncadd.remote.s32 $0x1  }
0xd4: {  	_ =	sfence.sel $0xFFFF  }
0xd5: {  	[dreg:$0x0] =	wrdreg $0xFFFFFFFF;
	(pc) =	sbr.abs _section_cstart, $3  }
0xd6: {  	[dreg:$0x1] =	wrdreg $0xFFFFFFFF  }
0xd7: {  	_ =	task.clear_ibuf [dreg:s22], $0x2FFFF;
	_ =	strace $0x9FFFFFFF  }
0xd8: {  	(tm) =	ssettm $0x7FFFFFFF  }
0xd9: {  	_ =	shalt  }
tec
execute0_lowered:
.L_overlay_start_1:
0x0: {  	(tag) =	ssettag $0x1  }
0x1: {  	s0 =	rddreg [dreg:$0x0]  }
0x2: {  	s2 =	rddreg [dreg:$0x1]  }
0x3: {  	s1 =	rddreg [dreg:$0x2]  }
0x4: {  	s3 =	simm.s32 $0x0;
	s22 =	srdreg.scid;
	s9 =	stileid.u32  }
0x5: {  	s17 =	simm.s32 $0x80;
	s18 =	simm.s32 $0x400;
	s20 =	simm.s32 $0x4F00  }
0x6: {  	s21 =	simm.s32 $0x4;
	s28 =	simm.s32 $0x4DA0;
	s29 =	simm.s32 $0x26C0  }
0x7: {  	s30 =	simm.s32 $0x4DF0;
	s31 =	simm.s32 $0x4E40;
	[smem:$0x7FF] =	sst s3  }
0x8: {  	s3 =	sand.u32 $0x1, s22;
	s4 =	sshrl.u32 s9, $0x2;
	s23 =	smul.u32 $0x4F000, s9  }
0x9: {  	s5 =	sshll.u32 s9, $0x8;
	s9 =	smul.u32 $0x13C00, s9;
	s22 =	simm.s32 $0x3  }
0xa: {  	s4 =	smul.u32 $0x13C00, s4;
	s6 =	sshll.u32 s3, $0x7;
	s5 =	sand.u32 $0x300, s5  }
0xb: {  	_ =	strace $0x8000004D;
	s24 =	ssub.s32 $0x2, s3;
	s3 =	smul.u32 $0x13C000, s3  }
0xc: {  	s5 =	sor.u32 s6, s5;
	s8 =	sshrl.u32 s24, $0x1;
	s25 =	sshrl.u32 s23, $0x2  }
0xd: {  	s23 =	simm.s32 $0x50;
	s4 =	sor.u32 s4, s5;
	s10 =	ssub.s32 s24, s8  }
0xe: {  	s3 =	sadd.s32 s9, s3;
	s24 =	simm.s32 $0x7700;
	s7 =	sshrl.u32 s4, $0x3  }
0xf: {  	s4 =	sadd.s32 $0x8EE00, s0;
	s26 =	sshrl.u32 s3, $0x3;
	s10 =	smax.u32 s10, $0x1  }
0x10: {  	s0 =	sadd.s32 s7, s0;
	s7 =	sadd.s32 s25, s1;
	s9 =	sadd.s32 s2, s26  }
0x11: {  	s25 =	simm.s32 $0x1;
	s26 =	simm.s32 $0x2;
	s5 =	sadd.s32 $0x5000, s0  }
0x12: {  	s6 =	sadd.s32 $0xEE00, s0;
	s8 =	sadd.s32 $0x11800, s7;
	s11 =	sadd.s32 $0x2800, s7  }
0x13: {  	s12 =	sadd.s32 $0x5000, s7;
	s13 =	sadd.s32 $0x7800, s7;
	s14 =	sadd.s32 $0xA000, s7  }
0x14: {  	v0 =	vimm.f32 $0.0e+00;
	s15 =	sadd.s32 $0xC800, s7;
	s16 =	sadd.s32 $0xF000, s7;
	s0 =	simm.s32 $0x0  }
.LBB2_1:
0x15: {  	s2 =	simm.s32 $0x0  }
0x16: {  	[tilespmem:s2], [sflag:$0x3] =	stream.strided.gather [hbm4b:s5+s17], $0x2780, s18, s17, $0x38;
	[tilespmem:$0x1DB00] =	vst v63  }
0x17: {  	s19 =	simm.s32 $0x2780;
	s3 =	simm.s32 $0x70;
	s2 =	simm.s32 $0x3C0  }
0x18: {  	[tilespmem:s19], [sflag:$0x3] =	stream.strided.gather [hbm4b:s6+s17], $0x2780, s18, s17, $0x38;
	[tilespmem:$0x1DB00] =	vst v63  }
.LBB2_2:
0x19: {  	p0 =	sne.s32 s2, $0x9FC0;
	[tilespmem:s3+$0x4F00] =	vst v0  }
0x1a: {  	[tilespmem:s3+$0x4E90] =	vst v0  }
0x1b: {  	[tilespmem:s3+$0x4EA0] =	vst v0  }
.Ltmp0:
0x1c: {  	[tilespmem:s3+$0x4EB0] =	vst v0;
	(pc) =	sbr.rel @p0 .LBB2_2-.Ltmp0, $4  }
0x1d: {  	[tilespmem:s3+$0x4EC0] =	vst v0  }
0x1e: {  	[tilespmem:s3+$0x4ED0] =	vst v0  }
0x1f: {  	[tilespmem:s3+$0x4EE0] =	vst v0  }
0x20: {  	[tilespmem:s3+$0x4EF0] =	vst v0;
	s3 =	sshra.s32 s2, $0x2;
	s2 =	sadd.s32 $0x200, s2  }
0x21: {  	[tilespmem:s3+$0x4F00] =	vst v0  }
0x22: {  	[tilespmem:s3+$0x4E90] =	vst v0  }
0x23: {  	[tilespmem:s3+$0x4EA0] =	vst v0  }
0x24: {  	[tilespmem:s3+$0x4EB0] =	vst v0  }
0x25: {  	[tilespmem:s3+$0x4EC0] =	vst v0  }
0x26: {  	[tilespmem:s3+$0x4ED0] =	vst v0  }
0x27: {  	[tilespmem:s3+$0x4EE0] =	vst v0  }
0x28: {  	[tilespmem:s3+$0x4EF0] =	vst v0  }
0x29: {  	[spmem:s7] =	stream.linear.scatter [tilespmem:s20], [sflag:$0x4], $0x2800, $0x38;
	[tilespmem:$0x1DB00] =	vst v63  }
0x2a: {  	_ =	swait.ge [sflag:s21], $0x2800  }
0x2b: {  	[sflag:s21] =	ssyncset.done $0x0  }
0x2c: {  	[sflag:s21] =	ssyncadd.s32 $0xFFFFD800  }
0x2d: {  	[spmem:s11] =	stream.linear.scatter [tilespmem:s20], [sflag:$0x4], $0x2800, $0x38;
	[tilespmem:$0x1DB00] =	vst v63  }
0x2e: {  	_ =	swait.ge [sflag:s21], $0x2800  }
0x2f: {  	[sflag:s21] =	ssyncset.done $0x0  }
0x30: {  	[sflag:s21] =	ssyncadd.s32 $0xFFFFD800  }
0x31: {  	[spmem:s12] =	stream.linear.scatter [tilespmem:s20], [sflag:$0x4], $0x2800, $0x38;
	[tilespmem:$0x1DB00] =	vst v63  }
0x32: {  	_ =	swait.ge [sflag:s21], $0x2800  }
0x33: {  	[sflag:s21] =	ssyncset.done $0x0  }
0x34: {  	[sflag:s21] =	ssyncadd.s32 $0xFFFFD800  }
0x35: {  	[spmem:s13] =	stream.linear.scatter [tilespmem:s20], [sflag:$0x4], $0x2800, $0x38;
	[tilespmem:$0x1DB00] =	vst v63  }
0x36: {  	_ =	swait.ge [sflag:s21], $0x2800  }
0x37: {  	[sflag:s21] =	ssyncset.done $0x0  }
0x38: {  	[sflag:s21] =	ssyncadd.s32 $0xFFFFD800  }
0x39: {  	[spmem:s14] =	stream.linear.scatter [tilespmem:s20], [sflag:$0x4], $0x2800, $0x38;
	[tilespmem:$0x1DB00] =	vst v63  }
0x3a: {  	_ =	swait.ge [sflag:s21], $0x2800  }
0x3b: {  	[sflag:s21] =	ssyncset.done $0x0  }
0x3c: {  	[sflag:s21] =	ssyncadd.s32 $0xFFFFD800  }
0x3d: {  	[spmem:s15] =	stream.linear.scatter [tilespmem:s20], [sflag:$0x4], $0x2800, $0x38;
	[tilespmem:$0x1DB00] =	vst v63  }
0x3e: {  	_ =	swait.ge [sflag:s21], $0x2800  }
0x3f: {  	[sflag:s21] =	ssyncset.done $0x0  }
0x40: {  	[sflag:s21] =	ssyncadd.s32 $0xFFFFD800  }
0x41: {  	[spmem:s16] =	stream.linear.scatter [tilespmem:s20], [sflag:$0x4], $0x2800, $0x38;
	[tilespmem:$0x1DB00] =	vst v63  }
0x42: {  	_ =	swait.ge [sflag:s21], $0x2800  }
0x43: {  	[sflag:s21] =	ssyncset.done $0x0  }
0x44: {  	[sflag:s21] =	ssyncadd.s32 $0xFFFFD800  }
0x45: {  	[spmem:s8] =	stream.linear.scatter [tilespmem:s20], [sflag:$0x4], $0x2400, $0x38;
	[tilespmem:$0x1DB00] =	vst v63  }
0x46: {  	_ =	swait.ge [sflag:s21], $0x2400  }
0x47: {  	[sflag:s21] =	ssyncset.done $0x0  }
0x48: {  	[sflag:s21] =	ssyncadd.s32 $0xFFFFDC00  }
0x49: {  	_ =	swait.ge [sflag:s22], $0x2780  }
0x4a: {  	[sflag:s22] =	ssyncset.done $0x0  }
0x4b: {  	[sflag:s22] =	ssyncadd.s32 $0xFFFFD880  }
0x4c: {  	_ =	swait.ge [sflag:s22], $0x2780  }
0x4d: {  	[sflag:s22] =	ssyncset.done $0x0  }
0x4e: {  	s2 =	simm.s32 $0x0;
	[sflag:s22] =	ssyncadd.s32 $0xFFFFD880  }
0x4f: {  	[tilespmem:s20], [sflag:$0x1] =	stream.indirect.gather [hbm4b:s4+s23], $0x80, s2, s23, $0xb8;
	[tilespmem:$0x1DB00] =	vst v63  }
0x50: {  	_ = 	snop  }
0x51: {  	[tilespmem:s24], [sflag:$0x2] =	stream.indirect.gather [hbm4b:s4+s23], $0x80, s23, s23, $0xb8;
	[tilespmem:$0x1DB00] =	vst v63  }
0x52: {  	[bflag:$0x0] =	sbarrier.arrive $0xFFFF  }
0x53: {  	_ =	swait.ge [sflag:s25], $0x2800  }
0x54: {  	[sflag:s25] =	ssyncset.done $0x0  }
0x55: {  	s19 =	simm.s32 $0x2780;
	[sflag:s25] =	ssyncadd.s32 $0xFFFFD800  }
0x56: {  	[spmem:s1] =	stream.indirect.scatter.add.f32 [tilespmem:s20], [sflag:$0x4], $0x80, s19, s23, $0xb8;
	[tilespmem:$0x1DB00] =	vst v63  }
0x57: {  	_ =	swait.ge [sflag:s21], $0x2800  }
0x58: {  	[sflag:s21] =	ssyncset.done $0x0  }
0x59: {  	s3 =	simm.s32 $0xA0;
	[sflag:s21] =	ssyncadd.s32 $0xFFFFD800  }
0x5a: {  	[tilespmem:s20], [sflag:$0x1] =	stream.indirect.gather [hbm4b:s4+s23], $0x80, s3, s23, $0xb8;
	[tilespmem:$0x1DB00] =	vst v63  }
0x5b: {  	_ =	swait.ge [sflag:s26], $0x2800  }
0x5c: {  	[sflag:s26] =	ssyncset.done $0x0  }
0x5d: {  	s19 =	simm.s32 $0x27D0;
	[sflag:s26] =	ssyncadd.s32 $0xFFFFD800  }
0x5e: {  	[spmem:s1] =	stream.indirect.scatter.add.f32 [tilespmem:s24], [sflag:$0x4], $0x80, s19, s23, $0xb8;
	[tilespmem:$0x1DB00] =	vst v63  }
0x5f: {  	_ =	swait.ge [sflag:s21], $0x2800  }
0x60: {  	[sflag:s21] =	ssyncset.done $0x0  }
0x61: {  	s2 =	simm.s32 $0xF0;
	s3 =	simm.s32 $0x280;
	[sflag:s21] =	ssyncadd.s32 $0xFFFFD800  }
.LBB2_4:
0x62: {  	[tilespmem:s24], [sflag:$0x2] =	stream.indirect.gather [hbm4b:s4+s23], $0x80, s2, s23, $0xb8;
	[tilespmem:$0x1DB00] =	vst v63  }
0x63: {  	s2 =	smov.u32 s3  }
0x64: {  	p0 =	sne.s32 s3, $0x9600;
	s3 =	sadd.s32 $0x280, s3;
	_ =	swait.ge [sflag:s25], $0x2800  }
0x65: {  	s2 =	sshra.s32 s2, $0x2;
	[sflag:s25] =	ssyncset.done $0x0  }
0x66: {  	s19 =	sadd.s32 $0x2780, s2;
	[sflag:s25] =	ssyncadd.s32 $0xFFFFD800  }
0x67: {  	[spmem:s1] =	stream.indirect.scatter.add.f32 [tilespmem:s20], [sflag:$0x4], $0x80, s19, s23, $0xb8;
	[tilespmem:$0x1DB00] =	vst v63  }
0x68: {  	_ =	swait.ge [sflag:s21], $0x2800  }
0x69: {  	[sflag:s21] =	ssyncset.done $0x0  }
0x6a: {  	s19 =	sadd.s32 $0xA0, s2;
	[sflag:s21] =	ssyncadd.s32 $0xFFFFD800  }
0x6b: {  	[tilespmem:s20], [sflag:$0x1] =	stream.indirect.gather [hbm4b:s4+s23], $0x80, s19, s23, $0xb8;
	[tilespmem:$0x1DB00] =	vst v63  }
0x6c: {  	_ =	swait.ge [sflag:s26], $0x2800  }
0x6d: {  	[sflag:s26] =	ssyncset.done $0x0  }
.Ltmp1:
0x6e: {  	s19 =	sadd.s32 $0x27D0, s2;
	[sflag:s26] =	ssyncadd.s32 $0xFFFFD800;
	(pc) =	sbr.rel @p0 .LBB2_4-.Ltmp1, $4  }
0x6f: {  	[spmem:s1] =	stream.indirect.scatter.add.f32 [tilespmem:s24], [sflag:$0x4], $0x80, s19, s23, $0xb8;
	[tilespmem:$0x1DB00] =	vst v63  }
0x70: {  	_ =	swait.ge [sflag:s21], $0x2800  }
0x71: {  	[sflag:s21] =	ssyncset.done $0x0  }
0x72: {  	s2 =	sadd.s32 $0xF0, s2;
	[sflag:s21] =	ssyncadd.s32 $0xFFFFD800  }
0x73: {  	[tilespmem:s24], [sflag:$0x2] =	stream.indirect.gather [hbm4b:s4+s23], $0x80, s2, s23, $0xb8;
	[tilespmem:$0x1DB00] =	vst v63  }
0x74: {  	_ =	swait.ge [sflag:s25], $0x2800  }
0x75: {  	[sflag:s25] =	ssyncset.done $0x0  }
0x76: {  	[sflag:s25] =	ssyncadd.s32 $0xFFFFD800  }
0x77: {  	[spmem:s1] =	stream.indirect.scatter.add.f32 [tilespmem:s20], [sflag:$0x4], $0x80, s28, s23, $0xb8;
	[tilespmem:$0x1DB00] =	vst v63  }
0x78: {  	_ =	swait.ge [sflag:s21], $0x2800  }
0x79: {  	[sflag:s21] =	ssyncset.done $0x0  }
0x7a: {  	[sflag:s21] =	ssyncadd.s32 $0xFFFFD800  }
0x7b: {  	[tilespmem:s20], [sflag:$0x1] =	stream.indirect.gather [hbm4b:s4+s23], $0x80, s29, s23, $0xb8;
	[tilespmem:$0x1DB00] =	vst v63  }
0x7c: {  	_ =	swait.ge [sflag:s26], $0x2800  }
0x7d: {  	[sflag:s26] =	ssyncset.done $0x0  }
0x7e: {  	[sflag:s26] =	ssyncadd.s32 $0xFFFFD800  }
0x7f: {  	[spmem:s1] =	stream.indirect.scatter.add.f32 [tilespmem:s24], [sflag:$0x4], $0x80, s30, s23, $0xb8;
	[tilespmem:$0x1DB00] =	vst v63  }
0x80: {  	_ =	swait.ge [sflag:s21], $0x2800  }
0x81: {  	[sflag:s21] =	ssyncset.done $0x0  }
0x82: {  	[sflag:s21] =	ssyncadd.s32 $0xFFFFD800  }
0x83: {  	_ =	swait.ge [sflag:s25], $0x2800  }
0x84: {  	[sflag:s25] =	ssyncset.done $0x0  }
0x85: {  	[sflag:s25] =	ssyncadd.s32 $0xFFFFD800  }
0x86: {  	[spmem:s1] =	stream.indirect.scatter.add.f32 [tilespmem:s20], [sflag:$0x4], $0x80, s31, s23, $0xb8;
	[tilespmem:$0x1DB00] =	vst v63  }
0x87: {  	s19 =	stileid.u32;
	_ =	swait.ge [sflag:s21], $0x2800  }
0x88: {  	s3 =	sshrl.u32 s7, $0x3;
	s0 =	sadd.s32 $0x1, s0;
	[sflag:s21] =	ssyncset.done $0x0  }
0x89: {  	s2 =	sshll.u32 s19, $0x6;
	p0 =	sne.s32 s0, s10;
	[sflag:s21] =	ssyncadd.s32 $0xFFFFD800  }
.Ltmp2:
0x8a: {  	s2 =	sor.u32 $0x1C04, s2;
	[bflag:$0x0] =	sbarrier.arrive $0xFFFF;
	(pc) =	sbr.rel @p0 .LBB2_1-.Ltmp2, $4  }
0x8b: {  	[hbm:s9], [sflag:s2] =	dma.local [spmem:s3], $0x2780  }
0x8c: {  	_ =	swait.ge [sflag:s21], $0x2780  }
0x8d: {  	[sflag:s21] =	ssyncset.done $0x0  }
0x8e: {  	[sflag:s21] =	ssyncadd.s32 $0xFFFFD880  }
0x8f: {  	_ =	sfence.sel $0x180000  }
0x90: {  	[bflag:$0x0] =	sbarrier.arrive $0xFFFF  }
0x91: {  	_ =	strace $0x9000004D  }
0x92: {  	s0 =	stileid.u32;
	[bflag:$0x2] =	sbarrier.arrive $0xFFFF  }
0x93: {  	p0 =	sne.s32 s0, $0x0;
	s0 =	rddreg [dreg:$0x3]  }
0x94: {  	s0 =	sadd.s32 @!p0 $0x100000, s0  }
0x95: {  	[sflag:s0] =	ssyncadd.tile.s32 @!p0 $0x1;
	_ =	shalt  }
.Lfunc_end2:
_tile_overlayer_lowered:
.L_overlay_start_2:
0x96: {  	(tag) =	ssettag $0x2  }
0x97: {  	s0 =	rddreg [dreg:$0x0];
	s2 =	stileid.u32  }
0x98: {  	s1 =	rddreg [dreg:$0x1];
	p0 =	sne.s32 s2, $0x0  }
0x99: {  	s3 =	rddreg [dreg:$0x2];
	[bflag:$0x3] =	sbarrier.arrive $0xFFFF;
	s2 =	simm.s32 @!p0 $0x1C04  }
0x9a: {  	[timem:s3], [sflag:s2] =	dma.local @!p0 [hbm:s0], s1  }
0x9b: {  	s0 =	simm.s32 @!p0 $0x4  }
0x9c: {  	_ =	swait.ge @!p0 [sflag:s0], s1  }
0x9d: {  	s1 =	ssub.s32 @!p0 $0x0, s1;
	[sflag:s0] =	ssyncset.done @!p0 $0x0  }
0x9e: {  	[sflag:s0] =	ssyncadd.s32 @!p0 s1  }
0x9f: {  	[bflag:$0x3] =	sbarrier.arrive $0xFFFF  }
0xa0: {  	_ =	shalt  }

// kernel: kernel.21.cloned.1.call-start
scs
__scs_entry_jumppad:
0x0: {  	(pc) =	sbr.rel $0x88, $3  }
0x1: {  	(tag) =	ssettag $0x0;
	lr =	simm.s32 $0x1  }
0x2: {  	[smem:$0x3F8C] =	sst lr;
	_ =	strace $0xD0000000  }
0x3: {  	_ = 	snop  }
0x4: {  	_ = 	snop  }
0x5: {  	_ = 	snop  }
0x6: {  	_ = 	snop  }
0x7: {  	_ = 	snop  }
__scs_overlays_trampoline_lowered:
0x8: {  	[smem:$0x3F9B] =	sst s0  }
0x9: {  	[smem:$0x3F9C] =	sst s1  }
0xa: {  	[smem:$0x3F9D] =	sst s2  }
0xb: {  	[smem:$0x3F9E] =	sst s3  }
0xc: {  	[smem:$0x3F9F] =	sst s4  }
0xd: {  	[smem:$0x3FA0] =	sst s5  }
0xe: {  	[smem:$0x3FA1] =	sst s6  }
0xf: {  	[smem:$0x3FA2] =	sst s7  }
0x10: {  	[smem:$0x3FA3] =	sst s8  }
0x11: {  	[smem:$0x3FA4] =	sst s9;
	s0 =	simm.s32 @!p0 $0x0  }
0x12: {  	s1 =	sld [smem:$0x3F8A];
	s0 =	simm.s32 @p0 $0x1  }
0x13: {  	[smem:$0x3FA5] =	sst s0;
	s0 =	simm.s32 @!p1 $0x0  }
0x14: {  	s2 =	sld [smem:$0x3F89];
	s0 =	simm.s32 @p1 $0x1  }
0x15: {  	[smem:$0x3FA6] =	sst s0;
	s0 =	simm.s32 @!p2 $0x0  }
0x16: {  	s3 =	sld [smem:$0x3FDB];
	s0 =	simm.s32 @p2 $0x1  }
0x17: {  	s4 =	simm.s32 $0x1BF5;
	[smem:$0x3FA8] =	sst s0  }
0x18: {  	s0 =	sld [smem:$0x3F8B];
	_ =	swait.ge [sflag:s4], $0x0  }
0x19: {  	s7 =	sld [smem:$0x3F8C]  }
0x1a: {  	s8 =	sadd.s32 $0xFFFFE003, lr  }
0x1b: {  	s9 =	sadd.s32 $0xFFFFFEF7, lr;
	s5 =	simm.s32 $0xFFFFFFFF;
	p2 =	slt.u32 s8, $0xFFFFF086  }
0x1c: {  	p1 =	slt.u32 s9, $0xF7A;
	s5 =	simm.s32 @!p2 $0x0  }
0x1d: {  	s5 =	simm.s32 @p1 $0x1;
	p0 =	seq.s32 s7, s2  }
0x1e: {  	s7 =	smul.u32 @!p0 $0xF7A, s2;
	p2 =	seq.s32 @!p0 s5, $0x0  }
0x1f: {  	s9 =	smul.u32 $0xF7A, s1;
	s8 =	simm.s32 @!p0 $0x1BF5;
	p2 =	por !p2, p0  }
0x20: {  	[sflag:s8] =	ssyncset.s32 @!p0 $0xFFFFF086;
	s6 =	sadd.s32 @!p0 s3, s7;
	s7 =	simm.s32 @!p0 $0x108  }
0x21: {  	s3 =	sadd.s32 s3, s9;
	s6 =	sadd.s32 @!p0 $0x88, s6;
	s7 =	simm.s32 @p2 $0x1082  }
0x22: {  	[simem:s7], [sflag:s8] =	dma.local @!p0 [hbm:s6], $0xF7A  }
0x23: {  	s9 =	sor.u32 $0xD0000000, s2;
	s6 =	simm.s32 $0x108;
	_ =	swait.ge @!p0 [sflag:s8], $0x0  }
0x24: {  	s3 =	sadd.s32 $0x88, s3;
	s6 =	simm.s32 @!p1 $0x1082;
	[sflag:s4] =	ssyncset.s32 $0xFFFFF086  }
0x25: {  	[simem:s6], [sflag:s4] =	dma.local [hbm:s3], $0xF7A  }
0x26: {  	[smem:$0x3F8C] =	sst s1;
	(tag) =	ssettag s2;
	_ =	strace s9  }
0x27: {  	s1 =	sld [smem:$0x3F9C]  }
0x28: {  	s2 =	sld [smem:$0x3F9D]  }
0x29: {  	s4 =	sld [smem:$0x3F9F]  }
0x2a: {  	p0 =	seq.s32 s5, $0x0;
	s5 =	sld [smem:$0x3FA0]  }
0x2b: {  	s6 =	sld [smem:$0x3FA1]  }
0x2c: {  	s7 =	sld [smem:$0x3FA2]  }
0x2d: {  	s3 =	simm.s32 $0x108;
	s8 =	sld [smem:$0x3FA3]  }
0x2e: {  	s3 =	simm.s32 @!p0 $0x1082;
	s9 =	sld [smem:$0x3FA4]  }
0x2f: {  	lr =	sadd.s32 s0, s3;
	s0 =	sld [smem:$0x3F9B]  }
0x30: {  	s3 =	sld [smem:$0x3F9E]  }
0x31: {  	[smem:$0x3FA7] =	sst s10  }
0x32: {  	s10 =	sld [smem:$0x3FA5];
	_ =	sdelay $0x3  }
0x33: {  	p0 =	seq.s32 s10, $0x1;
	s10 =	sld [smem:$0x3FA7];
	_ =	sdelay $0x3  }
0x34: {  	[smem:$0x3FA7] =	sst s10  }
0x35: {  	s10 =	sld [smem:$0x3FA6];
	_ =	sdelay $0x3  }
0x36: {  	p1 =	seq.s32 s10, $0x1;
	s10 =	sld [smem:$0x3FA7];
	_ =	sdelay $0x3  }
0x37: {  	[smem:$0x3FA7] =	sst s10  }
0x38: {  	s10 =	sld [smem:$0x3FA8]  }
0x39: {  	_ = 	snop;
	(pc) =	sbr.ind lr, $3  }
0x3a: {  	_ = 	snop  }
0x3b: {  	_ = 	snop  }
0x3c: {  	p2 =	seq.s32 s10, $0x1;
	s10 =	sld [smem:$0x3FA7]  }
0x3d: {  	_ =	shalt  }
0x3e: {  	_ =	shalt  }
0x3f: {  	_ =	shalt  }
0x40: {  	_ =	shalt  }
0x41: {  	_ =	shalt  }
0x42: {  	_ =	shalt  }
0x43: {  	_ =	shalt  }
0x44: {  	_ =	shalt  }
0x45: {  	_ =	shalt  }
0x46: {  	_ =	shalt  }
0x47: {  	_ =	shalt  }
0x48: {  	_ =	shalt  }
0x49: {  	_ =	shalt  }
0x4a: {  	_ =	shalt  }
0x4b: {  	_ =	shalt  }
0x4c: {  	_ =	shalt  }
0x4d: {  	_ =	shalt  }
0x4e: {  	_ =	shalt  }
0x4f: {  	_ =	shalt  }
0x50: {  	_ =	shalt  }
0x51: {  	_ =	shalt  }
0x52: {  	_ =	shalt  }
0x53: {  	_ =	shalt  }
0x54: {  	_ =	shalt  }
0x55: {  	_ =	shalt  }
0x56: {  	_ =	shalt  }
0x57: {  	_ =	shalt  }
0x58: {  	_ =	shalt  }
0x59: {  	_ =	shalt  }
0x5a: {  	_ =	shalt  }
0x5b: {  	_ =	shalt  }
0x5c: {  	_ =	shalt  }
0x5d: {  	_ =	shalt  }
0x5e: {  	_ =	shalt  }
0x5f: {  	_ =	shalt  }
0x60: {  	_ =	shalt  }
0x61: {  	_ =	shalt  }
0x62: {  	_ =	shalt  }
0x63: {  	_ =	shalt  }
0x64: {  	_ =	shalt  }
0x65: {  	_ =	shalt  }
0x66: {  	_ =	shalt  }
0x67: {  	_ =	shalt  }
0x68: {  	_ =	shalt  }
0x69: {  	_ =	shalt  }
0x6a: {  	_ =	shalt  }
0x6b: {  	_ =	shalt  }
0x6c: {  	_ =	shalt  }
0x6d: {  	_ =	shalt  }
0x6e: {  	_ =	shalt  }
0x6f: {  	_ =	shalt  }
0x70: {  	_ =	shalt  }
0x71: {  	_ =	shalt  }
0x72: {  	_ =	shalt  }
0x73: {  	_ =	shalt  }
0x74: {  	_ =	shalt  }
0x75: {  	_ =	shalt  }
0x76: {  	_ =	shalt  }
0x77: {  	_ =	shalt  }
0x78: {  	_ =	shalt  }
0x79: {  	_ =	shalt  }
0x7a: {  	_ =	shalt  }
0x7b: {  	_ =	shalt  }
0x7c: {  	_ =	shalt  }
0x7d: {  	_ =	shalt  }
0x7e: {  	_ =	shalt  }
0x7f: {  	_ =	shalt  }
0x80: {  	_ =	shalt  }
0x81: {  	_ =	shalt  }
0x82: {  	_ =	shalt  }
0x83: {  	_ =	shalt  }
0x84: {  	_ =	shalt  }
0x85: {  	_ =	shalt  }
0x86: {  	_ =	shalt  }
0x87: {  	_ =	shalt  }
.Lfunc_end0:
.L_simem_size_0:
called_computation.3_lowered:
.L_overlay_start_0:
0x88: {  	s2 =	sld [smem:$0x3FD9]  }
0x89: {  	s3 =	sld [smem:$0x3FFE];
	_ =	sdelay $0x1  }
0x8a: {  	s1 =	srdreg.scid  }
0x8b: {  	s0 =	sand.u32 $0x1, s1  }
0x8c: {  	s16 =	sshll.u32 s0, $0xA;
	s2 =	sadd.s32 s3, s2  }
0x8d: {  	s2 =	sadd.s32 s2, s16  }
0x8e: {  	[smem:$0x3FB3] =	sst s2  }
0x8f: {  	_ = 	snop  }
0x90: {  	(tm) =	ssettm $0x1  }
0x91: {  	s17 =	sld [smem:$0x3FFB];
	_ =	sdelay $0x3  }
0x92: {  	_ =	strace s17  }
0x93: {  	s2 =	sld [smem:$0x3FFC];
	_ =	sdelay $0x3  }
0x94: {  	_ =	strace s2  }
0x95: {  	s2 =	sld [smem:$0x3FFD];
	_ =	sdelay $0x3  }
0x96: {  	_ =	strace s2  }
0x97: {  	_ =	strace $0x8FFFFFFF  }
0x98: {  	s18 =	sld [smem:$0x3FDB];
	_ =	sdelay $0x1  }
0x99: {  	s19 =	simm.s32 $_scs_section_size  }
0x9a: {  	s4 =	simm.s32 $_size__tile_overlayer_lowered;
	s5 =	simm.s32 $_tile_overlayer_lowered  }
0x9b: {  	s22 =	simm.s32 $0x1BFF;
	s21 =	sshll.u32 s5, $0x1;
	s2 =	sadd.s32 s19, s18  }
0x9c: {  	s6 =	simm.s32 $0x0;
	s20 =	sshll.u32 s4, $0x1;
	s4 =	sadd.s32 s21, s2  }
0x9d: {  	[timem:s6], [sflag:s22] =	dma.local [hbm:s4], s20  }
0x9e: {  	_ =	swait.ge [sflag:s22], s20  }
0x9f: {  	s3 =	ssub.s32 $0x0, s20;
	[sflag:s22] =	ssyncset.done $0x0  }
0xa0: {  	[sflag:s22] =	ssyncadd.s32 s3;
	_ =	sdelay $0x1  }
0xa1: {  	s23 =	simm.s32 $0x1B8B  }
0xa2: {  	_ =	swait.ge [sflag:s23], $0x1  }
0xa3: {  	[sflag:s23] =	ssyncset.done $0x0  }
0xa4: {  	s25 =	simm.s32 $0x1B8E;
	s24 =	sld [smem:$0x3FFE];
	[sflag:s23] =	ssyncadd.s32 $0xFFFFFFFF  }
0xa5: {  	s26 =	simm.s32 $execute0_lowered;
	[smem:$0x3FD2] =	sst s25  }
0xa6: {  	s4 =	sshll.u32 s26, $0x1;
	_ =	strace $0x8000004F;
	[dreg:$0x1] =	wrdreg $0xFFFFFFFF  }
0xa7: {  	s28 =	simm.s32 $_size_execute0_lowered;
	s2 =	sadd.s32 s2, s4;
	[dreg:$0x0] =	wrdreg $0x0  }
0xa8: {  	s4 =	sshll.u32 s28, $0x1;
	[dreg:$0x2] =	wrdreg s2  }
0xa9: {  	[dreg:$0x3] =	wrdreg s4  }
0xaa: {  	[dreg:$0x4] =	wrdreg $0xC0  }
0xab: {  	_ =	task [dreg:s6], $0x5FFFF  }
0xac: {  	[dreg:$0x1] =	wrdreg $0xFFFFFFFF  }
0xad: {  	[dreg:$0x0] =	wrdreg $0x60  }
0xae: {  	[dreg:$0x2] =	wrdreg s24  }
0xaf: {  	[dreg:$0x3] =	wrdreg $0x9F000  }
0xb0: {  	[dreg:$0x4] =	wrdreg $0x9  }
0xb1: {  	_ =	task.clear_ibuf [dreg:s6], $0x5FFFF;
	_ =	strace $0x9000004F  }
0xb2: {  	s29 =	simm.s32 $0x9;
	_ =	strace $0x80000051  }
0xb3: {  	_ =	swait.ge [sflag:s29], $0x1  }
0xb4: {  	[sflag:s29] =	ssyncadd.s32 $0xFFFFFFFF  }
0xb5: {  	_ =	strace $0x90000051  }
0xb6: {  	_ =	sfence  }
0xb7: {  	s30 =	sld [smem:$0x0];
	_ =	sdelay $0x2  }
0xb8: {  	s31 =	sshll.u32 s1, $0xD;
	s1 =	sshrl.u32 s1, $0x2  }
0xb9: {  	s3 =	sand.u32 $0x4000, s31;
	s1 =	sadd.s32 s1, s30  }
0xba: {  	s0 =	sor.u32 s3, s0;
	s1 =	sshll.u32 s1, $0x11  }
0xbb: {  	s0 =	sor.u32 s1, s0  }
0xbc: {  	s0 =	sadd.s32 $0x8F2B, s0  }
0xbd: {  	[sflag:s0] =	ssyncadd.remote.s32 $0x1  }
0xbe: {  	_ =	sfence.sel $0xFFFF  }
0xbf: {  	[dreg:$0x0] =	wrdreg $0xFFFFFFFF;
	(pc) =	sbr.abs _section_cstart, $3  }
0xc0: {  	[dreg:$0x1] =	wrdreg $0xFFFFFFFF  }
0xc1: {  	_ =	task.clear_ibuf [dreg:s6], $0x2FFFF;
	_ =	strace $0x9FFFFFFF  }
0xc2: {  	(tm) =	ssettm $0x7FFFFFFF  }
0xc3: {  	_ =	shalt  }
tec
execute0_lowered:
.L_overlay_start_1:
0x0: {  	(tag) =	ssettag $0x1  }
0x1: {  	s0 =	rddreg [dreg:$0x0]  }
0x2: {  	s2 =	rddreg [dreg:$0x1];
	s1 =	srdreg.scid  }
0x3: {  	s7 =	stileid.u32;
	s6 =	simm.s32 $0x0;
	s17 =	simm.s32 $0x80  }
0x4: {  	s18 =	simm.s32 $0x400;
	s20 =	simm.s32 $0x4F00;
	s21 =	simm.s32 $0x4  }
0x5: {  	s28 =	simm.s32 $0x4DA0;
	s29 =	simm.s32 $0x26C0;
	s30 =	simm.s32 $0x4DF0  }
0x6: {  	s31 =	simm.s32 $0x4E40;
	s1 =	sand.u32 $0x1, s1;
	s23 =	smul.u32 $0x13C00, s7  }
0x7: {  	s3 =	sshrl.u32 s7, $0x2;
	s4 =	sshll.u32 s7, $0x8;
	s24 =	smul.u32 $0x4F000, s7  }
0x8: {  	[smem:$0x7FF] =	sst s6;
	s3 =	smul.u32 $0x13C00, s3;
	s5 =	sshll.u32 s1, $0x7  }
0x9: {  	s4 =	sand.u32 $0x300, s4;
	s22 =	smul.u32 $0x13C000, s1;
	s1 =	ssub.s32 $0x2, s1  }
0xa: {  	_ =	strace $0x80000050;
	s4 =	sor.u32 s5, s4;
	s25 =	sshrl.u32 s1, $0x1  }
0xb: {  	s26 =	sshrl.u32 s24, $0x2;
	s24 =	simm.s32 $0x7700;
	s3 =	sor.u32 s3, s4  }
0xc: {  	s4 =	sadd.s32 $0x18C00, s0;
	s5 =	sadd.s32 s23, s22;
	s1 =	ssub.s32 s1, s25  }
0xd: {  	s7 =	sadd.s32 s26, s2;
	s22 =	simm.s32 $0x3;
	s23 =	simm.s32 $0x50  }
0xe: {  	s25 =	simm.s32 $0x1;
	s26 =	simm.s32 $0x2;
	s3 =	sshrl.u32 s3, $0x3  }
0xf: {  	s5 =	sshrl.u32 s5, $0x3;
	s8 =	sadd.s32 $0x11800, s7;
	s10 =	smax.u32 s1, $0x1  }
0x10: {  	s11 =	sadd.s32 $0x2800, s7;
	s12 =	sadd.s32 $0x5000, s7;
	s13 =	sadd.s32 $0x7800, s7  }
0x11: {  	s14 =	sadd.s32 $0xA000, s7;
	s15 =	sadd.s32 $0xC800, s7;
	s3 =	sadd.s32 s3, s0  }
0x12: {  	s16 =	sadd.s32 $0xF000, s7;
	s0 =	sadd.s32 s5, s0;
	s5 =	sadd.s32 $0x5000, s3  }
0x13: {  	v0 =	vimm.f32 $0.0e+00;
	s6 =	sadd.s32 $0xEE00, s3;
	s9 =	sadd.s32 $0x8EE00, s0;
	s0 =	simm.s32 $0x0  }
.LBB2_1:
0x14: {  	s1 =	simm.s32 $0x0  }
0x15: {  	[tilespmem:s1], [sflag:$0x3] =	stream.strided.gather [hbm4b:s5+s17], $0x2780, s18, s17, $0x38;
	[tilespmem:$0x1DB00] =	vst v63  }
0x16: {  	s19 =	simm.s32 $0x2780;
	s3 =	simm.s32 $0x70;
	s1 =	simm.s32 $0x3C0  }
0x17: {  	[tilespmem:s19], [sflag:$0x3] =	stream.strided.gather [hbm4b:s6+s17], $0x2780, s18, s17, $0x38;
	[tilespmem:$0x1DB00] =	vst v63  }
.LBB2_2:
0x18: {  	p0 =	sne.s32 s1, $0x9FC0;
	[tilespmem:s3+$0x4F00] =	vst v0  }
0x19: {  	[tilespmem:s3+$0x4E90] =	vst v0  }
0x1a: {  	[tilespmem:s3+$0x4EA0] =	vst v0  }
.Ltmp0:
0x1b: {  	[tilespmem:s3+$0x4EB0] =	vst v0;
	(pc) =	sbr.rel @p0 .LBB2_2-.Ltmp0, $4  }
0x1c: {  	[tilespmem:s3+$0x4EC0] =	vst v0  }
0x1d: {  	[tilespmem:s3+$0x4ED0] =	vst v0  }
0x1e: {  	[tilespmem:s3+$0x4EE0] =	vst v0  }
0x1f: {  	[tilespmem:s3+$0x4EF0] =	vst v0;
	s3 =	sshra.s32 s1, $0x2;
	s1 =	sadd.s32 $0x200, s1  }
0x20: {  	[tilespmem:s3+$0x4F00] =	vst v0  }
0x21: {  	[tilespmem:s3+$0x4E90] =	vst v0  }
0x22: {  	[tilespmem:s3+$0x4EA0] =	vst v0  }
0x23: {  	[tilespmem:s3+$0x4EB0] =	vst v0  }
0x24: {  	[tilespmem:s3+$0x4EC0] =	vst v0  }
0x25: {  	[tilespmem:s3+$0x4ED0] =	vst v0  }
0x26: {  	[tilespmem:s3+$0x4EE0] =	vst v0  }
0x27: {  	[tilespmem:s3+$0x4EF0] =	vst v0  }
0x28: {  	[spmem:s7] =	stream.linear.scatter [tilespmem:s20], [sflag:$0x4], $0x2800, $0x38;
	[tilespmem:$0x1DB00] =	vst v63  }
0x29: {  	_ =	swait.ge [sflag:s21], $0x2800  }
0x2a: {  	[sflag:s21] =	ssyncset.done $0x0  }
0x2b: {  	[sflag:s21] =	ssyncadd.s32 $0xFFFFD800  }
0x2c: {  	[spmem:s11] =	stream.linear.scatter [tilespmem:s20], [sflag:$0x4], $0x2800, $0x38;
	[tilespmem:$0x1DB00] =	vst v63  }
0x2d: {  	_ =	swait.ge [sflag:s21], $0x2800  }
0x2e: {  	[sflag:s21] =	ssyncset.done $0x0  }
0x2f: {  	[sflag:s21] =	ssyncadd.s32 $0xFFFFD800  }
0x30: {  	[spmem:s12] =	stream.linear.scatter [tilespmem:s20], [sflag:$0x4], $0x2800, $0x38;
	[tilespmem:$0x1DB00] =	vst v63  }
0x31: {  	_ =	swait.ge [sflag:s21], $0x2800  }
0x32: {  	[sflag:s21] =	ssyncset.done $0x0  }
0x33: {  	[sflag:s21] =	ssyncadd.s32 $0xFFFFD800  }
0x34: {  	[spmem:s13] =	stream.linear.scatter [tilespmem:s20], [sflag:$0x4], $0x2800, $0x38;
	[tilespmem:$0x1DB00] =	vst v63  }
0x35: {  	_ =	swait.ge [sflag:s21], $0x2800  }
0x36: {  	[sflag:s21] =	ssyncset.done $0x0  }
0x37: {  	[sflag:s21] =	ssyncadd.s32 $0xFFFFD800  }
0x38: {  	[spmem:s14] =	stream.linear.scatter [tilespmem:s20], [sflag:$0x4], $0x2800, $0x38;
	[tilespmem:$0x1DB00] =	vst v63  }
0x39: {  	_ =	swait.ge [sflag:s21], $0x2800  }
0x3a: {  	[sflag:s21] =	ssyncset.done $0x0  }
0x3b: {  	[sflag:s21] =	ssyncadd.s32 $0xFFFFD800  }
0x3c: {  	[spmem:s15] =	stream.linear.scatter [tilespmem:s20], [sflag:$0x4], $0x2800, $0x38;
	[tilespmem:$0x1DB00] =	vst v63  }
0x3d: {  	_ =	swait.ge [sflag:s21], $0x2800  }
0x3e: {  	[sflag:s21] =	ssyncset.done $0x0  }
0x3f: {  	[sflag:s21] =	ssyncadd.s32 $0xFFFFD800  }
0x40: {  	[spmem:s16] =	stream.linear.scatter [tilespmem:s20], [sflag:$0x4], $0x2800, $0x38;
	[tilespmem:$0x1DB00] =	vst v63  }
0x41: {  	_ =	swait.ge [sflag:s21], $0x2800  }
0x42: {  	[sflag:s21] =	ssyncset.done $0x0  }
0x43: {  	[sflag:s21] =	ssyncadd.s32 $0xFFFFD800  }
0x44: {  	[spmem:s8] =	stream.linear.scatter [tilespmem:s20], [sflag:$0x4], $0x2400, $0x38;
	[tilespmem:$0x1DB00] =	vst v63  }
0x45: {  	_ =	swait.ge [sflag:s21], $0x2400  }
0x46: {  	[sflag:s21] =	ssyncset.done $0x0  }
0x47: {  	[sflag:s21] =	ssyncadd.s32 $0xFFFFDC00  }
0x48: {  	_ =	swait.ge [sflag:s22], $0x2780  }
0x49: {  	[sflag:s22] =	ssyncset.done $0x0  }
0x4a: {  	[sflag:s22] =	ssyncadd.s32 $0xFFFFD880  }
0x4b: {  	_ =	swait.ge [sflag:s22], $0x2780  }
0x4c: {  	[sflag:s22] =	ssyncset.done $0x0  }
0x4d: {  	s1 =	simm.s32 $0x0;
	[sflag:s22] =	ssyncadd.s32 $0xFFFFD880  }
0x4e: {  	[tilespmem:s20], [sflag:$0x1] =	stream.indirect.gather [hbm4b:s4+s23], $0x80, s1, s23, $0xb8;
	[tilespmem:$0x1DB00] =	vst v63  }
0x4f: {  	_ = 	snop  }
0x50: {  	[tilespmem:s24], [sflag:$0x2] =	stream.indirect.gather [hbm4b:s4+s23], $0x80, s23, s23, $0xb8;
	[tilespmem:$0x1DB00] =	vst v63  }
0x51: {  	[bflag:$0x0] =	sbarrier.arrive $0xFFFF  }
0x52: {  	_ =	swait.ge [sflag:s25], $0x2800  }
0x53: {  	[sflag:s25] =	ssyncset.done $0x0  }
0x54: {  	s19 =	simm.s32 $0x2780;
	[sflag:s25] =	ssyncadd.s32 $0xFFFFD800  }
0x55: {  	[spmem:s2] =	stream.indirect.scatter.add.f32 [tilespmem:s20], [sflag:$0x4], $0x80, s19, s23, $0xb8;
	[tilespmem:$0x1DB00] =	vst v63  }
0x56: {  	_ =	swait.ge [sflag:s21], $0x2800  }
0x57: {  	[sflag:s21] =	ssyncset.done $0x0  }
0x58: {  	s3 =	simm.s32 $0xA0;
	[sflag:s21] =	ssyncadd.s32 $0xFFFFD800  }
0x59: {  	[tilespmem:s20], [sflag:$0x1] =	stream.indirect.gather [hbm4b:s4+s23], $0x80, s3, s23, $0xb8;
	[tilespmem:$0x1DB00] =	vst v63  }
0x5a: {  	_ =	swait.ge [sflag:s26], $0x2800  }
0x5b: {  	[sflag:s26] =	ssyncset.done $0x0  }
0x5c: {  	s19 =	simm.s32 $0x27D0;
	[sflag:s26] =	ssyncadd.s32 $0xFFFFD800  }
0x5d: {  	[spmem:s2] =	stream.indirect.scatter.add.f32 [tilespmem:s24], [sflag:$0x4], $0x80, s19, s23, $0xb8;
	[tilespmem:$0x1DB00] =	vst v63  }
0x5e: {  	_ =	swait.ge [sflag:s21], $0x2800  }
0x5f: {  	[sflag:s21] =	ssyncset.done $0x0  }
0x60: {  	s1 =	simm.s32 $0xF0;
	s3 =	simm.s32 $0x280;
	[sflag:s21] =	ssyncadd.s32 $0xFFFFD800  }
.LBB2_4:
0x61: {  	[tilespmem:s24], [sflag:$0x2] =	stream.indirect.gather [hbm4b:s4+s23], $0x80, s1, s23, $0xb8;
	[tilespmem:$0x1DB00] =	vst v63  }
0x62: {  	s1 =	smov.u32 s3  }
0x63: {  	p0 =	sne.s32 s3, $0x9600;
	s3 =	sadd.s32 $0x280, s3;
	_ =	swait.ge [sflag:s25], $0x2800  }
0x64: {  	s1 =	sshra.s32 s1, $0x2;
	[sflag:s25] =	ssyncset.done $0x0  }
0x65: {  	s19 =	sadd.s32 $0x2780, s1;
	[sflag:s25] =	ssyncadd.s32 $0xFFFFD800  }
0x66: {  	[spmem:s2] =	stream.indirect.scatter.add.f32 [tilespmem:s20], [sflag:$0x4], $0x80, s19, s23, $0xb8;
	[tilespmem:$0x1DB00] =	vst v63  }
0x67: {  	_ =	swait.ge [sflag:s21], $0x2800  }
0x68: {  	[sflag:s21] =	ssyncset.done $0x0  }
0x69: {  	s19 =	sadd.s32 $0xA0, s1;
	[sflag:s21] =	ssyncadd.s32 $0xFFFFD800  }
0x6a: {  	[tilespmem:s20], [sflag:$0x1] =	stream.indirect.gather [hbm4b:s4+s23], $0x80, s19, s23, $0xb8;
	[tilespmem:$0x1DB00] =	vst v63  }
0x6b: {  	_ =	swait.ge [sflag:s26], $0x2800  }
0x6c: {  	[sflag:s26] =	ssyncset.done $0x0  }
.Ltmp1:
0x6d: {  	s19 =	sadd.s32 $0x27D0, s1;
	[sflag:s26] =	ssyncadd.s32 $0xFFFFD800;
	(pc) =	sbr.rel @p0 .LBB2_4-.Ltmp1, $4  }
0x6e: {  	[spmem:s2] =	stream.indirect.scatter.add.f32 [tilespmem:s24], [sflag:$0x4], $0x80, s19, s23, $0xb8;
	[tilespmem:$0x1DB00] =	vst v63  }
0x6f: {  	_ =	swait.ge [sflag:s21], $0x2800  }
0x70: {  	[sflag:s21] =	ssyncset.done $0x0  }
0x71: {  	s1 =	sadd.s32 $0xF0, s1;
	[sflag:s21] =	ssyncadd.s32 $0xFFFFD800  }
0x72: {  	[tilespmem:s24], [sflag:$0x2] =	stream.indirect.gather [hbm4b:s4+s23], $0x80, s1, s23, $0xb8;
	[tilespmem:$0x1DB00] =	vst v63  }
0x73: {  	_ =	swait.ge [sflag:s25], $0x2800  }
0x74: {  	[sflag:s25] =	ssyncset.done $0x0  }
0x75: {  	[sflag:s25] =	ssyncadd.s32 $0xFFFFD800  }
0x76: {  	[spmem:s2] =	stream.indirect.scatter.add.f32 [tilespmem:s20], [sflag:$0x4], $0x80, s28, s23, $0xb8;
	[tilespmem:$0x1DB00] =	vst v63  }
0x77: {  	_ =	swait.ge [sflag:s21], $0x2800  }
0x78: {  	[sflag:s21] =	ssyncset.done $0x0  }
0x79: {  	[sflag:s21] =	ssyncadd.s32 $0xFFFFD800  }
0x7a: {  	[tilespmem:s20], [sflag:$0x1] =	stream.indirect.gather [hbm4b:s4+s23], $0x80, s29, s23, $0xb8;
	[tilespmem:$0x1DB00] =	vst v63  }
0x7b: {  	_ =	swait.ge [sflag:s26], $0x2800  }
0x7c: {  	[sflag:s26] =	ssyncset.done $0x0  }
0x7d: {  	[sflag:s26] =	ssyncadd.s32 $0xFFFFD800  }
0x7e: {  	[spmem:s2] =	stream.indirect.scatter.add.f32 [tilespmem:s24], [sflag:$0x4], $0x80, s30, s23, $0xb8;
	[tilespmem:$0x1DB00] =	vst v63  }
0x7f: {  	_ =	swait.ge [sflag:s21], $0x2800  }
0x80: {  	[sflag:s21] =	ssyncset.done $0x0  }
0x81: {  	[sflag:s21] =	ssyncadd.s32 $0xFFFFD800  }
0x82: {  	_ =	swait.ge [sflag:s25], $0x2800  }
0x83: {  	[sflag:s25] =	ssyncset.done $0x0  }
0x84: {  	[sflag:s25] =	ssyncadd.s32 $0xFFFFD800  }
0x85: {  	[spmem:s2] =	stream.indirect.scatter.add.f32 [tilespmem:s20], [sflag:$0x4], $0x80, s31, s23, $0xb8;
	[tilespmem:$0x1DB00] =	vst v63  }
0x86: {  	s19 =	stileid.u32;
	_ =	swait.ge [sflag:s21], $0x2800  }
0x87: {  	s3 =	sshrl.u32 s7, $0x3;
	s0 =	sadd.s32 $0x1, s0;
	[sflag:s21] =	ssyncset.done $0x0  }
0x88: {  	s1 =	sshll.u32 s19, $0x6;
	p0 =	sne.s32 s0, s10;
	[sflag:s21] =	ssyncadd.s32 $0xFFFFD800  }
.Ltmp2:
0x89: {  	s1 =	sor.u32 $0x1C04, s1;
	[bflag:$0x0] =	sbarrier.arrive $0xFFFF;
	(pc) =	sbr.rel @p0 .LBB2_1-.Ltmp2, $4  }
0x8a: {  	[hbm:s9], [sflag:s1] =	dma.local [spmem:s3], $0x2780  }
0x8b: {  	_ =	swait.ge [sflag:s21], $0x2780  }
0x8c: {  	[sflag:s21] =	ssyncset.done $0x0  }
0x8d: {  	[sflag:s21] =	ssyncadd.s32 $0xFFFFD880  }
0x8e: {  	_ =	sfence.sel $0x180000  }
0x8f: {  	[bflag:$0x0] =	sbarrier.arrive $0xFFFF  }
0x90: {  	_ =	strace $0x90000050  }
0x91: {  	s0 =	stileid.u32;
	[bflag:$0x2] =	sbarrier.arrive $0xFFFF  }
0x92: {  	p0 =	sne.s32 s0, $0x0;
	s0 =	rddreg [dreg:$0x2]  }
0x93: {  	s0 =	sadd.s32 @!p0 $0x100000, s0  }
0x94: {  	[sflag:s0] =	ssyncadd.tile.s32 @!p0 $0x1;
	_ =	shalt  }
.Lfunc_end2:
_tile_overlayer_lowered:
.L_overlay_start_2:
0x95: {  	(tag) =	ssettag $0x2  }
0x96: {  	s0 =	rddreg [dreg:$0x0];
	s2 =	stileid.u32  }
0x97: {  	s1 =	rddreg [dreg:$0x1];
	p0 =	sne.s32 s2, $0x0  }
0x98: {  	s3 =	rddreg [dreg:$0x2];
	[bflag:$0x3] =	sbarrier.arrive $0xFFFF;
	s2 =	simm.s32 @!p0 $0x1C04  }
0x99: {  	[timem:s3], [sflag:s2] =	dma.local @!p0 [hbm:s0], s1  }
0x9a: {  	s0 =	simm.s32 @!p0 $0x4  }
0x9b: {  	_ =	swait.ge @!p0 [sflag:s0], s1  }
0x9c: {  	s1 =	ssub.s32 @!p0 $0x0, s1;
	[sflag:s0] =	ssyncset.done @!p0 $0x0  }
0x9d: {  	[sflag:s0] =	ssyncadd.s32 @!p0 s1  }
0x9e: {  	[bflag:$0x3] =	sbarrier.arrive $0xFFFF  }
0x9f: {  	_ =	shalt  }

</sc_bundles>
